<compile_context>
chip_gen: v7x
topology: tpu7x:2x2x1
jax: 0.10.2.dev20260603
libtpu: 0.0.44.dev20260713+nightly
codegen_flags: <defaults>
</compile_context>

<pallas_src>
import functools

import jax
import jax.numpy as jnp
from jax import lax
from jax.experimental import pallas as pl
from jax.experimental.pallas import tpu as pltpu
from jax.experimental.pallas import tpu_sc as plsc

H = 128
N = 10000
E = 320000
R2E = 2 * E
BN_EPS = 1e-5

NC, NS = 2, 16
NW = NC * NS
CH = 128
NCHUNK = R2E // CH
NK_CORE = -(-NCHUNK // NS)
NK_ALL = -(-NCHUNK // NW)
NT = 10240
NPT = NT // NS

BK = 6400
GSTEPS = R2E // BK


def _sc_scatter(edge_rep, inter, swap, znh, oneh):
    mesh = plsc.VectorSubcoreMesh(core_axis_name="c", subcore_axis_name="s")

    @functools.partial(
        pl.kernel,
        out_type=(
            jax.ShapeDtypeStruct((NT, H), jnp.float32),
            jax.ShapeDtypeStruct((NT, H), jnp.float32),
            jax.ShapeDtypeStruct((NT, H), jnp.float32),
            jax.ShapeDtypeStruct((NT, H), jnp.float32),
        ),
        mesh=mesh,
        scratch_types=[
            pltpu.VMEM_SHARED((NT, H), jnp.float32),
            pltpu.VMEM((CH, H), jnp.float32),
            pltpu.VMEM((CH, H), jnp.float32),
            pltpu.VMEM((CH,), jnp.int32),
            pltpu.VMEM((CH,), jnp.int32),
            pltpu.SemaphoreType.DMA,
            pltpu.SemaphoreType.DMA,
            pltpu.SemaphoreType.DMA,
            pltpu.SemaphoreType.DMA,
        ],
    )
    def k(er_hbm, inter_hbm, swap_hbm, znh_hbm, oneh_hbm,
          ns1_hbm, cross_hbm, dega_hbm, degb_hbm,
          tab_sh, vrows0, vrows1, vidx0, vidx1,
          sr0, sr1, si0, si1):
        c = lax.axis_index("c")
        s = lax.axis_index("s")
        wid = s * NC + c
        base = s * NPT
        vrows = vrows0

        def zero_table():
            pltpu.sync_copy(znh_hbm, vrows)
            for j in range(NPT // CH):
                pltpu.sync_copy(vrows, tab_sh.at[pl.ds(base + j * CH, CH)])

        zero_table()
        plsc.subcore_barrier()

        def make_row_phase(idx_hbm):
            bufs = ((vrows0, vidx0, sr0, si0), (vrows1, vidx1, sr1, si1))

            def start(mm, b):
                vr, vi, sr, si = bufs[b]

                @pl.when(mm < NCHUNK)
                def _():
                    r0 = mm * CH
                    pltpu.async_copy(er_hbm.at[pl.ds(r0, CH)], vr, sr)
                    pltpu.async_copy(idx_hbm.at[pl.ds(r0, CH)], vi, si)

            def finish(mm, b):
                vr, vi, sr, si = bufs[b]

                @pl.when(mm < NCHUNK)
                def _():
                    pltpu.make_async_copy(
                        er_hbm.at[pl.ds(0, CH)], vr, sr).wait()
                    pltpu.make_async_copy(
                        idx_hbm.at[pl.ds(0, CH)], vi, si).wait()
                    pltpu.sync_copy(vr, tab_sh.at[vi], add=True)

            def run():
                start(s, 0)

                def body(t2, carry):
                    m0 = s + (2 * t2) * NS
                    start(m0 + NS, 1)
                    finish(m0, 0)
                    start(m0 + 2 * NS, 0)
                    finish(m0 + NS, 1)
                    return carry

                lax.fori_loop(0, -(-NK_CORE // 2), body, 0)

            return run

        @pl.when(c == 0)
        def _():
            make_row_phase(inter_hbm)()

        @pl.when(c == 1)
        def _():
            make_row_phase(swap_hbm)()

        plsc.subcore_barrier()

        def write_table(dst_hbm):
            for j in range(NPT // CH):
                sl = pl.ds(base + j * CH, CH)
                pltpu.sync_copy(tab_sh.at[sl], vrows)
                pltpu.sync_copy(vrows, dst_hbm.at[sl])

        @pl.when(c == 0)
        def _():
            write_table(ns1_hbm)

        @pl.when(c == 1)
        def _():
            write_table(cross_hbm)

        plsc.subcore_barrier()
        zero_table()
        pltpu.sync_copy(oneh_hbm, vrows0)
        plsc.subcore_barrier()

        def make_deg_body(idx_hbm):
            def body(kk, carry):
                m = wid + kk * NW

                @pl.when(m < NCHUNK)
                def _():
                    r0 = m * CH
                    pltpu.sync_copy(idx_hbm.at[pl.ds(r0, CH)], vidx0)
                    pltpu.sync_copy(vrows0, tab_sh.at[vidx0], add=True)

                return carry

            return body

        @pl.when(c == 0)
        def _():
            lax.fori_loop(0, NK_ALL, make_deg_body(inter_hbm), 0)

        @pl.when(c == 1)
        def _():
            lax.fori_loop(0, NK_ALL, make_deg_body(swap_hbm), 0)

        plsc.subcore_barrier()

        @pl.when(c == 0)
        def _():
            write_table(dega_hbm)

        @pl.when(c == 1)
        def _():
            write_table(degb_hbm)

    return k(edge_rep, inter, swap, znh, oneh)


NRG = R2E
NCHUNK_G = NRG // CH
NKG = -(-NCHUNK_G // NW)


def _sc_gather(P, Q, inter, swap):
    mesh = plsc.VectorSubcoreMesh(core_axis_name="c", subcore_axis_name="s")

    @functools.partial(
        pl.kernel,
        out_type=jax.ShapeDtypeStruct((NRG, H), jnp.float32),
        mesh=mesh,
        scratch_types=[
            pltpu.VMEM((CH,), jnp.int32),
            pltpu.VMEM((CH,), jnp.int32),
            pltpu.VMEM((CH,), jnp.int32),
            pltpu.VMEM((CH,), jnp.int32),
            pltpu.VMEM((CH, H), jnp.float32),
            pltpu.VMEM((CH, H), jnp.float32),
            pltpu.VMEM((CH, H), jnp.float32),
            pltpu.VMEM((CH, H), jnp.float32),
            pltpu.SemaphoreType.DMA,
            pltpu.SemaphoreType.DMA,
            pltpu.SemaphoreType.DMA,
            pltpu.SemaphoreType.DMA,
        ],
    )
    def k(p_hbm, q_hbm, inter_hbm, swap_hbm, r_hbm,
          vidxa0, vidxb0, vidxa1, vidxb1, bufp0, bufq0, bufp1, bufq1,
          sema0, semb0, sema1, semb1):
        c = lax.axis_index("c")
        s = lax.axis_index("s")
        wid = s * NC + c
        bufs = ((vidxa0, vidxb0, bufp0, bufq0, sema0, semb0),
                (vidxa1, vidxb1, bufp1, bufq1, sema1, semb1))

        def start(mm, b):
            ia, ib, bp, bq, sa, sb = bufs[b]

            @pl.when(mm < NCHUNK_G)
            def _():
                r0 = mm * CH
                pltpu.sync_copy(inter_hbm.at[pl.ds(r0, CH)], ia)
                pltpu.sync_copy(swap_hbm.at[pl.ds(r0, CH)], ib)
                pltpu.async_copy(p_hbm.at[ia], bp, sa)
                pltpu.async_copy(q_hbm.at[ib], bq, sb)

        def finish(mm, b):
            ia, ib, bp, bq, sa, sb = bufs[b]

            @pl.when(mm < NCHUNK_G)
            def _():
                pltpu.make_async_copy(p_hbm.at[ia], bp, sa).wait()
                pltpu.make_async_copy(q_hbm.at[ib], bq, sb).wait()

                def addrow(r, cr):
                    for j in range(H // 16):
                        slj = pl.ds(j * 16, 16)
                        bp[r, slj] = bp[r, slj] + bq[r, slj]
                    return cr

                lax.fori_loop(0, CH, addrow, 0)
                pltpu.sync_copy(bp, r_hbm.at[pl.ds(mm * CH, CH)])

        start(wid, 0)

        def body(t2, carry):
            m0 = wid + (2 * t2) * NW
            start(m0 + NW, 1)
            finish(m0, 0)
            start(m0 + 2 * NW, 0)
            finish(m0 + NW, 1)
            return carry

        lax.fori_loop(0, -(-NKG // 2), body, 0)

    return k(P, Q, inter, swap)


def _node_body(ns1_ref, cross_ref, dega_ref, degb_ref, e0_ref,
               wc1_ref, wc12_ref, wa12_ref, p_ref, q_ref):
    ns1 = ns1_ref[...]
    dcol = jnp.dot(dega_ref[...] + degb_ref[...], e0_ref[...],
                   preferred_element_type=jnp.float32)
    p_ref[...] = (dcol *
                  jnp.dot(ns1, wc12_ref[...], preferred_element_type=jnp.float32)
                  + jnp.dot(cross_ref[...], wc1_ref[...],
                            preferred_element_type=jnp.float32))
    q_ref[...] = jnp.dot(ns1, wa12_ref[...], preferred_element_type=jnp.float32)


BNT = 2048


def _tc_node(ns1, cross, dega, degb, Wc1, Wc12, Wa12):
    e0 = jnp.zeros((H, 1), jnp.float32).at[0, 0].set(1.0)
    return pl.pallas_call(
        _node_body,
        grid=(NT // BNT,),
        in_specs=[
            pl.BlockSpec((BNT, H), lambda i: (i, 0)),
            pl.BlockSpec((BNT, H), lambda i: (i, 0)),
            pl.BlockSpec((BNT, H), lambda i: (i, 0)),
            pl.BlockSpec((BNT, H), lambda i: (i, 0)),
            pl.BlockSpec((H, 1), lambda i: (0, 0)),
            pl.BlockSpec((H, H), lambda i: (0, 0)),
            pl.BlockSpec((H, H), lambda i: (0, 0)),
            pl.BlockSpec((H, H), lambda i: (0, 0)),
        ],
        out_specs=(
            pl.BlockSpec((BNT, H), lambda i: (i, 0)),
            pl.BlockSpec((BNT, H), lambda i: (i, 0)),
        ),
        out_shape=(
            jax.ShapeDtypeStruct((NT, H), jnp.float32),
            jax.ShapeDtypeStruct((NT, H), jnp.float32),
        ),
        compiler_params=pltpu.CompilerParams(
            dimension_semantics=("parallel",)),
    )(ns1, cross, dega, degb, e0, Wc1, Wc12, Wa12)


def _p2_body(er_ref, r_ref, wa1_ref, b_ref, scale_ref,
             y_ref, sy_ref, gy_ref):
    i = pl.program_id(0)
    er = er_ref[...]
    y = (jnp.dot(er, wa1_ref[...], preferred_element_type=jnp.float32)
         + r_ref[...] + b_ref[...] + scale_ref[0, 0] * er)
    y_ref[...] = y.astype(jnp.bfloat16)

    @pl.when(i == 0)
    def _():
        sy_ref[...] = jnp.zeros_like(sy_ref)
        gy_ref[...] = jnp.zeros_like(gy_ref)

    sy_ref[...] += jnp.sum(y, axis=0, keepdims=True)
    gy_ref[...] += lax.dot_general(y, y, (((0,), (0,)), ((), ())),
                                   preferred_element_type=jnp.float32)


def _tc_p2(edge_rep, R, Wa1, b_lin, scale):
    return pl.pallas_call(
        _p2_body,
        grid=(GSTEPS,),
        in_specs=[
            pl.BlockSpec((BK, H), lambda i: (i, 0)),
            pl.BlockSpec((BK, H), lambda i: (i, 0)),
            pl.BlockSpec((H, H), lambda i: (0, 0)),
            pl.BlockSpec((1, H), lambda i: (0, 0)),
            pl.BlockSpec(memory_space=pltpu.SMEM),
        ],
        out_specs=(
            pl.BlockSpec((BK, H), lambda i: (i, 0)),
            pl.BlockSpec((1, H), lambda i: (0, 0)),
            pl.BlockSpec((H, H), lambda i: (0, 0)),
        ),
        out_shape=(
            jax.ShapeDtypeStruct((R2E, H), jnp.bfloat16),
            jax.ShapeDtypeStruct((1, H), jnp.float32),
            jax.ShapeDtypeStruct((H, H), jnp.float32),
        ),
        compiler_params=pltpu.CompilerParams(
            dimension_semantics=("arbitrary",)),
    )(edge_rep, R, Wa1, b_lin, scale)


def _stats_body(sum_ref, gram_ref, w_ref, gamma_ref, beta_ref, s_ref, t_ref):
    w = w_ref[...]
    inv_n = 1.0 / float(R2E)
    mu = jnp.dot(sum_ref[...], w, preferred_element_type=jnp.float32) * inv_n
    gw = jnp.dot(gram_ref[...], w, preferred_element_type=jnp.float32)
    e2 = jnp.sum(w * gw, axis=0, keepdims=True) * inv_n
    var = e2 - mu * mu
    s = gamma_ref[...] * lax.rsqrt(var + BN_EPS)
    s_ref[...] = s
    t_ref[...] = beta_ref[...] - mu * s


def _tc_stats(sum_v, gram, W, gamma, beta):
    d = W.shape[1]
    return pl.pallas_call(
        _stats_body,
        out_shape=(
            jax.ShapeDtypeStruct((1, d), jnp.float32),
            jax.ShapeDtypeStruct((1, d), jnp.float32),
        ),
    )(sum_v, gram, W, gamma, beta)


def _p3_body(y_ref, sy_ref, gy_ref, g1_ref, b1_ref, w1t_ref, w2t_ref,
             h3_ref, sh_ref, qh_ref, st_ref):
    i = pl.program_id(0)
    w1t = w1t_ref[...]

    @pl.when(i == 0)
    def _():
        inv_n = 1.0 / float(R2E)
        mu = jnp.dot(sy_ref[...], w1t,
                     preferred_element_type=jnp.float32) * inv_n
        gw = jnp.dot(gy_ref[...], w1t, preferred_element_type=jnp.float32)
        e2 = jnp.sum(w1t * gw, axis=0, keepdims=True) * inv_n
        var = e2 - mu * mu
        s1 = g1_ref[...] * lax.rsqrt(var + BN_EPS)
        st_ref[0:1] = s1
        st_ref[1:2] = b1_ref[...] - mu * s1
        sh_ref[...] = jnp.zeros_like(sh_ref)
        qh_ref[...] = jnp.zeros_like(qh_ref)

    h = jnp.dot(y_ref[...], w1t, preferred_element_type=jnp.float32)
    z = jnp.maximum(h * st_ref[0:1] + st_ref[1:2], 0.0)
    h3 = jnp.dot(z, w2t_ref[...], preferred_element_type=jnp.float32)
    h3_ref[...] = h3.astype(jnp.bfloat16)
    sh_ref[...] += jnp.sum(h3, axis=0, keepdims=True)
    qh_ref[...] += jnp.sum(h3 * h3, axis=0, keepdims=True)


def _tc_p3(y, sy, Gy, gamma1, beta1, W1t, W2t):
    return pl.pallas_call(
        _p3_body,
        grid=(GSTEPS,),
        in_specs=[
            pl.BlockSpec((BK, H), lambda i: (i, 0)),
            pl.BlockSpec((1, H), lambda i: (0, 0)),
            pl.BlockSpec((H, H), lambda i: (0, 0)),
            pl.BlockSpec((1, 2 * H), lambda i: (0, 0)),
            pl.BlockSpec((1, 2 * H), lambda i: (0, 0)),
            pl.BlockSpec((H, 2 * H), lambda i: (0, 0)),
            pl.BlockSpec((2 * H, H), lambda i: (0, 0)),
        ],
        out_specs=(
            pl.BlockSpec((BK, H), lambda i: (i, 0)),
            pl.BlockSpec((1, H), lambda i: (0, 0)),
            pl.BlockSpec((1, H), lambda i: (0, 0)),
        ),
        out_shape=(
            jax.ShapeDtypeStruct((R2E, H), jnp.bfloat16),
            jax.ShapeDtypeStruct((1, H), jnp.float32),
            jax.ShapeDtypeStruct((1, H), jnp.float32),
        ),
        scratch_shapes=[pltpu.VMEM((2, 2 * H), jnp.float32)],
        compiler_params=pltpu.CompilerParams(
            dimension_semantics=("arbitrary",)),
    )(y, sy, Gy, gamma1, beta1, W1t, W2t)


def _p4_body(h3_ref, sh_ref, qh_ref, g2_ref, b2_ref, out_ref, st_ref):
    i = pl.program_id(0)

    @pl.when(i == 0)
    def _():
        inv_n = 1.0 / float(R2E)
        mu = sh_ref[...] * inv_n
        var = qh_ref[...] * inv_n - mu * mu
        s2 = g2_ref[...] * lax.rsqrt(var + BN_EPS)
        st_ref[0:1] = s2
        st_ref[1:2] = b2_ref[...] - mu * s2

    h3 = h3_ref[...].astype(jnp.float32)
    out_ref[...] = jnp.maximum(h3 * st_ref[0:1] + st_ref[1:2], 0.0)


def _tc_p4(h3, sh, qh, gamma2, beta2):
    return pl.pallas_call(
        _p4_body,
        grid=(GSTEPS,),
        in_specs=[
            pl.BlockSpec((BK, H), lambda i: (i, 0)),
            pl.BlockSpec((1, H), lambda i: (0, 0)),
            pl.BlockSpec((1, H), lambda i: (0, 0)),
            pl.BlockSpec((1, H), lambda i: (0, 0)),
            pl.BlockSpec((1, H), lambda i: (0, 0)),
        ],
        out_specs=pl.BlockSpec((BK, H), lambda i: (i, 0)),
        out_shape=jax.ShapeDtypeStruct((R2E, H), jnp.float32),
        scratch_shapes=[pltpu.VMEM((2, H), jnp.float32)],
        compiler_params=pltpu.CompilerParams(
            dimension_semantics=("arbitrary",)),
    )(h3, sh, qh, gamma2, beta2)


def kernel(edge_rep, edge_index, W_lin, b_lin, W1, gamma1, beta1,
           W2, gamma2, beta2, eps):
    src = edge_index[0]
    dst = edge_index[1]
    inter = jnp.stack([src, dst], axis=1).reshape(-1)
    swap = jnp.stack([dst, src], axis=1).reshape(-1)

    Wt = W_lin.T
    Wa1, Wa2 = Wt[0:H], Wt[H:2 * H]
    Wb1, Wb2 = Wt[2 * H:3 * H], Wt[3 * H:4 * H]
    Wc1 = Wa1 + Wb1
    Wc12 = Wc1 + Wa2 + Wb2
    Wa12 = Wa1 + Wa2

    znh = jnp.zeros((CH, H), jnp.float32)
    oneh = jnp.ones((CH, H), jnp.float32)

    ns1, cross, dega, degb = _sc_scatter(edge_rep, inter, swap, znh, oneh)
    P, Q = _tc_node(ns1, cross, dega, degb, Wc1, Wc12, Wa12)
    R = _sc_gather(P, Q, inter, swap)

    scale = (1.0 + eps).reshape(1, 1)
    y, sy, Gy = _tc_p2(edge_rep, R, Wa1, b_lin.reshape(1, H), scale)

    W1t = W1.T
    W2t = W2.T
    h3, sh, qh = _tc_p3(y, sy, Gy, gamma1.reshape(1, -1),
                        beta1.reshape(1, -1), W1t, W2t)
    return _tc_p4(h3, sh, qh, gamma2.reshape(1, -1), beta2.reshape(1, -1))

# --- scband reference (transcript-rebuilt; emitter-appended) ---
"""Pipeline reference for scband-edge-edge-50869592655480 (READ-ONLY COPY).

The authoritative reference and input builder live on the scoring server;
editing this copy changes nothing except your own understanding.
"""

import jax, jax.numpy as jnp
import numpy as np

H = 128
N = 10000
E = 320000
BN_EPS = 1e-5


def setup_inputs(seed: int = 0) -> dict:
    key = jax.random.key(seed)
    ks = jax.random.split(key, 8)
    edge_rep = jax.random.normal(ks[0], (2 * E, H), dtype=jnp.float32)
    edge_index = jax.random.randint(ks[1], (2, E), 0, N, dtype=jnp.int32)
    W_lin = jax.random.normal(ks[2], (H, 4 * H), dtype=jnp.float32) * 0.02
    b_lin = jnp.zeros((H,), dtype=jnp.float32)
    W1 = jax.random.normal(ks[3], (2 * H, H), dtype=jnp.float32) * 0.05
    gamma1 = jnp.ones((2 * H,), dtype=jnp.float32)
    beta1 = jnp.zeros((2 * H,), dtype=jnp.float32)
    W2 = jax.random.normal(ks[4], (H, 2 * H), dtype=jnp.float32) * 0.05
    gamma2 = jnp.ones((H,), dtype=jnp.float32)
    beta2 = jnp.zeros((H,), dtype=jnp.float32)
    eps = jnp.asarray(0.1, dtype=jnp.float32)
    return {"edge_rep": edge_rep, "edge_index": edge_index, "W_lin": W_lin,
            "b_lin": b_lin, "W1": W1, "gamma1": gamma1, "beta1": beta1,
            "W2": W2, "gamma2": gamma2, "beta2": beta2, "eps": eps}


def _batchnorm(x, gamma, beta):
    mu = jnp.mean(x, axis=0, keepdims=True)
    var = jnp.mean((x - mu) ** 2, axis=0, keepdims=True)
    return (x - mu) / jnp.sqrt(var + BN_EPS) * gamma + beta


def _gather_edge_edge(A, src, dst):
    # A: [2E, d] 1st-order edge ptensor layer; row 2e = node src[e], row 2e+1 = node dst[e]
    d = A.shape[1]
    A_src = A[0::2]
    A_dst = A[1::2]
    nodes = jnp.concatenate([src, dst], axis=0)
    vals = jnp.concatenate([A_src, A_dst], axis=0)
    node_sum = jax.ops.segment_sum(vals, nodes, num_segments=N)
    # ptens gather1->1 over edge subgraph: channels double;
    # [reduce-over-intersection broadcast, restriction]; self-edge has |I|=2.
    B_src = jnp.concatenate([node_sum[src] + A_dst, node_sum[src]], axis=1)
    B_dst = jnp.concatenate([node_sum[dst] + A_src, node_sum[dst]], axis=1)
    B = jnp.stack([B_src, B_dst], axis=1).reshape(-1, 2 * d)
    return B


def reference(edge_rep, edge_index, W_lin, b_lin, W1, gamma1, beta1, W2, gamma2, beta2, eps):
    src = edge_index[0]
    dst = edge_index[1]
    e2e = _gather_edge_edge(edge_rep, src, dst)        # [2E, 2H]
    e2e = _gather_edge_edge(e2e, src, dst)             # [2E, 4H]
    x = e2e @ W_lin.T + b_lin                          # Linear(4H -> H)
    y = x + (1.0 + eps) * edge_rep
    h = y @ W1.T                                       # Linear(H -> 2H, no bias)
    h = jax.nn.relu(_batchnorm(h, gamma1, beta1))
    h = h @ W2.T                                       # Linear(2H -> H, no bias)
    h = jax.nn.relu(_batchnorm(h, gamma2, beta2))
    return h

if __name__ == "__main__":
    import jax
    _d = setup_inputs()
    print(jax.jit(kernel)(*tuple(_d.values())))

</pallas_src>

<mosaic_0001>
#map = affine_map<(d0, d1) -> (0, 0)>
#map1 = affine_map<(d0, d1) -> (0)>
module attributes {stable_mosaic.version = 14 : i64} {
  func.func @k(%arg0: i32, %arg1: i32, %arg2: memref<640000x128xf32, #tpu.memory_space<hbm>>, %arg3: memref<640000xi32, #tpu.memory_space<hbm>>, %arg4: memref<640000xi32, #tpu.memory_space<hbm>>, %arg5: memref<128x128xf32, #tpu.memory_space<hbm>>, %arg6: memref<128x128xf32, #tpu.memory_space<hbm>>, %arg7: memref<10240x128xf32, #tpu.memory_space<hbm>>, %arg8: memref<10240x128xf32, #tpu.memory_space<hbm>>, %arg9: memref<10240x128xf32, #tpu.memory_space<hbm>>, %arg10: memref<10240x128xf32, #tpu.memory_space<hbm>>, %arg11: memref<10240x128xf32, #tpu.memory_space<vmem_shared>>, %arg12: memref<128x128xf32, #tpu.memory_space<vmem>>, %arg13: memref<128x128xf32, #tpu.memory_space<vmem>>, %arg14: memref<128xi32, #tpu.memory_space<vmem>>, %arg15: memref<128xi32, #tpu.memory_space<vmem>>, %arg16: memref<!tpu.dma_semaphore, #tpu.memory_space<semaphore_mem>>, %arg17: memref<!tpu.dma_semaphore, #tpu.memory_space<semaphore_mem>>, %arg18: memref<!tpu.dma_semaphore, #tpu.memory_space<semaphore_mem>>, %arg19: memref<!tpu.dma_semaphore, #tpu.memory_space<semaphore_mem>>) attributes {dimension_semantics = [#tpu.dimension_semantics<core_parallel>, #tpu.dimension_semantics<subcore_parallel>], iteration_bounds = array<i64: 2, 16>, scalar_prefetch = 0 : i64, scratch_operands = 9 : i64, tpu.core_type = #tpu.core_type<sc_vector_subcore>, window_params = [{transform_indices = #map}, {transform_indices = #map1}, {transform_indices = #map1}, {transform_indices = #map}, {transform_indices = #map}, {transform_indices = #map}, {transform_indices = #map}, {transform_indices = #map}, {transform_indices = #map}]} {
    %mul3A = arith.constant 2 : i32
    %mul3A_0 = arith.muli %arg1, %mul3A : i32
    %add3A = arith.addi %mul3A_0, %arg0 : i32
    %mul3A_1 = arith.constant 640 : i32
    %mul3A_2 = arith.muli %arg1, %mul3A_1 : i32
    "tpu.region"() ({
      %run_scoped3A = tpu.sem_alloc : memref<!tpu.dma_semaphore, #tpu.memory_space<semaphore_mem>>
      tpu.enqueue_dma source(%arg5 : memref<128x128xf32, #tpu.memory_space<hbm>>) target(%arg12 : memref<128x128xf32, #tpu.memory_space<vmem>>) target_semaphore(%run_scoped3A : memref<!tpu.dma_semaphore, #tpu.memory_space<semaphore_mem>>)
      tpu.wait_dma2 semaphore(%run_scoped3A : memref<!tpu.dma_semaphore, #tpu.memory_space<semaphore_mem>>) src(%arg5 : memref<128x128xf32, #tpu.memory_space<hbm>>) dst(%arg12 : memref<128x128xf32, #tpu.memory_space<vmem>>)
      tpu.yield
    }) : () -> ()
    %add3A_3 = arith.constant 0 : i32
    %add3A_4 = arith.addi %mul3A_2, %add3A_3 : i32
    "tpu.region"() ({
      %run_scoped3A = tpu.sem_alloc : memref<!tpu.dma_semaphore, #tpu.memory_space<semaphore_mem>>
      %dma_start3A = arith.constant 0 : i32
      %dma_start3A_64 = tpu.memref_slice %arg11[%add3A_4, %dma_start3A] : memref<10240x128xf32, #tpu.memory_space<vmem_shared>> -> memref<128x128xf32, #tpu.memory_space<vmem_shared>>
      %dma_start3A_65 = arith.constant 0 : i32
      %dma_start3A_66 = tpu.memref_slice %arg11[%add3A_4, %dma_start3A_65] : memref<10240x128xf32, #tpu.memory_space<vmem_shared>> -> memref<128x128xf32, #tpu.memory_space<vmem_shared>>
      tpu.enqueue_dma source(%arg12 : memref<128x128xf32, #tpu.memory_space<vmem>>) target(%dma_start3A_66 : memref<128x128xf32, #tpu.memory_space<vmem_shared>>) target_semaphore(%run_scoped3A : memref<!tpu.dma_semaphore, #tpu.memory_space<semaphore_mem>>)
      %dma_wait3A = arith.constant 0 : i32
      %dma_wait3A_67 = tpu.memref_slice %arg11[%add3A_4, %dma_wait3A] : memref<10240x128xf32, #tpu.memory_space<vmem_shared>> -> memref<128x128xf32, #tpu.memory_space<vmem_shared>>
      %dma_wait3A_68 = arith.constant 0 : i32
      %dma_wait3A_69 = tpu.memref_slice %arg11[%add3A_4, %dma_wait3A_68] : memref<10240x128xf32, #tpu.memory_space<vmem_shared>> -> memref<128x128xf32, #tpu.memory_space<vmem_shared>>
      tpu.wait_dma2 semaphore(%run_scoped3A : memref<!tpu.dma_semaphore, #tpu.memory_space<semaphore_mem>>) src(%arg12 : memref<128x128xf32, #tpu.memory_space<vmem>>) dst(%dma_wait3A_69 : memref<128x128xf32, #tpu.memory_space<vmem_shared>>)
      tpu.yield
    }) : () -> ()
    %add3A_5 = arith.constant 128 : i32
    %add3A_6 = arith.addi %mul3A_2, %add3A_5 : i32
    "tpu.region"() ({
      %run_scoped3A = tpu.sem_alloc : memref<!tpu.dma_semaphore, #tpu.memory_space<semaphore_mem>>
      %dma_start3A = arith.constant 0 : i32
      %dma_start3A_64 = tpu.memref_slice %arg11[%add3A_6, %dma_start3A] : memref<10240x128xf32, #tpu.memory_space<vmem_shared>> -> memref<128x128xf32, #tpu.memory_space<vmem_shared>>
      %dma_start3A_65 = arith.constant 0 : i32
      %dma_start3A_66 = tpu.memref_slice %arg11[%add3A_6, %dma_start3A_65] : memref<10240x128xf32, #tpu.memory_space<vmem_shared>> -> memref<128x128xf32, #tpu.memory_space<vmem_shared>>
      tpu.enqueue_dma source(%arg12 : memref<128x128xf32, #tpu.memory_space<vmem>>) target(%dma_start3A_66 : memref<128x128xf32, #tpu.memory_space<vmem_shared>>) target_semaphore(%run_scoped3A : memref<!tpu.dma_semaphore, #tpu.memory_space<semaphore_mem>>)
      %dma_wait3A = arith.constant 0 : i32
      %dma_wait3A_67 = tpu.memref_slice %arg11[%add3A_6, %dma_wait3A] : memref<10240x128xf32, #tpu.memory_space<vmem_shared>> -> memref<128x128xf32, #tpu.memory_space<vmem_shared>>
      %dma_wait3A_68 = arith.constant 0 : i32
      %dma_wait3A_69 = tpu.memref_slice %arg11[%add3A_6, %dma_wait3A_68] : memref<10240x128xf32, #tpu.memory_space<vmem_shared>> -> memref<128x128xf32, #tpu.memory_space<vmem_shared>>
      tpu.wait_dma2 semaphore(%run_scoped3A : memref<!tpu.dma_semaphore, #tpu.memory_space<semaphore_mem>>) src(%arg12 : memref<128x128xf32, #tpu.memory_space<vmem>>) dst(%dma_wait3A_69 : memref<128x128xf32, #tpu.memory_space<vmem_shared>>)
      tpu.yield
    }) : () -> ()
    %add3A_7 = arith.constant 256 : i32
    %add3A_8 = arith.addi %mul3A_2, %add3A_7 : i32
    "tpu.region"() ({
      %run_scoped3A = tpu.sem_alloc : memref<!tpu.dma_semaphore, #tpu.memory_space<semaphore_mem>>
      %dma_start3A = arith.constant 0 : i32
      %dma_start3A_64 = tpu.memref_slice %arg11[%add3A_8, %dma_start3A] : memref<10240x128xf32, #tpu.memory_space<vmem_shared>> -> memref<128x128xf32, #tpu.memory_space<vmem_shared>>
      %dma_start3A_65 = arith.constant 0 : i32
      %dma_start3A_66 = tpu.memref_slice %arg11[%add3A_8, %dma_start3A_65] : memref<10240x128xf32, #tpu.memory_space<vmem_shared>> -> memref<128x128xf32, #tpu.memory_space<vmem_shared>>
      tpu.enqueue_dma source(%arg12 : memref<128x128xf32, #tpu.memory_space<vmem>>) target(%dma_start3A_66 : memref<128x128xf32, #tpu.memory_space<vmem_shared>>) target_semaphore(%run_scoped3A : memref<!tpu.dma_semaphore, #tpu.memory_space<semaphore_mem>>)
      %dma_wait3A = arith.constant 0 : i32
      %dma_wait3A_67 = tpu.memref_slice %arg11[%add3A_8, %dma_wait3A] : memref<10240x128xf32, #tpu.memory_space<vmem_shared>> -> memref<128x128xf32, #tpu.memory_space<vmem_shared>>
      %dma_wait3A_68 = arith.constant 0 : i32
      %dma_wait3A_69 = tpu.memref_slice %arg11[%add3A_8, %dma_wait3A_68] : memref<10240x128xf32, #tpu.memory_space<vmem_shared>> -> memref<128x128xf32, #tpu.memory_space<vmem_shared>>
      tpu.wait_dma2 semaphore(%run_scoped3A : memref<!tpu.dma_semaphore, #tpu.memory_space<semaphore_mem>>) src(%arg12 : memref<128x128xf32, #tpu.memory_space<vmem>>) dst(%dma_wait3A_69 : memref<128x128xf32, #tpu.memory_space<vmem_shared>>)
      tpu.yield
    }) : () -> ()
    %add3A_9 = arith.constant 384 : i32
    %add3A_10 = arith.addi %mul3A_2, %add3A_9 : i32
    "tpu.region"() ({
      %run_scoped3A = tpu.sem_alloc : memref<!tpu.dma_semaphore, #tpu.memory_space<semaphore_mem>>
      %dma_start3A = arith.constant 0 : i32
      %dma_start3A_64 = tpu.memref_slice %arg11[%add3A_10, %dma_start3A] : memref<10240x128xf32, #tpu.memory_space<vmem_shared>> -> memref<128x128xf32, #tpu.memory_space<vmem_shared>>
      %dma_start3A_65 = arith.constant 0 : i32
      %dma_start3A_66 = tpu.memref_slice %arg11[%add3A_10, %dma_start3A_65] : memref<10240x128xf32, #tpu.memory_space<vmem_shared>> -> memref<128x128xf32, #tpu.memory_space<vmem_shared>>
      tpu.enqueue_dma source(%arg12 : memref<128x128xf32, #tpu.memory_space<vmem>>) target(%dma_start3A_66 : memref<128x128xf32, #tpu.memory_space<vmem_shared>>) target_semaphore(%run_scoped3A : memref<!tpu.dma_semaphore, #tpu.memory_space<semaphore_mem>>)
      %dma_wait3A = arith.constant 0 : i32
      %dma_wait3A_67 = tpu.memref_slice %arg11[%add3A_10, %dma_wait3A] : memref<10240x128xf32, #tpu.memory_space<vmem_shared>> -> memref<128x128xf32, #tpu.memory_space<vmem_shared>>
      %dma_wait3A_68 = arith.constant 0 : i32
      %dma_wait3A_69 = tpu.memref_slice %arg11[%add3A_10, %dma_wait3A_68] : memref<10240x128xf32, #tpu.memory_space<vmem_shared>> -> memref<128x128xf32, #tpu.memory_space<vmem_shared>>
      tpu.wait_dma2 semaphore(%run_scoped3A : memref<!tpu.dma_semaphore, #tpu.memory_space<semaphore_mem>>) src(%arg12 : memref<128x128xf32, #tpu.memory_space<vmem>>) dst(%dma_wait3A_69 : memref<128x128xf32, #tpu.memory_space<vmem_shared>>)
      tpu.yield
    }) : () -> ()
    %add3A_11 = arith.constant 512 : i32
    %add3A_12 = arith.addi %mul3A_2, %add3A_11 : i32
    "tpu.region"() ({
      %run_scoped3A = tpu.sem_alloc : memref<!tpu.dma_semaphore, #tpu.memory_space<semaphore_mem>>
      %dma_start3A = arith.constant 0 : i32
      %dma_start3A_64 = tpu.memref_slice %arg11[%add3A_12, %dma_start3A] : memref<10240x128xf32, #tpu.memory_space<vmem_shared>> -> memref<128x128xf32, #tpu.memory_space<vmem_shared>>
      %dma_start3A_65 = arith.constant 0 : i32
      %dma_start3A_66 = tpu.memref_slice %arg11[%add3A_12, %dma_start3A_65] : memref<10240x128xf32, #tpu.memory_space<vmem_shared>> -> memref<128x128xf32, #tpu.memory_space<vmem_shared>>
      tpu.enqueue_dma source(%arg12 : memref<128x128xf32, #tpu.memory_space<vmem>>) target(%dma_start3A_66 : memref<128x128xf32, #tpu.memory_space<vmem_shared>>) target_semaphore(%run_scoped3A : memref<!tpu.dma_semaphore, #tpu.memory_space<semaphore_mem>>)
      %dma_wait3A = arith.constant 0 : i32
      %dma_wait3A_67 = tpu.memref_slice %arg11[%add3A_12, %dma_wait3A] : memref<10240x128xf32, #tpu.memory_space<vmem_shared>> -> memref<128x128xf32, #tpu.memory_space<vmem_shared>>
      %dma_wait3A_68 = arith.constant 0 : i32
      %dma_wait3A_69 = tpu.memref_slice %arg11[%add3A_12, %dma_wait3A_68] : memref<10240x128xf32, #tpu.memory_space<vmem_shared>> -> memref<128x128xf32, #tpu.memory_space<vmem_shared>>
      tpu.wait_dma2 semaphore(%run_scoped3A : memref<!tpu.dma_semaphore, #tpu.memory_space<semaphore_mem>>) src(%arg12 : memref<128x128xf32, #tpu.memory_space<vmem>>) dst(%dma_wait3A_69 : memref<128x128xf32, #tpu.memory_space<vmem_shared>>)
      tpu.yield
    }) : () -> ()
    %barrier3A = arith.constant 0 : index
    tpu.barrier barrier_id(%barrier3A)
    %eq3A = arith.constant 0 : i32
    %eq3A_13 = arith.cmpi eq, %arg0, %eq3A : i32
    %convert_element_type3A = arith.extui %eq3A_13 : i1 to i32
    %cond3A = arith.constant 0 : i32
    %cond3A_14 = arith.cmpi ne, %convert_element_type3A, %cond3A : i32
    scf.if %cond3A_14 {
      %lt3A = arith.constant 5000 : i32
      %lt3A_64 = arith.cmpi slt, %arg1, %lt3A : i32
      %convert_element_type3A_65 = arith.extui %lt3A_64 : i1 to i32
      %cond3A_66 = arith.constant 0 : i32
      %cond3A_67 = arith.cmpi ne, %convert_element_type3A_65, %cond3A_66 : i32
      scf.if %cond3A_67 {
        %mul3A_73 = arith.constant 128 : i32
        %mul3A_74 = arith.muli %arg1, %mul3A_73 : i32
        %dma_start3A = arith.constant 0 : i32
        %dma_start3A_75 = tpu.memref_slice %arg2[%mul3A_74, %dma_start3A] : memref<640000x128xf32, #tpu.memory_space<hbm>> -> memref<128x128xf32, #tpu.memory_space<hbm>>
        %dma_start3A_76 = arith.constant 0 : i32
        %dma_start3A_77 = tpu.memref_slice %arg2[%mul3A_74, %dma_start3A_76] : memref<640000x128xf32, #tpu.memory_space<hbm>> -> memref<128x128xf32, #tpu.memory_space<hbm>>
        tpu.enqueue_dma source(%dma_start3A_77 : memref<128x128xf32, #tpu.memory_space<hbm>>) target(%arg12 : memref<128x128xf32, #tpu.memory_space<vmem>>) target_semaphore(%arg16 : memref<!tpu.dma_semaphore, #tpu.memory_space<semaphore_mem>>)
        %dma_start3A_78 = tpu.memref_slice %arg3[%mul3A_74] : memref<640000xi32, #tpu.memory_space<hbm>> -> memref<128xi32, #tpu.memory_space<hbm>>
        %dma_start3A_79 = tpu.memref_slice %arg3[%mul3A_74] : memref<640000xi32, #tpu.memory_space<hbm>> -> memref<128xi32, #tpu.memory_space<hbm>>
        tpu.enqueue_dma source(%dma_start3A_79 : memref<128xi32, #tpu.memory_space<hbm>>) target(%arg14 : memref<128xi32, #tpu.memory_space<vmem>>) target_semaphore(%arg18 : memref<!tpu.dma_semaphore, #tpu.memory_space<semaphore_mem>>)
      } else {
      }
      %scan3A = arith.constant 0 : i32
      %scan3A_68 = arith.constant 0 : i32
      %scan3A_69 = arith.constant 157 : i32
      %scan3A_70 = arith.addi %scan3A_68, %scan3A_69 : i32
      %scan3A_71 = arith.constant 1 : i32
      scf.for %scan3A_73 = %scan3A_68 to %scan3A_70 step %scan3A_71  : i32 {
        %mul3A_74 = arith.constant 2 : i32
        %mul3A_75 = arith.muli %mul3A_74, %scan3A_73 : i32
        %mul3A_76 = arith.constant 16 : i32
        %mul3A_77 = arith.muli %mul3A_75, %mul3A_76 : i32
        %add3A_78 = arith.addi %arg1, %mul3A_77 : i32
        %add3A_79 = arith.constant 16 : i32
        %add3A_80 = arith.addi %add3A_78, %add3A_79 : i32
        %lt3A_81 = arith.constant 5000 : i32
        %lt3A_82 = arith.cmpi slt, %add3A_80, %lt3A_81 : i32
        %convert_element_type3A_83 = arith.extui %lt3A_82 : i1 to i32
        %cond3A_84 = arith.constant 0 : i32
        %cond3A_85 = arith.cmpi ne, %convert_element_type3A_83, %cond3A_84 : i32
        scf.if %cond3A_85 {
          %mul3A_105 = arith.constant 128 : i32
          %mul3A_106 = arith.muli %add3A_80, %mul3A_105 : i32
          %dma_start3A = arith.constant 0 : i32
          %dma_start3A_107 = tpu.memref_slice %arg2[%mul3A_106, %dma_start3A] : memref<640000x128xf32, #tpu.memory_space<hbm>> -> memref<128x128xf32, #tpu.memory_space<hbm>>
          %dma_start3A_108 = arith.constant 0 : i32
          %dma_start3A_109 = tpu.memref_slice %arg2[%mul3A_106, %dma_start3A_108] : memref<640000x128xf32, #tpu.memory_space<hbm>> -> memref<128x128xf32, #tpu.memory_space<hbm>>
          tpu.enqueue_dma source(%dma_start3A_109 : memref<128x128xf32, #tpu.memory_space<hbm>>) target(%arg13 : memref<128x128xf32, #tpu.memory_space<vmem>>) target_semaphore(%arg17 : memref<!tpu.dma_semaphore, #tpu.memory_space<semaphore_mem>>)
          %dma_start3A_110 = tpu.memref_slice %arg3[%mul3A_106] : memref<640000xi32, #tpu.memory_space<hbm>> -> memref<128xi32, #tpu.memory_space<hbm>>
          %dma_start3A_111 = tpu.memref_slice %arg3[%mul3A_106] : memref<640000xi32, #tpu.memory_space<hbm>> -> memref<128xi32, #tpu.memory_space<hbm>>
          tpu.enqueue_dma source(%dma_start3A_111 : memref<128xi32, #tpu.memory_space<hbm>>) target(%arg15 : memref<128xi32, #tpu.memory_space<vmem>>) target_semaphore(%arg19 : memref<!tpu.dma_semaphore, #tpu.memory_space<semaphore_mem>>)
        } else {
        }
        %lt3A_86 = arith.constant 5000 : i32
        %lt3A_87 = arith.cmpi slt, %add3A_78, %lt3A_86 : i32
        %convert_element_type3A_88 = arith.extui %lt3A_87 : i1 to i32
        %cond3A_89 = arith.constant 0 : i32
        %cond3A_90 = arith.cmpi ne, %convert_element_type3A_88, %cond3A_89 : i32
        scf.if %cond3A_90 {
          %dma_wait3A = arith.constant 0 : i32
          %dma_wait3A_105 = arith.constant 0 : i32
          %dma_wait3A_106 = tpu.memref_slice %arg2[%dma_wait3A, %dma_wait3A_105] : memref<640000x128xf32, #tpu.memory_space<hbm>> -> memref<128x128xf32, #tpu.memory_space<hbm>>
          %dma_wait3A_107 = arith.constant 0 : i32
          %dma_wait3A_108 = arith.constant 0 : i32
          %dma_wait3A_109 = tpu.memref_slice %arg2[%dma_wait3A_107, %dma_wait3A_108] : memref<640000x128xf32, #tpu.memory_space<hbm>> -> memref<128x128xf32, #tpu.memory_space<hbm>>
          tpu.wait_dma2 semaphore(%arg16 : memref<!tpu.dma_semaphore, #tpu.memory_space<semaphore_mem>>) src(%dma_wait3A_109 : memref<128x128xf32, #tpu.memory_space<hbm>>) dst(%arg12 : memref<128x128xf32, #tpu.memory_space<vmem>>)
          %dma_wait3A_110 = arith.constant 0 : i32
          %dma_wait3A_111 = tpu.memref_slice %arg3[%dma_wait3A_110] : memref<640000xi32, #tpu.memory_space<hbm>> -> memref<128xi32, #tpu.memory_space<hbm>>
          %dma_wait3A_112 = arith.constant 0 : i32
          %dma_wait3A_113 = tpu.memref_slice %arg3[%dma_wait3A_112] : memref<640000xi32, #tpu.memory_space<hbm>> -> memref<128xi32, #tpu.memory_space<hbm>>
          tpu.wait_dma2 semaphore(%arg18 : memref<!tpu.dma_semaphore, #tpu.memory_space<semaphore_mem>>) src(%dma_wait3A_113 : memref<128xi32, #tpu.memory_space<hbm>>) dst(%arg14 : memref<128xi32, #tpu.memory_space<vmem>>)
          "tpu.region"() ({
            %run_scoped3A = tpu.sem_alloc : memref<!tpu.dma_semaphore, #tpu.memory_space<semaphore_mem>>
            %dma_start3A = arith.constant 0 : i32
            %dma_start3A_114 = arith.constant 0 : i32
            %dma_start3A_115 = tpu.memref_slice %arg11[%dma_start3A, %dma_start3A_114] : memref<10240x128xf32, #tpu.memory_space<vmem_shared>> -> memref<10240x128xf32, #tpu.memory_space<vmem_shared>>
            tpu.enqueue_indirect_dma source(%arg12 : memref<128x128xf32, #tpu.memory_space<vmem>>) target(%dma_start3A_115 : memref<10240x128xf32, #tpu.memory_space<vmem_shared>>) offsets(%arg14 : memref<128xi32, #tpu.memory_space<vmem>>) semaphore(%run_scoped3A : memref<!tpu.dma_semaphore, #tpu.memory_space<semaphore_mem>>) {add = true}
            %dma_wait3A_116 = arith.constant 0 : i32
            %dma_wait3A_117 = arith.constant 0 : i32
            %dma_wait3A_118 = tpu.memref_slice %arg11[%dma_wait3A_116, %dma_wait3A_117] : memref<10240x128xf32, #tpu.memory_space<vmem_shared>> -> memref<10240x128xf32, #tpu.memory_space<vmem_shared>>
            tpu.wait_indirect_dma semaphore(%run_scoped3A : memref<!tpu.dma_semaphore, #tpu.memory_space<semaphore_mem>>) src(%arg12 : memref<128x128xf32, #tpu.memory_space<vmem>>) dst(%dma_wait3A_118 : memref<10240x128xf32, #tpu.memory_space<vmem_shared>>)
            tpu.yield
          }) : () -> ()
        } else {
        }
        %add3A_91 = arith.constant 32 : i32
        %add3A_92 = arith.addi %add3A_78, %add3A_91 : i32
        %lt3A_93 = arith.constant 5000 : i32
        %lt3A_94 = arith.cmpi slt, %add3A_92, %lt3A_93 : i32
        %convert_element_type3A_95 = arith.extui %lt3A_94 : i1 to i32
        %cond3A_96 = arith.constant 0 : i32
        %cond3A_97 = arith.cmpi ne, %convert_element_type3A_95, %cond3A_96 : i32
        scf.if %cond3A_97 {
          %mul3A_105 = arith.constant 128 : i32
          %mul3A_106 = arith.muli %add3A_92, %mul3A_105 : i32
          %dma_start3A = arith.constant 0 : i32
          %dma_start3A_107 = tpu.memref_slice %arg2[%mul3A_106, %dma_start3A] : memref<640000x128xf32, #tpu.memory_space<hbm>> -> memref<128x128xf32, #tpu.memory_space<hbm>>
          %dma_start3A_108 = arith.constant 0 : i32
          %dma_start3A_109 = tpu.memref_slice %arg2[%mul3A_106, %dma_start3A_108] : memref<640000x128xf32, #tpu.memory_space<hbm>> -> memref<128x128xf32, #tpu.memory_space<hbm>>
          tpu.enqueue_dma source(%dma_start3A_109 : memref<128x128xf32, #tpu.memory_space<hbm>>) target(%arg12 : memref<128x128xf32, #tpu.memory_space<vmem>>) target_semaphore(%arg16 : memref<!tpu.dma_semaphore, #tpu.memory_space<semaphore_mem>>)
          %dma_start3A_110 = tpu.memref_slice %arg3[%mul3A_106] : memref<640000xi32, #tpu.memory_space<hbm>> -> memref<128xi32, #tpu.memory_space<hbm>>
          %dma_start3A_111 = tpu.memref_slice %arg3[%mul3A_106] : memref<640000xi32, #tpu.memory_space<hbm>> -> memref<128xi32, #tpu.memory_space<hbm>>
          tpu.enqueue_dma source(%dma_start3A_111 : memref<128xi32, #tpu.memory_space<hbm>>) target(%arg14 : memref<128xi32, #tpu.memory_space<vmem>>) target_semaphore(%arg18 : memref<!tpu.dma_semaphore, #tpu.memory_space<semaphore_mem>>)
        } else {
        }
        %add3A_98 = arith.constant 16 : i32
        %add3A_99 = arith.addi %add3A_78, %add3A_98 : i32
        %lt3A_100 = arith.constant 5000 : i32
        %lt3A_101 = arith.cmpi slt, %add3A_99, %lt3A_100 : i32
        %convert_element_type3A_102 = arith.extui %lt3A_101 : i1 to i32
        %cond3A_103 = arith.constant 0 : i32
        %cond3A_104 = arith.cmpi ne, %convert_element_type3A_102, %cond3A_103 : i32
        scf.if %cond3A_104 {
          %dma_wait3A = arith.constant 0 : i32
          %dma_wait3A_105 = arith.constant 0 : i32
          %dma_wait3A_106 = tpu.memref_slice %arg2[%dma_wait3A, %dma_wait3A_105] : memref<640000x128xf32, #tpu.memory_space<hbm>> -> memref<128x128xf32, #tpu.memory_space<hbm>>
          %dma_wait3A_107 = arith.constant 0 : i32
          %dma_wait3A_108 = arith.constant 0 : i32
          %dma_wait3A_109 = tpu.memref_slice %arg2[%dma_wait3A_107, %dma_wait3A_108] : memref<640000x128xf32, #tpu.memory_space<hbm>> -> memref<128x128xf32, #tpu.memory_space<hbm>>
          tpu.wait_dma2 semaphore(%arg17 : memref<!tpu.dma_semaphore, #tpu.memory_space<semaphore_mem>>) src(%dma_wait3A_109 : memref<128x128xf32, #tpu.memory_space<hbm>>) dst(%arg13 : memref<128x128xf32, #tpu.memory_space<vmem>>)
          %dma_wait3A_110 = arith.constant 0 : i32
          %dma_wait3A_111 = tpu.memref_slice %arg3[%dma_wait3A_110] : memref<640000xi32, #tpu.memory_space<hbm>> -> memref<128xi32, #tpu.memory_space<hbm>>
          %dma_wait3A_112 = arith.constant 0 : i32
          %dma_wait3A_113 = tpu.memref_slice %arg3[%dma_wait3A_112] : memref<640000xi32, #tpu.memory_space<hbm>> -> memref<128xi32, #tpu.memory_space<hbm>>
          tpu.wait_dma2 semaphore(%arg19 : memref<!tpu.dma_semaphore, #tpu.memory_space<semaphore_mem>>) src(%dma_wait3A_113 : memref<128xi32, #tpu.memory_space<hbm>>) dst(%arg15 : memref<128xi32, #tpu.memory_space<vmem>>)
          "tpu.region"() ({
            %run_scoped3A = tpu.sem_alloc : memref<!tpu.dma_semaphore, #tpu.memory_space<semaphore_mem>>
            %dma_start3A = arith.constant 0 : i32
            %dma_start3A_114 = arith.constant 0 : i32
            %dma_start3A_115 = tpu.memref_slice %arg11[%dma_start3A, %dma_start3A_114] : memref<10240x128xf32, #tpu.memory_space<vmem_shared>> -> memref<10240x128xf32, #tpu.memory_space<vmem_shared>>
            tpu.enqueue_indirect_dma source(%arg13 : memref<128x128xf32, #tpu.memory_space<vmem>>) target(%dma_start3A_115 : memref<10240x128xf32, #tpu.memory_space<vmem_shared>>) offsets(%arg15 : memref<128xi32, #tpu.memory_space<vmem>>) semaphore(%run_scoped3A : memref<!tpu.dma_semaphore, #tpu.memory_space<semaphore_mem>>) {add = true}
            %dma_wait3A_116 = arith.constant 0 : i32
            %dma_wait3A_117 = arith.constant 0 : i32
            %dma_wait3A_118 = tpu.memref_slice %arg11[%dma_wait3A_116, %dma_wait3A_117] : memref<10240x128xf32, #tpu.memory_space<vmem_shared>> -> memref<10240x128xf32, #tpu.memory_space<vmem_shared>>
            tpu.wait_indirect_dma semaphore(%run_scoped3A : memref<!tpu.dma_semaphore, #tpu.memory_space<semaphore_mem>>) src(%arg13 : memref<128x128xf32, #tpu.memory_space<vmem>>) dst(%dma_wait3A_118 : memref<10240x128xf32, #tpu.memory_space<vmem_shared>>)
            tpu.yield
          }) : () -> ()
        } else {
        }
      }
      %scan3A_72 = arith.constant 157 : i32
    } else {
    }
    %eq3A_15 = arith.constant 1 : i32
    %eq3A_16 = arith.cmpi eq, %arg0, %eq3A_15 : i32
    %convert_element_type3A_17 = arith.extui %eq3A_16 : i1 to i32
    %cond3A_18 = arith.constant 0 : i32
    %cond3A_19 = arith.cmpi ne, %convert_element_type3A_17, %cond3A_18 : i32
    scf.if %cond3A_19 {
      %lt3A = arith.constant 5000 : i32
      %lt3A_64 = arith.cmpi slt, %arg1, %lt3A : i32
      %convert_element_type3A_65 = arith.extui %lt3A_64 : i1 to i32
      %cond3A_66 = arith.constant 0 : i32
      %cond3A_67 = arith.cmpi ne, %convert_element_type3A_65, %cond3A_66 : i32
      scf.if %cond3A_67 {
        %mul3A_73 = arith.constant 128 : i32
        %mul3A_74 = arith.muli %arg1, %mul3A_73 : i32
        %dma_start3A = arith.constant 0 : i32
        %dma_start3A_75 = tpu.memref_slice %arg2[%mul3A_74, %dma_start3A] : memref<640000x128xf32, #tpu.memory_space<hbm>> -> memref<128x128xf32, #tpu.memory_space<hbm>>
        %dma_start3A_76 = arith.constant 0 : i32
        %dma_start3A_77 = tpu.memref_slice %arg2[%mul3A_74, %dma_start3A_76] : memref<640000x128xf32, #tpu.memory_space<hbm>> -> memref<128x128xf32, #tpu.memory_space<hbm>>
        tpu.enqueue_dma source(%dma_start3A_77 : memref<128x128xf32, #tpu.memory_space<hbm>>) target(%arg12 : memref<128x128xf32, #tpu.memory_space<vmem>>) target_semaphore(%arg16 : memref<!tpu.dma_semaphore, #tpu.memory_space<semaphore_mem>>)
        %dma_start3A_78 = tpu.memref_slice %arg4[%mul3A_74] : memref<640000xi32, #tpu.memory_space<hbm>> -> memref<128xi32, #tpu.memory_space<hbm>>
        %dma_start3A_79 = tpu.memref_slice %arg4[%mul3A_74] : memref<640000xi32, #tpu.memory_space<hbm>> -> memref<128xi32, #tpu.memory_space<hbm>>
        tpu.enqueue_dma source(%dma_start3A_79 : memref<128xi32, #tpu.memory_space<hbm>>) target(%arg14 : memref<128xi32, #tpu.memory_space<vmem>>) target_semaphore(%arg18 : memref<!tpu.dma_semaphore, #tpu.memory_space<semaphore_mem>>)
      } else {
      }
      %scan3A = arith.constant 0 : i32
      %scan3A_68 = arith.constant 0 : i32
      %scan3A_69 = arith.constant 157 : i32
      %scan3A_70 = arith.addi %scan3A_68, %scan3A_69 : i32
      %scan3A_71 = arith.constant 1 : i32
      scf.for %scan3A_73 = %scan3A_68 to %scan3A_70 step %scan3A_71  : i32 {
        %mul3A_74 = arith.constant 2 : i32
        %mul3A_75 = arith.muli %mul3A_74, %scan3A_73 : i32
        %mul3A_76 = arith.constant 16 : i32
        %mul3A_77 = arith.muli %mul3A_75, %mul3A_76 : i32
        %add3A_78 = arith.addi %arg1, %mul3A_77 : i32
        %add3A_79 = arith.constant 16 : i32
        %add3A_80 = arith.addi %add3A_78, %add3A_79 : i32
        %lt3A_81 = arith.constant 5000 : i32
        %lt3A_82 = arith.cmpi slt, %add3A_80, %lt3A_81 : i32
        %convert_element_type3A_83 = arith.extui %lt3A_82 : i1 to i32
        %cond3A_84 = arith.constant 0 : i32
        %cond3A_85 = arith.cmpi ne, %convert_element_type3A_83, %cond3A_84 : i32
        scf.if %cond3A_85 {
          %mul3A_105 = arith.constant 128 : i32
          %mul3A_106 = arith.muli %add3A_80, %mul3A_105 : i32
          %dma_start3A = arith.constant 0 : i32
          %dma_start3A_107 = tpu.memref_slice %arg2[%mul3A_106, %dma_start3A] : memref<640000x128xf32, #tpu.memory_space<hbm>> -> memref<128x128xf32, #tpu.memory_space<hbm>>
          %dma_start3A_108 = arith.constant 0 : i32
          %dma_start3A_109 = tpu.memref_slice %arg2[%mul3A_106, %dma_start3A_108] : memref<640000x128xf32, #tpu.memory_space<hbm>> -> memref<128x128xf32, #tpu.memory_space<hbm>>
          tpu.enqueue_dma source(%dma_start3A_109 : memref<128x128xf32, #tpu.memory_space<hbm>>) target(%arg13 : memref<128x128xf32, #tpu.memory_space<vmem>>) target_semaphore(%arg17 : memref<!tpu.dma_semaphore, #tpu.memory_space<semaphore_mem>>)
          %dma_start3A_110 = tpu.memref_slice %arg4[%mul3A_106] : memref<640000xi32, #tpu.memory_space<hbm>> -> memref<128xi32, #tpu.memory_space<hbm>>
          %dma_start3A_111 = tpu.memref_slice %arg4[%mul3A_106] : memref<640000xi32, #tpu.memory_space<hbm>> -> memref<128xi32, #tpu.memory_space<hbm>>
          tpu.enqueue_dma source(%dma_start3A_111 : memref<128xi32, #tpu.memory_space<hbm>>) target(%arg15 : memref<128xi32, #tpu.memory_space<vmem>>) target_semaphore(%arg19 : memref<!tpu.dma_semaphore, #tpu.memory_space<semaphore_mem>>)
        } else {
        }
        %lt3A_86 = arith.constant 5000 : i32
        %lt3A_87 = arith.cmpi slt, %add3A_78, %lt3A_86 : i32
        %convert_element_type3A_88 = arith.extui %lt3A_87 : i1 to i32
        %cond3A_89 = arith.constant 0 : i32
        %cond3A_90 = arith.cmpi ne, %convert_element_type3A_88, %cond3A_89 : i32
        scf.if %cond3A_90 {
          %dma_wait3A = arith.constant 0 : i32
          %dma_wait3A_105 = arith.constant 0 : i32
          %dma_wait3A_106 = tpu.memref_slice %arg2[%dma_wait3A, %dma_wait3A_105] : memref<640000x128xf32, #tpu.memory_space<hbm>> -> memref<128x128xf32, #tpu.memory_space<hbm>>
          %dma_wait3A_107 = arith.constant 0 : i32
          %dma_wait3A_108 = arith.constant 0 : i32
          %dma_wait3A_109 = tpu.memref_slice %arg2[%dma_wait3A_107, %dma_wait3A_108] : memref<640000x128xf32, #tpu.memory_space<hbm>> -> memref<128x128xf32, #tpu.memory_space<hbm>>
          tpu.wait_dma2 semaphore(%arg16 : memref<!tpu.dma_semaphore, #tpu.memory_space<semaphore_mem>>) src(%dma_wait3A_109 : memref<128x128xf32, #tpu.memory_space<hbm>>) dst(%arg12 : memref<128x128xf32, #tpu.memory_space<vmem>>)
          %dma_wait3A_110 = arith.constant 0 : i32
          %dma_wait3A_111 = tpu.memref_slice %arg4[%dma_wait3A_110] : memref<640000xi32, #tpu.memory_space<hbm>> -> memref<128xi32, #tpu.memory_space<hbm>>
          %dma_wait3A_112 = arith.constant 0 : i32
          %dma_wait3A_113 = tpu.memref_slice %arg4[%dma_wait3A_112] : memref<640000xi32, #tpu.memory_space<hbm>> -> memref<128xi32, #tpu.memory_space<hbm>>
          tpu.wait_dma2 semaphore(%arg18 : memref<!tpu.dma_semaphore, #tpu.memory_space<semaphore_mem>>) src(%dma_wait3A_113 : memref<128xi32, #tpu.memory_space<hbm>>) dst(%arg14 : memref<128xi32, #tpu.memory_space<vmem>>)
          "tpu.region"() ({
            %run_scoped3A = tpu.sem_alloc : memref<!tpu.dma_semaphore, #tpu.memory_space<semaphore_mem>>
            %dma_start3A = arith.constant 0 : i32
            %dma_start3A_114 = arith.constant 0 : i32
            %dma_start3A_115 = tpu.memref_slice %arg11[%dma_start3A, %dma_start3A_114] : memref<10240x128xf32, #tpu.memory_space<vmem_shared>> -> memref<10240x128xf32, #tpu.memory_space<vmem_shared>>
            tpu.enqueue_indirect_dma source(%arg12 : memref<128x128xf32, #tpu.memory_space<vmem>>) target(%dma_start3A_115 : memref<10240x128xf32, #tpu.memory_space<vmem_shared>>) offsets(%arg14 : memref<128xi32, #tpu.memory_space<vmem>>) semaphore(%run_scoped3A : memref<!tpu.dma_semaphore, #tpu.memory_space<semaphore_mem>>) {add = true}
            %dma_wait3A_116 = arith.constant 0 : i32
            %dma_wait3A_117 = arith.constant 0 : i32
            %dma_wait3A_118 = tpu.memref_slice %arg11[%dma_wait3A_116, %dma_wait3A_117] : memref<10240x128xf32, #tpu.memory_space<vmem_shared>> -> memref<10240x128xf32, #tpu.memory_space<vmem_shared>>
            tpu.wait_indirect_dma semaphore(%run_scoped3A : memref<!tpu.dma_semaphore, #tpu.memory_space<semaphore_mem>>) src(%arg12 : memref<128x128xf32, #tpu.memory_space<vmem>>) dst(%dma_wait3A_118 : memref<10240x128xf32, #tpu.memory_space<vmem_shared>>)
            tpu.yield
          }) : () -> ()
        } else {
        }
        %add3A_91 = arith.constant 32 : i32
        %add3A_92 = arith.addi %add3A_78, %add3A_91 : i32
        %lt3A_93 = arith.constant 5000 : i32
        %lt3A_94 = arith.cmpi slt, %add3A_92, %lt3A_93 : i32
        %convert_element_type3A_95 = arith.extui %lt3A_94 : i1 to i32
        %cond3A_96 = arith.constant 0 : i32
        %cond3A_97 = arith.cmpi ne, %convert_element_type3A_95, %cond3A_96 : i32
        scf.if %cond3A_97 {
          %mul3A_105 = arith.constant 128 : i32
          %mul3A_106 = arith.muli %add3A_92, %mul3A_105 : i32
          %dma_start3A = arith.constant 0 : i32
          %dma_start3A_107 = tpu.memref_slice %arg2[%mul3A_106, %dma_start3A] : memref<640000x128xf32, #tpu.memory_space<hbm>> -> memref<128x128xf32, #tpu.memory_space<hbm>>
          %dma_start3A_108 = arith.constant 0 : i32
          %dma_start3A_109 = tpu.memref_slice %arg2[%mul3A_106, %dma_start3A_108] : memref<640000x128xf32, #tpu.memory_space<hbm>> -> memref<128x128xf32, #tpu.memory_space<hbm>>
          tpu.enqueue_dma source(%dma_start3A_109 : memref<128x128xf32, #tpu.memory_space<hbm>>) target(%arg12 : memref<128x128xf32, #tpu.memory_space<vmem>>) target_semaphore(%arg16 : memref<!tpu.dma_semaphore, #tpu.memory_space<semaphore_mem>>)
          %dma_start3A_110 = tpu.memref_slice %arg4[%mul3A_106] : memref<640000xi32, #tpu.memory_space<hbm>> -> memref<128xi32, #tpu.memory_space<hbm>>
          %dma_start3A_111 = tpu.memref_slice %arg4[%mul3A_106] : memref<640000xi32, #tpu.memory_space<hbm>> -> memref<128xi32, #tpu.memory_space<hbm>>
          tpu.enqueue_dma source(%dma_start3A_111 : memref<128xi32, #tpu.memory_space<hbm>>) target(%arg14 : memref<128xi32, #tpu.memory_space<vmem>>) target_semaphore(%arg18 : memref<!tpu.dma_semaphore, #tpu.memory_space<semaphore_mem>>)
        } else {
        }
        %add3A_98 = arith.constant 16 : i32
        %add3A_99 = arith.addi %add3A_78, %add3A_98 : i32
        %lt3A_100 = arith.constant 5000 : i32
        %lt3A_101 = arith.cmpi slt, %add3A_99, %lt3A_100 : i32
        %convert_element_type3A_102 = arith.extui %lt3A_101 : i1 to i32
        %cond3A_103 = arith.constant 0 : i32
        %cond3A_104 = arith.cmpi ne, %convert_element_type3A_102, %cond3A_103 : i32
        scf.if %cond3A_104 {
          %dma_wait3A = arith.constant 0 : i32
          %dma_wait3A_105 = arith.constant 0 : i32
          %dma_wait3A_106 = tpu.memref_slice %arg2[%dma_wait3A, %dma_wait3A_105] : memref<640000x128xf32, #tpu.memory_space<hbm>> -> memref<128x128xf32, #tpu.memory_space<hbm>>
          %dma_wait3A_107 = arith.constant 0 : i32
          %dma_wait3A_108 = arith.constant 0 : i32
          %dma_wait3A_109 = tpu.memref_slice %arg2[%dma_wait3A_107, %dma_wait3A_108] : memref<640000x128xf32, #tpu.memory_space<hbm>> -> memref<128x128xf32, #tpu.memory_space<hbm>>
          tpu.wait_dma2 semaphore(%arg17 : memref<!tpu.dma_semaphore, #tpu.memory_space<semaphore_mem>>) src(%dma_wait3A_109 : memref<128x128xf32, #tpu.memory_space<hbm>>) dst(%arg13 : memref<128x128xf32, #tpu.memory_space<vmem>>)
          %dma_wait3A_110 = arith.constant 0 : i32
          %dma_wait3A_111 = tpu.memref_slice %arg4[%dma_wait3A_110] : memref<640000xi32, #tpu.memory_space<hbm>> -> memref<128xi32, #tpu.memory_space<hbm>>
          %dma_wait3A_112 = arith.constant 0 : i32
          %dma_wait3A_113 = tpu.memref_slice %arg4[%dma_wait3A_112] : memref<640000xi32, #tpu.memory_space<hbm>> -> memref<128xi32, #tpu.memory_space<hbm>>
          tpu.wait_dma2 semaphore(%arg19 : memref<!tpu.dma_semaphore, #tpu.memory_space<semaphore_mem>>) src(%dma_wait3A_113 : memref<128xi32, #tpu.memory_space<hbm>>) dst(%arg15 : memref<128xi32, #tpu.memory_space<vmem>>)
          "tpu.region"() ({
            %run_scoped3A = tpu.sem_alloc : memref<!tpu.dma_semaphore, #tpu.memory_space<semaphore_mem>>
            %dma_start3A = arith.constant 0 : i32
            %dma_start3A_114 = arith.constant 0 : i32
            %dma_start3A_115 = tpu.memref_slice %arg11[%dma_start3A, %dma_start3A_114] : memref<10240x128xf32, #tpu.memory_space<vmem_shared>> -> memref<10240x128xf32, #tpu.memory_space<vmem_shared>>
            tpu.enqueue_indirect_dma source(%arg13 : memref<128x128xf32, #tpu.memory_space<vmem>>) target(%dma_start3A_115 : memref<10240x128xf32, #tpu.memory_space<vmem_shared>>) offsets(%arg15 : memref<128xi32, #tpu.memory_space<vmem>>) semaphore(%run_scoped3A : memref<!tpu.dma_semaphore, #tpu.memory_space<semaphore_mem>>) {add = true}
            %dma_wait3A_116 = arith.constant 0 : i32
            %dma_wait3A_117 = arith.constant 0 : i32
            %dma_wait3A_118 = tpu.memref_slice %arg11[%dma_wait3A_116, %dma_wait3A_117] : memref<10240x128xf32, #tpu.memory_space<vmem_shared>> -> memref<10240x128xf32, #tpu.memory_space<vmem_shared>>
            tpu.wait_indirect_dma semaphore(%run_scoped3A : memref<!tpu.dma_semaphore, #tpu.memory_space<semaphore_mem>>) src(%arg13 : memref<128x128xf32, #tpu.memory_space<vmem>>) dst(%dma_wait3A_118 : memref<10240x128xf32, #tpu.memory_space<vmem_shared>>)
            tpu.yield
          }) : () -> ()
        } else {
        }
      }
      %scan3A_72 = arith.constant 157 : i32
    } else {
    }
    %barrier3A_20 = arith.constant 0 : index
    tpu.barrier barrier_id(%barrier3A_20)
    %eq3A_21 = arith.constant 0 : i32
    %eq3A_22 = arith.cmpi eq, %arg0, %eq3A_21 : i32
    %convert_element_type3A_23 = arith.extui %eq3A_22 : i1 to i32
    %cond3A_24 = arith.constant 0 : i32
    %cond3A_25 = arith.cmpi ne, %convert_element_type3A_23, %cond3A_24 : i32
    scf.if %cond3A_25 {
      %add3A_64 = arith.constant 0 : i32
      %add3A_65 = arith.addi %mul3A_2, %add3A_64 : i32
      "tpu.region"() ({
        %run_scoped3A = tpu.sem_alloc : memref<!tpu.dma_semaphore, #tpu.memory_space<semaphore_mem>>
        %dma_start3A = arith.constant 0 : i32
        %dma_start3A_74 = tpu.memref_slice %arg11[%add3A_65, %dma_start3A] : memref<10240x128xf32, #tpu.memory_space<vmem_shared>> -> memref<128x128xf32, #tpu.memory_space<vmem_shared>>
        %dma_start3A_75 = arith.constant 0 : i32
        %dma_start3A_76 = tpu.memref_slice %arg11[%add3A_65, %dma_start3A_75] : memref<10240x128xf32, #tpu.memory_space<vmem_shared>> -> memref<128x128xf32, #tpu.memory_space<vmem_shared>>
        tpu.enqueue_dma source(%dma_start3A_76 : memref<128x128xf32, #tpu.memory_space<vmem_shared>>) target(%arg12 : memref<128x128xf32, #tpu.memory_space<vmem>>) target_semaphore(%run_scoped3A : memref<!tpu.dma_semaphore, #tpu.memory_space<semaphore_mem>>)
        %dma_wait3A = arith.constant 0 : i32
        %dma_wait3A_77 = tpu.memref_slice %arg11[%add3A_65, %dma_wait3A] : memref<10240x128xf32, #tpu.memory_space<vmem_shared>> -> memref<128x128xf32, #tpu.memory_space<vmem_shared>>
        %dma_wait3A_78 = arith.constant 0 : i32
        %dma_wait3A_79 = tpu.memref_slice %arg11[%add3A_65, %dma_wait3A_78] : memref<10240x128xf32, #tpu.memory_space<vmem_shared>> -> memref<128x128xf32, #tpu.memory_space<vmem_shared>>
        tpu.wait_dma2 semaphore(%run_scoped3A : memref<!tpu.dma_semaphore, #tpu.memory_space<semaphore_mem>>) src(%dma_wait3A_79 : memref<128x128xf32, #tpu.memory_space<vmem_shared>>) dst(%arg12 : memref<128x128xf32, #tpu.memory_space<vmem>>)
        tpu.yield
      }) : () -> ()
      "tpu.region"() ({
        %run_scoped3A = tpu.sem_alloc : memref<!tpu.dma_semaphore, #tpu.memory_space<semaphore_mem>>
        %dma_start3A = arith.constant 0 : i32
        %dma_start3A_74 = tpu.memref_slice %arg7[%add3A_65, %dma_start3A] : memref<10240x128xf32, #tpu.memory_space<hbm>> -> memref<128x128xf32, #tpu.memory_space<hbm>>
        %dma_start3A_75 = arith.constant 0 : i32
        %dma_start3A_76 = tpu.memref_slice %arg7[%add3A_65, %dma_start3A_75] : memref<10240x128xf32, #tpu.memory_space<hbm>> -> memref<128x128xf32, #tpu.memory_space<hbm>>
        tpu.enqueue_dma source(%arg12 : memref<128x128xf32, #tpu.memory_space<vmem>>) target(%dma_start3A_76 : memref<128x128xf32, #tpu.memory_space<hbm>>) target_semaphore(%run_scoped3A : memref<!tpu.dma_semaphore, #tpu.memory_space<semaphore_mem>>)
        %dma_wait3A = arith.constant 0 : i32
        %dma_wait3A_77 = tpu.memref_slice %arg7[%add3A_65, %dma_wait3A] : memref<10240x128xf32, #tpu.memory_space<hbm>> -> memref<128x128xf32, #tpu.memory_space<hbm>>
        %dma_wait3A_78 = arith.constant 0 : i32
        %dma_wait3A_79 = tpu.memref_slice %arg7[%add3A_65, %dma_wait3A_78] : memref<10240x128xf32, #tpu.memory_space<hbm>> -> memref<128x128xf32, #tpu.memory_space<hbm>>
        tpu.wait_dma2 semaphore(%run_scoped3A : memref<!tpu.dma_semaphore, #tpu.memory_space<semaphore_mem>>) src(%arg12 : memref<128x128xf32, #tpu.memory_space<vmem>>) dst(%dma_wait3A_79 : memref<128x128xf32, #tpu.memory_space<hbm>>)
        tpu.yield
      }) : () -> ()
      %add3A_66 = arith.constant 128 : i32
      %add3A_67 = arith.addi %mul3A_2, %add3A_66 : i32
      "tpu.region"() ({
        %run_scoped3A = tpu.sem_alloc : memref<!tpu.dma_semaphore, #tpu.memory_space<semaphore_mem>>
        %dma_start3A = arith.constant 0 : i32
        %dma_start3A_74 = tpu.memref_slice %arg11[%add3A_67, %dma_start3A] : memref<10240x128xf32, #tpu.memory_space<vmem_shared>> -> memref<128x128xf32, #tpu.memory_space<vmem_shared>>
        %dma_start3A_75 = arith.constant 0 : i32
        %dma_start3A_76 = tpu.memref_slice %arg11[%add3A_67, %dma_start3A_75] : memref<10240x128xf32, #tpu.memory_space<vmem_shared>> -> memref<128x128xf32, #tpu.memory_space<vmem_shared>>
        tpu.enqueue_dma source(%dma_start3A_76 : memref<128x128xf32, #tpu.memory_space<vmem_shared>>) target(%arg12 : memref<128x128xf32, #tpu.memory_space<vmem>>) target_semaphore(%run_scoped3A : memref<!tpu.dma_semaphore, #tpu.memory_space<semaphore_mem>>)
        %dma_wait3A = arith.constant 0 : i32
        %dma_wait3A_77 = tpu.memref_slice %arg11[%add3A_67, %dma_wait3A] : memref<10240x128xf32, #tpu.memory_space<vmem_shared>> -> memref<128x128xf32, #tpu.memory_space<vmem_shared>>
        %dma_wait3A_78 = arith.constant 0 : i32
        %dma_wait3A_79 = tpu.memref_slice %arg11[%add3A_67, %dma_wait3A_78] : memref<10240x128xf32, #tpu.memory_space<vmem_shared>> -> memref<128x128xf32, #tpu.memory_space<vmem_shared>>
        tpu.wait_dma2 semaphore(%run_scoped3A : memref<!tpu.dma_semaphore, #tpu.memory_space<semaphore_mem>>) src(%dma_wait3A_79 : memref<128x128xf32, #tpu.memory_space<vmem_shared>>) dst(%arg12 : memref<128x128xf32, #tpu.memory_space<vmem>>)
        tpu.yield
      }) : () -> ()
      "tpu.region"() ({
        %run_scoped3A = tpu.sem_alloc : memref<!tpu.dma_semaphore, #tpu.memory_space<semaphore_mem>>
        %dma_start3A = arith.constant 0 : i32
        %dma_start3A_74 = tpu.memref_slice %arg7[%add3A_67, %dma_start3A] : memref<10240x128xf32, #tpu.memory_space<hbm>> -> memref<128x128xf32, #tpu.memory_space<hbm>>
        %dma_start3A_75 = arith.constant 0 : i32
        %dma_start3A_76 = tpu.memref_slice %arg7[%add3A_67, %dma_start3A_75] : memref<10240x128xf32, #tpu.memory_space<hbm>> -> memref<128x128xf32, #tpu.memory_space<hbm>>
        tpu.enqueue_dma source(%arg12 : memref<128x128xf32, #tpu.memory_space<vmem>>) target(%dma_start3A_76 : memref<128x128xf32, #tpu.memory_space<hbm>>) target_semaphore(%run_scoped3A : memref<!tpu.dma_semaphore, #tpu.memory_space<semaphore_mem>>)
        %dma_wait3A = arith.constant 0 : i32
        %dma_wait3A_77 = tpu.memref_slice %arg7[%add3A_67, %dma_wait3A] : memref<10240x128xf32, #tpu.memory_space<hbm>> -> memref<128x128xf32, #tpu.memory_space<hbm>>
        %dma_wait3A_78 = arith.constant 0 : i32
        %dma_wait3A_79 = tpu.memref_slice %arg7[%add3A_67, %dma_wait3A_78] : memref<10240x128xf32, #tpu.memory_space<hbm>> -> memref<128x128xf32, #tpu.memory_space<hbm>>
        tpu.wait_dma2 semaphore(%run_scoped3A : memref<!tpu.dma_semaphore, #tpu.memory_space<semaphore_mem>>) src(%arg12 : memref<128x128xf32, #tpu.memory_space<vmem>>) dst(%dma_wait3A_79 : memref<128x128xf32, #tpu.memory_space<hbm>>)
        tpu.yield
      }) : () -> ()
      %add3A_68 = arith.constant 256 : i32
      %add3A_69 = arith.addi %mul3A_2, %add3A_68 : i32
      "tpu.region"() ({
        %run_scoped3A = tpu.sem_alloc : memref<!tpu.dma_semaphore, #tpu.memory_space<semaphore_mem>>
        %dma_start3A = arith.constant 0 : i32
        %dma_start3A_74 = tpu.memref_slice %arg11[%add3A_69, %dma_start3A] : memref<10240x128xf32, #tpu.memory_space<vmem_shared>> -> memref<128x128xf32, #tpu.memory_space<vmem_shared>>
        %dma_start3A_75 = arith.constant 0 : i32
        %dma_start3A_76 = tpu.memref_slice %arg11[%add3A_69, %dma_start3A_75] : memref<10240x128xf32, #tpu.memory_space<vmem_shared>> -> memref<128x128xf32, #tpu.memory_space<vmem_shared>>
        tpu.enqueue_dma source(%dma_start3A_76 : memref<128x128xf32, #tpu.memory_space<vmem_shared>>) target(%arg12 : memref<128x128xf32, #tpu.memory_space<vmem>>) target_semaphore(%run_scoped3A : memref<!tpu.dma_semaphore, #tpu.memory_space<semaphore_mem>>)
        %dma_wait3A = arith.constant 0 : i32
        %dma_wait3A_77 = tpu.memref_slice %arg11[%add3A_69, %dma_wait3A] : memref<10240x128xf32, #tpu.memory_space<vmem_shared>> -> memref<128x128xf32, #tpu.memory_space<vmem_shared>>
        %dma_wait3A_78 = arith.constant 0 : i32
        %dma_wait3A_79 = tpu.memref_slice %arg11[%add3A_69, %dma_wait3A_78] : memref<10240x128xf32, #tpu.memory_space<vmem_shared>> -> memref<128x128xf32, #tpu.memory_space<vmem_shared>>
        tpu.wait_dma2 semaphore(%run_scoped3A : memref<!tpu.dma_semaphore, #tpu.memory_space<semaphore_mem>>) src(%dma_wait3A_79 : memref<128x128xf32, #tpu.memory_space<vmem_shared>>) dst(%arg12 : memref<128x128xf32, #tpu.memory_space<vmem>>)
        tpu.yield
      }) : () -> ()
      "tpu.region"() ({
        %run_scoped3A = tpu.sem_alloc : memref<!tpu.dma_semaphore, #tpu.memory_space<semaphore_mem>>
        %dma_start3A = arith.constant 0 : i32
        %dma_start3A_74 = tpu.memref_slice %arg7[%add3A_69, %dma_start3A] : memref<10240x128xf32, #tpu.memory_space<hbm>> -> memref<128x128xf32, #tpu.memory_space<hbm>>
        %dma_start3A_75 = arith.constant 0 : i32
        %dma_start3A_76 = tpu.memref_slice %arg7[%add3A_69, %dma_start3A_75] : memref<10240x128xf32, #tpu.memory_space<hbm>> -> memref<128x128xf32, #tpu.memory_space<hbm>>
        tpu.enqueue_dma source(%arg12 : memref<128x128xf32, #tpu.memory_space<vmem>>) target(%dma_start3A_76 : memref<128x128xf32, #tpu.memory_space<hbm>>) target_semaphore(%run_scoped3A : memref<!tpu.dma_semaphore, #tpu.memory_space<semaphore_mem>>)
        %dma_wait3A = arith.constant 0 : i32
        %dma_wait3A_77 = tpu.memref_slice %arg7[%add3A_69, %dma_wait3A] : memref<10240x128xf32, #tpu.memory_space<hbm>> -> memref<128x128xf32, #tpu.memory_space<hbm>>
        %dma_wait3A_78 = arith.constant 0 : i32
        %dma_wait3A_79 = tpu.memref_slice %arg7[%add3A_69, %dma_wait3A_78] : memref<10240x128xf32, #tpu.memory_space<hbm>> -> memref<128x128xf32, #tpu.memory_space<hbm>>
        tpu.wait_dma2 semaphore(%run_scoped3A : memref<!tpu.dma_semaphore, #tpu.memory_space<semaphore_mem>>) src(%arg12 : memref<128x128xf32, #tpu.memory_space<vmem>>) dst(%dma_wait3A_79 : memref<128x128xf32, #tpu.memory_space<hbm>>)
        tpu.yield
      }) : () -> ()
      %add3A_70 = arith.constant 384 : i32
      %add3A_71 = arith.addi %mul3A_2, %add3A_70 : i32
      "tpu.region"() ({
        %run_scoped3A = tpu.sem_alloc : memref<!tpu.dma_semaphore, #tpu.memory_space<semaphore_mem>>
        %dma_start3A = arith.constant 0 : i32
        %dma_start3A_74 = tpu.memref_slice %arg11[%add3A_71, %dma_start3A] : memref<10240x128xf32, #tpu.memory_space<vmem_shared>> -> memref<128x128xf32, #tpu.memory_space<vmem_shared>>
        %dma_start3A_75 = arith.constant 0 : i32
        %dma_start3A_76 = tpu.memref_slice %arg11[%add3A_71, %dma_start3A_75] : memref<10240x128xf32, #tpu.memory_space<vmem_shared>> -> memref<128x128xf32, #tpu.memory_space<vmem_shared>>
        tpu.enqueue_dma source(%dma_start3A_76 : memref<128x128xf32, #tpu.memory_space<vmem_shared>>) target(%arg12 : memref<128x128xf32, #tpu.memory_space<vmem>>) target_semaphore(%run_scoped3A : memref<!tpu.dma_semaphore, #tpu.memory_space<semaphore_mem>>)
        %dma_wait3A = arith.constant 0 : i32
        %dma_wait3A_77 = tpu.memref_slice %arg11[%add3A_71, %dma_wait3A] : memref<10240x128xf32, #tpu.memory_space<vmem_shared>> -> memref<128x128xf32, #tpu.memory_space<vmem_shared>>
        %dma_wait3A_78 = arith.constant 0 : i32
        %dma_wait3A_79 = tpu.memref_slice %arg11[%add3A_71, %dma_wait3A_78] : memref<10240x128xf32, #tpu.memory_space<vmem_shared>> -> memref<128x128xf32, #tpu.memory_space<vmem_shared>>
        tpu.wait_dma2 semaphore(%run_scoped3A : memref<!tpu.dma_semaphore, #tpu.memory_space<semaphore_mem>>) src(%dma_wait3A_79 : memref<128x128xf32, #tpu.memory_space<vmem_shared>>) dst(%arg12 : memref<128x128xf32, #tpu.memory_space<vmem>>)
        tpu.yield
      }) : () -> ()
      "tpu.region"() ({
        %run_scoped3A = tpu.sem_alloc : memref<!tpu.dma_semaphore, #tpu.memory_space<semaphore_mem>>
        %dma_start3A = arith.constant 0 : i32
        %dma_start3A_74 = tpu.memref_slice %arg7[%add3A_71, %dma_start3A] : memref<10240x128xf32, #tpu.memory_space<hbm>> -> memref<128x128xf32, #tpu.memory_space<hbm>>
        %dma_start3A_75 = arith.constant 0 : i32
        %dma_start3A_76 = tpu.memref_slice %arg7[%add3A_71, %dma_start3A_75] : memref<10240x128xf32, #tpu.memory_space<hbm>> -> memref<128x128xf32, #tpu.memory_space<hbm>>
        tpu.enqueue_dma source(%arg12 : memref<128x128xf32, #tpu.memory_space<vmem>>) target(%dma_start3A_76 : memref<128x128xf32, #tpu.memory_space<hbm>>) target_semaphore(%run_scoped3A : memref<!tpu.dma_semaphore, #tpu.memory_space<semaphore_mem>>)
        %dma_wait3A = arith.constant 0 : i32
        %dma_wait3A_77 = tpu.memref_slice %arg7[%add3A_71, %dma_wait3A] : memref<10240x128xf32, #tpu.memory_space<hbm>> -> memref<128x128xf32, #tpu.memory_space<hbm>>
        %dma_wait3A_78 = arith.constant 0 : i32
        %dma_wait3A_79 = tpu.memref_slice %arg7[%add3A_71, %dma_wait3A_78] : memref<10240x128xf32, #tpu.memory_space<hbm>> -> memref<128x128xf32, #tpu.memory_space<hbm>>
        tpu.wait_dma2 semaphore(%run_scoped3A : memref<!tpu.dma_semaphore, #tpu.memory_space<semaphore_mem>>) src(%arg12 : memref<128x128xf32, #tpu.memory_space<vmem>>) dst(%dma_wait3A_79 : memref<128x128xf32, #tpu.memory_space<hbm>>)
        tpu.yield
      }) : () -> ()
      %add3A_72 = arith.constant 512 : i32
      %add3A_73 = arith.addi %mul3A_2, %add3A_72 : i32
      "tpu.region"() ({
        %run_scoped3A = tpu.sem_alloc : memref<!tpu.dma_semaphore, #tpu.memory_space<semaphore_mem>>
        %dma_start3A = arith.constant 0 : i32
        %dma_start3A_74 = tpu.memref_slice %arg11[%add3A_73, %dma_start3A] : memref<10240x128xf32, #tpu.memory_space<vmem_shared>> -> memref<128x128xf32, #tpu.memory_space<vmem_shared>>
        %dma_start3A_75 = arith.constant 0 : i32
        %dma_start3A_76 = tpu.memref_slice %arg11[%add3A_73, %dma_start3A_75] : memref<10240x128xf32, #tpu.memory_space<vmem_shared>> -> memref<128x128xf32, #tpu.memory_space<vmem_shared>>
        tpu.enqueue_dma source(%dma_start3A_76 : memref<128x128xf32, #tpu.memory_space<vmem_shared>>) target(%arg12 : memref<128x128xf32, #tpu.memory_space<vmem>>) target_semaphore(%run_scoped3A : memref<!tpu.dma_semaphore, #tpu.memory_space<semaphore_mem>>)
        %dma_wait3A = arith.constant 0 : i32
        %dma_wait3A_77 = tpu.memref_slice %arg11[%add3A_73, %dma_wait3A] : memref<10240x128xf32, #tpu.memory_space<vmem_shared>> -> memref<128x128xf32, #tpu.memory_space<vmem_shared>>
        %dma_wait3A_78 = arith.constant 0 : i32
        %dma_wait3A_79 = tpu.memref_slice %arg11[%add3A_73, %dma_wait3A_78] : memref<10240x128xf32, #tpu.memory_space<vmem_shared>> -> memref<128x128xf32, #tpu.memory_space<vmem_shared>>
        tpu.wait_dma2 semaphore(%run_scoped3A : memref<!tpu.dma_semaphore, #tpu.memory_space<semaphore_mem>>) src(%dma_wait3A_79 : memref<128x128xf32, #tpu.memory_space<vmem_shared>>) dst(%arg12 : memref<128x128xf32, #tpu.memory_space<vmem>>)
        tpu.yield
      }) : () -> ()
      "tpu.region"() ({
        %run_scoped3A = tpu.sem_alloc : memref<!tpu.dma_semaphore, #tpu.memory_space<semaphore_mem>>
        %dma_start3A = arith.constant 0 : i32
        %dma_start3A_74 = tpu.memref_slice %arg7[%add3A_73, %dma_start3A] : memref<10240x128xf32, #tpu.memory_space<hbm>> -> memref<128x128xf32, #tpu.memory_space<hbm>>
        %dma_start3A_75 = arith.constant 0 : i32
        %dma_start3A_76 = tpu.memref_slice %arg7[%add3A_73, %dma_start3A_75] : memref<10240x128xf32, #tpu.memory_space<hbm>> -> memref<128x128xf32, #tpu.memory_space<hbm>>
        tpu.enqueue_dma source(%arg12 : memref<128x128xf32, #tpu.memory_space<vmem>>) target(%dma_start3A_76 : memref<128x128xf32, #tpu.memory_space<hbm>>) target_semaphore(%run_scoped3A : memref<!tpu.dma_semaphore, #tpu.memory_space<semaphore_mem>>)
        %dma_wait3A = arith.constant 0 : i32
        %dma_wait3A_77 = tpu.memref_slice %arg7[%add3A_73, %dma_wait3A] : memref<10240x128xf32, #tpu.memory_space<hbm>> -> memref<128x128xf32, #tpu.memory_space<hbm>>
        %dma_wait3A_78 = arith.constant 0 : i32
        %dma_wait3A_79 = tpu.memref_slice %arg7[%add3A_73, %dma_wait3A_78] : memref<10240x128xf32, #tpu.memory_space<hbm>> -> memref<128x128xf32, #tpu.memory_space<hbm>>
        tpu.wait_dma2 semaphore(%run_scoped3A : memref<!tpu.dma_semaphore, #tpu.memory_space<semaphore_mem>>) src(%arg12 : memref<128x128xf32, #tpu.memory_space<vmem>>) dst(%dma_wait3A_79 : memref<128x128xf32, #tpu.memory_space<hbm>>)
        tpu.yield
      }) : () -> ()
    } else {
    }
    %eq3A_26 = arith.constant 1 : i32
    %eq3A_27 = arith.cmpi eq, %arg0, %eq3A_26 : i32
    %convert_element_type3A_28 = arith.extui %eq3A_27 : i1 to i32
    %cond3A_29 = arith.constant 0 : i32
    %cond3A_30 = arith.cmpi ne, %convert_element_type3A_28, %cond3A_29 : i32
    scf.if %cond3A_30 {
      %add3A_64 = arith.constant 0 : i32
      %add3A_65 = arith.addi %mul3A_2, %add3A_64 : i32
      "tpu.region"() ({
        %run_scoped3A = tpu.sem_alloc : memref<!tpu.dma_semaphore, #tpu.memory_space<semaphore_mem>>
        %dma_start3A = arith.constant 0 : i32
        %dma_start3A_74 = tpu.memref_slice %arg11[%add3A_65, %dma_start3A] : memref<10240x128xf32, #tpu.memory_space<vmem_shared>> -> memref<128x128xf32, #tpu.memory_space<vmem_shared>>
        %dma_start3A_75 = arith.constant 0 : i32
        %dma_start3A_76 = tpu.memref_slice %arg11[%add3A_65, %dma_start3A_75] : memref<10240x128xf32, #tpu.memory_space<vmem_shared>> -> memref<128x128xf32, #tpu.memory_space<vmem_shared>>
        tpu.enqueue_dma source(%dma_start3A_76 : memref<128x128xf32, #tpu.memory_space<vmem_shared>>) target(%arg12 : memref<128x128xf32, #tpu.memory_space<vmem>>) target_semaphore(%run_scoped3A : memref<!tpu.dma_semaphore, #tpu.memory_space<semaphore_mem>>)
        %dma_wait3A = arith.constant 0 : i32
        %dma_wait3A_77 = tpu.memref_slice %arg11[%add3A_65, %dma_wait3A] : memref<10240x128xf32, #tpu.memory_space<vmem_shared>> -> memref<128x128xf32, #tpu.memory_space<vmem_shared>>
        %dma_wait3A_78 = arith.constant 0 : i32
        %dma_wait3A_79 = tpu.memref_slice %arg11[%add3A_65, %dma_wait3A_78] : memref<10240x128xf32, #tpu.memory_space<vmem_shared>> -> memref<128x128xf32, #tpu.memory_space<vmem_shared>>
        tpu.wait_dma2 semaphore(%run_scoped3A : memref<!tpu.dma_semaphore, #tpu.memory_space<semaphore_mem>>) src(%dma_wait3A_79 : memref<128x128xf32, #tpu.memory_space<vmem_shared>>) dst(%arg12 : memref<128x128xf32, #tpu.memory_space<vmem>>)
        tpu.yield
      }) : () -> ()
      "tpu.region"() ({
        %run_scoped3A = tpu.sem_alloc : memref<!tpu.dma_semaphore, #tpu.memory_space<semaphore_mem>>
        %dma_start3A = arith.constant 0 : i32
        %dma_start3A_74 = tpu.memref_slice %arg8[%add3A_65, %dma_start3A] : memref<10240x128xf32, #tpu.memory_space<hbm>> -> memref<128x128xf32, #tpu.memory_space<hbm>>
        %dma_start3A_75 = arith.constant 0 : i32
        %dma_start3A_76 = tpu.memref_slice %arg8[%add3A_65, %dma_start3A_75] : memref<10240x128xf32, #tpu.memory_space<hbm>> -> memref<128x128xf32, #tpu.memory_space<hbm>>
        tpu.enqueue_dma source(%arg12 : memref<128x128xf32, #tpu.memory_space<vmem>>) target(%dma_start3A_76 : memref<128x128xf32, #tpu.memory_space<hbm>>) target_semaphore(%run_scoped3A : memref<!tpu.dma_semaphore, #tpu.memory_space<semaphore_mem>>)
        %dma_wait3A = arith.constant 0 : i32
        %dma_wait3A_77 = tpu.memref_slice %arg8[%add3A_65, %dma_wait3A] : memref<10240x128xf32, #tpu.memory_space<hbm>> -> memref<128x128xf32, #tpu.memory_space<hbm>>
        %dma_wait3A_78 = arith.constant 0 : i32
        %dma_wait3A_79 = tpu.memref_slice %arg8[%add3A_65, %dma_wait3A_78] : memref<10240x128xf32, #tpu.memory_space<hbm>> -> memref<128x128xf32, #tpu.memory_space<hbm>>
        tpu.wait_dma2 semaphore(%run_scoped3A : memref<!tpu.dma_semaphore, #tpu.memory_space<semaphore_mem>>) src(%arg12 : memref<128x128xf32, #tpu.memory_space<vmem>>) dst(%dma_wait3A_79 : memref<128x128xf32, #tpu.memory_space<hbm>>)
        tpu.yield
      }) : () -> ()
      %add3A_66 = arith.constant 128 : i32
      %add3A_67 = arith.addi %mul3A_2, %add3A_66 : i32
      "tpu.region"() ({
        %run_scoped3A = tpu.sem_alloc : memref<!tpu.dma_semaphore, #tpu.memory_space<semaphore_mem>>
        %dma_start3A = arith.constant 0 : i32
        %dma_start3A_74 = tpu.memref_slice %arg11[%add3A_67, %dma_start3A] : memref<10240x128xf32, #tpu.memory_space<vmem_shared>> -> memref<128x128xf32, #tpu.memory_space<vmem_shared>>
        %dma_start3A_75 = arith.constant 0 : i32
        %dma_start3A_76 = tpu.memref_slice %arg11[%add3A_67, %dma_start3A_75] : memref<10240x128xf32, #tpu.memory_space<vmem_shared>> -> memref<128x128xf32, #tpu.memory_space<vmem_shared>>
        tpu.enqueue_dma source(%dma_start3A_76 : memref<128x128xf32, #tpu.memory_space<vmem_shared>>) target(%arg12 : memref<128x128xf32, #tpu.memory_space<vmem>>) target_semaphore(%run_scoped3A : memref<!tpu.dma_semaphore, #tpu.memory_space<semaphore_mem>>)
        %dma_wait3A = arith.constant 0 : i32
        %dma_wait3A_77 = tpu.memref_slice %arg11[%add3A_67, %dma_wait3A] : memref<10240x128xf32, #tpu.memory_space<vmem_shared>> -> memref<128x128xf32, #tpu.memory_space<vmem_shared>>
        %dma_wait3A_78 = arith.constant 0 : i32
        %dma_wait3A_79 = tpu.memref_slice %arg11[%add3A_67, %dma_wait3A_78] : memref<10240x128xf32, #tpu.memory_space<vmem_shared>> -> memref<128x128xf32, #tpu.memory_space<vmem_shared>>
        tpu.wait_dma2 semaphore(%run_scoped3A : memref<!tpu.dma_semaphore, #tpu.memory_space<semaphore_mem>>) src(%dma_wait3A_79 : memref<128x128xf32, #tpu.memory_space<vmem_shared>>) dst(%arg12 : memref<128x128xf32, #tpu.memory_space<vmem>>)
        tpu.yield
      }) : () -> ()
      "tpu.region"() ({
        %run_scoped3A = tpu.sem_alloc : memref<!tpu.dma_semaphore, #tpu.memory_space<semaphore_mem>>
        %dma_start3A = arith.constant 0 : i32
        %dma_start3A_74 = tpu.memref_slice %arg8[%add3A_67, %dma_start3A] : memref<10240x128xf32, #tpu.memory_space<hbm>> -> memref<128x128xf32, #tpu.memory_space<hbm>>
        %dma_start3A_75 = arith.constant 0 : i32
        %dma_start3A_76 = tpu.memref_slice %arg8[%add3A_67, %dma_start3A_75] : memref<10240x128xf32, #tpu.memory_space<hbm>> -> memref<128x128xf32, #tpu.memory_space<hbm>>
        tpu.enqueue_dma source(%arg12 : memref<128x128xf32, #tpu.memory_space<vmem>>) target(%dma_start3A_76 : memref<128x128xf32, #tpu.memory_space<hbm>>) target_semaphore(%run_scoped3A : memref<!tpu.dma_semaphore, #tpu.memory_space<semaphore_mem>>)
        %dma_wait3A = arith.constant 0 : i32
        %dma_wait3A_77 = tpu.memref_slice %arg8[%add3A_67, %dma_wait3A] : memref<10240x128xf32, #tpu.memory_space<hbm>> -> memref<128x128xf32, #tpu.memory_space<hbm>>
        %dma_wait3A_78 = arith.constant 0 : i32
        %dma_wait3A_79 = tpu.memref_slice %arg8[%add3A_67, %dma_wait3A_78] : memref<10240x128xf32, #tpu.memory_space<hbm>> -> memref<128x128xf32, #tpu.memory_space<hbm>>
        tpu.wait_dma2 semaphore(%run_scoped3A : memref<!tpu.dma_semaphore, #tpu.memory_space<semaphore_mem>>) src(%arg12 : memref<128x128xf32, #tpu.memory_space<vmem>>) dst(%dma_wait3A_79 : memref<128x128xf32, #tpu.memory_space<hbm>>)
        tpu.yield
      }) : () -> ()
      %add3A_68 = arith.constant 256 : i32
      %add3A_69 = arith.addi %mul3A_2, %add3A_68 : i32
      "tpu.region"() ({
        %run_scoped3A = tpu.sem_alloc : memref<!tpu.dma_semaphore, #tpu.memory_space<semaphore_mem>>
        %dma_start3A = arith.constant 0 : i32
        %dma_start3A_74 = tpu.memref_slice %arg11[%add3A_69, %dma_start3A] : memref<10240x128xf32, #tpu.memory_space<vmem_shared>> -> memref<128x128xf32, #tpu.memory_space<vmem_shared>>
        %dma_start3A_75 = arith.constant 0 : i32
        %dma_start3A_76 = tpu.memref_slice %arg11[%add3A_69, %dma_start3A_75] : memref<10240x128xf32, #tpu.memory_space<vmem_shared>> -> memref<128x128xf32, #tpu.memory_space<vmem_shared>>
        tpu.enqueue_dma source(%dma_start3A_76 : memref<128x128xf32, #tpu.memory_space<vmem_shared>>) target(%arg12 : memref<128x128xf32, #tpu.memory_space<vmem>>) target_semaphore(%run_scoped3A : memref<!tpu.dma_semaphore, #tpu.memory_space<semaphore_mem>>)
        %dma_wait3A = arith.constant 0 : i32
        %dma_wait3A_77 = tpu.memref_slice %arg11[%add3A_69, %dma_wait3A] : memref<10240x128xf32, #tpu.memory_space<vmem_shared>> -> memref<128x128xf32, #tpu.memory_space<vmem_shared>>
        %dma_wait3A_78 = arith.constant 0 : i32
        %dma_wait3A_79 = tpu.memref_slice %arg11[%add3A_69, %dma_wait3A_78] : memref<10240x128xf32, #tpu.memory_space<vmem_shared>> -> memref<128x128xf32, #tpu.memory_space<vmem_shared>>
        tpu.wait_dma2 semaphore(%run_scoped3A : memref<!tpu.dma_semaphore, #tpu.memory_space<semaphore_mem>>) src(%dma_wait3A_79 : memref<128x128xf32, #tpu.memory_space<vmem_shared>>) dst(%arg12 : memref<128x128xf32, #tpu.memory_space<vmem>>)
        tpu.yield
      }) : () -> ()
      "tpu.region"() ({
        %run_scoped3A = tpu.sem_alloc : memref<!tpu.dma_semaphore, #tpu.memory_space<semaphore_mem>>
        %dma_start3A = arith.constant 0 : i32
        %dma_start3A_74 = tpu.memref_slice %arg8[%add3A_69, %dma_start3A] : memref<10240x128xf32, #tpu.memory_space<hbm>> -> memref<128x128xf32, #tpu.memory_space<hbm>>
        %dma_start3A_75 = arith.constant 0 : i32
        %dma_start3A_76 = tpu.memref_slice %arg8[%add3A_69, %dma_start3A_75] : memref<10240x128xf32, #tpu.memory_space<hbm>> -> memref<128x128xf32, #tpu.memory_space<hbm>>
        tpu.enqueue_dma source(%arg12 : memref<128x128xf32, #tpu.memory_space<vmem>>) target(%dma_start3A_76 : memref<128x128xf32, #tpu.memory_space<hbm>>) target_semaphore(%run_scoped3A : memref<!tpu.dma_semaphore, #tpu.memory_space<semaphore_mem>>)
        %dma_wait3A = arith.constant 0 : i32
        %dma_wait3A_77 = tpu.memref_slice %arg8[%add3A_69, %dma_wait3A] : memref<10240x128xf32, #tpu.memory_space<hbm>> -> memref<128x128xf32, #tpu.memory_space<hbm>>
        %dma_wait3A_78 = arith.constant 0 : i32
        %dma_wait3A_79 = tpu.memref_slice %arg8[%add3A_69, %dma_wait3A_78] : memref<10240x128xf32, #tpu.memory_space<hbm>> -> memref<128x128xf32, #tpu.memory_space<hbm>>
        tpu.wait_dma2 semaphore(%run_scoped3A : memref<!tpu.dma_semaphore, #tpu.memory_space<semaphore_mem>>) src(%arg12 : memref<128x128xf32, #tpu.memory_space<vmem>>) dst(%dma_wait3A_79 : memref<128x128xf32, #tpu.memory_space<hbm>>)
        tpu.yield
      }) : () -> ()
      %add3A_70 = arith.constant 384 : i32
      %add3A_71 = arith.addi %mul3A_2, %add3A_70 : i32
      "tpu.region"() ({
        %run_scoped3A = tpu.sem_alloc : memref<!tpu.dma_semaphore, #tpu.memory_space<semaphore_mem>>
        %dma_start3A = arith.constant 0 : i32
        %dma_start3A_74 = tpu.memref_slice %arg11[%add3A_71, %dma_start3A] : memref<10240x128xf32, #tpu.memory_space<vmem_shared>> -> memref<128x128xf32, #tpu.memory_space<vmem_shared>>
        %dma_start3A_75 = arith.constant 0 : i32
        %dma_start3A_76 = tpu.memref_slice %arg11[%add3A_71, %dma_start3A_75] : memref<10240x128xf32, #tpu.memory_space<vmem_shared>> -> memref<128x128xf32, #tpu.memory_space<vmem_shared>>
        tpu.enqueue_dma source(%dma_start3A_76 : memref<128x128xf32, #tpu.memory_space<vmem_shared>>) target(%arg12 : memref<128x128xf32, #tpu.memory_space<vmem>>) target_semaphore(%run_scoped3A : memref<!tpu.dma_semaphore, #tpu.memory_space<semaphore_mem>>)
        %dma_wait3A = arith.constant 0 : i32
        %dma_wait3A_77 = tpu.memref_slice %arg11[%add3A_71, %dma_wait3A] : memref<10240x128xf32, #tpu.memory_space<vmem_shared>> -> memref<128x128xf32, #tpu.memory_space<vmem_shared>>
        %dma_wait3A_78 = arith.constant 0 : i32
        %dma_wait3A_79 = tpu.memref_slice %arg11[%add3A_71, %dma_wait3A_78] : memref<10240x128xf32, #tpu.memory_space<vmem_shared>> -> memref<128x128xf32, #tpu.memory_space<vmem_shared>>
        tpu.wait_dma2 semaphore(%run_scoped3A : memref<!tpu.dma_semaphore, #tpu.memory_space<semaphore_mem>>) src(%dma_wait3A_79 : memref<128x128xf32, #tpu.memory_space<vmem_shared>>) dst(%arg12 : memref<128x128xf32, #tpu.memory_space<vmem>>)
        tpu.yield
      }) : () -> ()
      "tpu.region"() ({
        %run_scoped3A = tpu.sem_alloc : memref<!tpu.dma_semaphore, #tpu.memory_space<semaphore_mem>>
        %dma_start3A = arith.constant 0 : i32
        %dma_start3A_74 = tpu.memref_slice %arg8[%add3A_71, %dma_start3A] : memref<10240x128xf32, #tpu.memory_space<hbm>> -> memref<128x128xf32, #tpu.memory_space<hbm>>
        %dma_start3A_75 = arith.constant 0 : i32
        %dma_start3A_76 = tpu.memref_slice %arg8[%add3A_71, %dma_start3A_75] : memref<10240x128xf32, #tpu.memory_space<hbm>> -> memref<128x128xf32, #tpu.memory_space<hbm>>
        tpu.enqueue_dma source(%arg12 : memref<128x128xf32, #tpu.memory_space<vmem>>) target(%dma_start3A_76 : memref<128x128xf32, #tpu.memory_space<hbm>>) target_semaphore(%run_scoped3A : memref<!tpu.dma_semaphore, #tpu.memory_space<semaphore_mem>>)
        %dma_wait3A = arith.constant 0 : i32
        %dma_wait3A_77 = tpu.memref_slice %arg8[%add3A_71, %dma_wait3A] : memref<10240x128xf32, #tpu.memory_space<hbm>> -> memref<128x128xf32, #tpu.memory_space<hbm>>
        %dma_wait3A_78 = arith.constant 0 : i32
        %dma_wait3A_79 = tpu.memref_slice %arg8[%add3A_71, %dma_wait3A_78] : memref<10240x128xf32, #tpu.memory_space<hbm>> -> memref<128x128xf32, #tpu.memory_space<hbm>>
        tpu.wait_dma2 semaphore(%run_scoped3A : memref<!tpu.dma_semaphore, #tpu.memory_space<semaphore_mem>>) src(%arg12 : memref<128x128xf32, #tpu.memory_space<vmem>>) dst(%dma_wait3A_79 : memref<128x128xf32, #tpu.memory_space<hbm>>)
        tpu.yield
      }) : () -> ()
      %add3A_72 = arith.constant 512 : i32
      %add3A_73 = arith.addi %mul3A_2, %add3A_72 : i32
      "tpu.region"() ({
        %run_scoped3A = tpu.sem_alloc : memref<!tpu.dma_semaphore, #tpu.memory_space<semaphore_mem>>
        %dma_start3A = arith.constant 0 : i32
        %dma_start3A_74 = tpu.memref_slice %arg11[%add3A_73, %dma_start3A] : memref<10240x128xf32, #tpu.memory_space<vmem_shared>> -> memref<128x128xf32, #tpu.memory_space<vmem_shared>>
        %dma_start3A_75 = arith.constant 0 : i32
        %dma_start3A_76 = tpu.memref_slice %arg11[%add3A_73, %dma_start3A_75] : memref<10240x128xf32, #tpu.memory_space<vmem_shared>> -> memref<128x128xf32, #tpu.memory_space<vmem_shared>>
        tpu.enqueue_dma source(%dma_start3A_76 : memref<128x128xf32, #tpu.memory_space<vmem_shared>>) target(%arg12 : memref<128x128xf32, #tpu.memory_space<vmem>>) target_semaphore(%run_scoped3A : memref<!tpu.dma_semaphore, #tpu.memory_space<semaphore_mem>>)
        %dma_wait3A = arith.constant 0 : i32
        %dma_wait3A_77 = tpu.memref_slice %arg11[%add3A_73, %dma_wait3A] : memref<10240x128xf32, #tpu.memory_space<vmem_shared>> -> memref<128x128xf32, #tpu.memory_space<vmem_shared>>
        %dma_wait3A_78 = arith.constant 0 : i32
        %dma_wait3A_79 = tpu.memref_slice %arg11[%add3A_73, %dma_wait3A_78] : memref<10240x128xf32, #tpu.memory_space<vmem_shared>> -> memref<128x128xf32, #tpu.memory_space<vmem_shared>>
        tpu.wait_dma2 semaphore(%run_scoped3A : memref<!tpu.dma_semaphore, #tpu.memory_space<semaphore_mem>>) src(%dma_wait3A_79 : memref<128x128xf32, #tpu.memory_space<vmem_shared>>) dst(%arg12 : memref<128x128xf32, #tpu.memory_space<vmem>>)
        tpu.yield
      }) : () -> ()
      "tpu.region"() ({
        %run_scoped3A = tpu.sem_alloc : memref<!tpu.dma_semaphore, #tpu.memory_space<semaphore_mem>>
        %dma_start3A = arith.constant 0 : i32
        %dma_start3A_74 = tpu.memref_slice %arg8[%add3A_73, %dma_start3A] : memref<10240x128xf32, #tpu.memory_space<hbm>> -> memref<128x128xf32, #tpu.memory_space<hbm>>
        %dma_start3A_75 = arith.constant 0 : i32
        %dma_start3A_76 = tpu.memref_slice %arg8[%add3A_73, %dma_start3A_75] : memref<10240x128xf32, #tpu.memory_space<hbm>> -> memref<128x128xf32, #tpu.memory_space<hbm>>
        tpu.enqueue_dma source(%arg12 : memref<128x128xf32, #tpu.memory_space<vmem>>) target(%dma_start3A_76 : memref<128x128xf32, #tpu.memory_space<hbm>>) target_semaphore(%run_scoped3A : memref<!tpu.dma_semaphore, #tpu.memory_space<semaphore_mem>>)
        %dma_wait3A = arith.constant 0 : i32
        %dma_wait3A_77 = tpu.memref_slice %arg8[%add3A_73, %dma_wait3A] : memref<10240x128xf32, #tpu.memory_space<hbm>> -> memref<128x128xf32, #tpu.memory_space<hbm>>
        %dma_wait3A_78 = arith.constant 0 : i32
        %dma_wait3A_79 = tpu.memref_slice %arg8[%add3A_73, %dma_wait3A_78] : memref<10240x128xf32, #tpu.memory_space<hbm>> -> memref<128x128xf32, #tpu.memory_space<hbm>>
        tpu.wait_dma2 semaphore(%run_scoped3A : memref<!tpu.dma_semaphore, #tpu.memory_space<semaphore_mem>>) src(%arg12 : memref<128x128xf32, #tpu.memory_space<vmem>>) dst(%dma_wait3A_79 : memref<128x128xf32, #tpu.memory_space<hbm>>)
        tpu.yield
      }) : () -> ()
    } else {
    }
    %barrier3A_31 = arith.constant 0 : index
    tpu.barrier barrier_id(%barrier3A_31)
    "tpu.region"() ({
      %run_scoped3A = tpu.sem_alloc : memref<!tpu.dma_semaphore, #tpu.memory_space<semaphore_mem>>
      tpu.enqueue_dma source(%arg5 : memref<128x128xf32, #tpu.memory_space<hbm>>) target(%arg12 : memref<128x128xf32, #tpu.memory_space<vmem>>) target_semaphore(%run_scoped3A : memref<!tpu.dma_semaphore, #tpu.memory_space<semaphore_mem>>)
      tpu.wait_dma2 semaphore(%run_scoped3A : memref<!tpu.dma_semaphore, #tpu.memory_space<semaphore_mem>>) src(%arg5 : memref<128x128xf32, #tpu.memory_space<hbm>>) dst(%arg12 : memref<128x128xf32, #tpu.memory_space<vmem>>)
      tpu.yield
    }) : () -> ()
    %add3A_32 = arith.constant 0 : i32
    %add3A_33 = arith.addi %mul3A_2, %add3A_32 : i32
    "tpu.region"() ({
      %run_scoped3A = tpu.sem_alloc : memref<!tpu.dma_semaphore, #tpu.memory_space<semaphore_mem>>
      %dma_start3A = arith.constant 0 : i32
      %dma_start3A_64 = tpu.memref_slice %arg11[%add3A_33, %dma_start3A] : memref<10240x128xf32, #tpu.memory_space<vmem_shared>> -> memref<128x128xf32, #tpu.memory_space<vmem_shared>>
      %dma_start3A_65 = arith.constant 0 : i32
      %dma_start3A_66 = tpu.memref_slice %arg11[%add3A_33, %dma_start3A_65] : memref<10240x128xf32, #tpu.memory_space<vmem_shared>> -> memref<128x128xf32, #tpu.memory_space<vmem_shared>>
      tpu.enqueue_dma source(%arg12 : memref<128x128xf32, #tpu.memory_space<vmem>>) target(%dma_start3A_66 : memref<128x128xf32, #tpu.memory_space<vmem_shared>>) target_semaphore(%run_scoped3A : memref<!tpu.dma_semaphore, #tpu.memory_space<semaphore_mem>>)
      %dma_wait3A = arith.constant 0 : i32
      %dma_wait3A_67 = tpu.memref_slice %arg11[%add3A_33, %dma_wait3A] : memref<10240x128xf32, #tpu.memory_space<vmem_shared>> -> memref<128x128xf32, #tpu.memory_space<vmem_shared>>
      %dma_wait3A_68 = arith.constant 0 : i32
      %dma_wait3A_69 = tpu.memref_slice %arg11[%add3A_33, %dma_wait3A_68] : memref<10240x128xf32, #tpu.memory_space<vmem_shared>> -> memref<128x128xf32, #tpu.memory_space<vmem_shared>>
      tpu.wait_dma2 semaphore(%run_scoped3A : memref<!tpu.dma_semaphore, #tpu.memory_space<semaphore_mem>>) src(%arg12 : memref<128x128xf32, #tpu.memory_space<vmem>>) dst(%dma_wait3A_69 : memref<128x128xf32, #tpu.memory_space<vmem_shared>>)
      tpu.yield
    }) : () -> ()
    %add3A_34 = arith.constant 128 : i32
    %add3A_35 = arith.addi %mul3A_2, %add3A_34 : i32
    "tpu.region"() ({
      %run_scoped3A = tpu.sem_alloc : memref<!tpu.dma_semaphore, #tpu.memory_space<semaphore_mem>>
      %dma_start3A = arith.constant 0 : i32
      %dma_start3A_64 = tpu.memref_slice %arg11[%add3A_35, %dma_start3A] : memref<10240x128xf32, #tpu.memory_space<vmem_shared>> -> memref<128x128xf32, #tpu.memory_space<vmem_shared>>
      %dma_start3A_65 = arith.constant 0 : i32
      %dma_start3A_66 = tpu.memref_slice %arg11[%add3A_35, %dma_start3A_65] : memref<10240x128xf32, #tpu.memory_space<vmem_shared>> -> memref<128x128xf32, #tpu.memory_space<vmem_shared>>
      tpu.enqueue_dma source(%arg12 : memref<128x128xf32, #tpu.memory_space<vmem>>) target(%dma_start3A_66 : memref<128x128xf32, #tpu.memory_space<vmem_shared>>) target_semaphore(%run_scoped3A : memref<!tpu.dma_semaphore, #tpu.memory_space<semaphore_mem>>)
      %dma_wait3A = arith.constant 0 : i32
      %dma_wait3A_67 = tpu.memref_slice %arg11[%add3A_35, %dma_wait3A] : memref<10240x128xf32, #tpu.memory_space<vmem_shared>> -> memref<128x128xf32, #tpu.memory_space<vmem_shared>>
      %dma_wait3A_68 = arith.constant 0 : i32
      %dma_wait3A_69 = tpu.memref_slice %arg11[%add3A_35, %dma_wait3A_68] : memref<10240x128xf32, #tpu.memory_space<vmem_shared>> -> memref<128x128xf32, #tpu.memory_space<vmem_shared>>
      tpu.wait_dma2 semaphore(%run_scoped3A : memref<!tpu.dma_semaphore, #tpu.memory_space<semaphore_mem>>) src(%arg12 : memref<128x128xf32, #tpu.memory_space<vmem>>) dst(%dma_wait3A_69 : memref<128x128xf32, #tpu.memory_space<vmem_shared>>)
      tpu.yield
    }) : () -> ()
    %add3A_36 = arith.constant 256 : i32
    %add3A_37 = arith.addi %mul3A_2, %add3A_36 : i32
    "tpu.region"() ({
      %run_scoped3A = tpu.sem_alloc : memref<!tpu.dma_semaphore, #tpu.memory_space<semaphore_mem>>
      %dma_start3A = arith.constant 0 : i32
      %dma_start3A_64 = tpu.memref_slice %arg11[%add3A_37, %dma_start3A] : memref<10240x128xf32, #tpu.memory_space<vmem_shared>> -> memref<128x128xf32, #tpu.memory_space<vmem_shared>>
      %dma_start3A_65 = arith.constant 0 : i32
      %dma_start3A_66 = tpu.memref_slice %arg11[%add3A_37, %dma_start3A_65] : memref<10240x128xf32, #tpu.memory_space<vmem_shared>> -> memref<128x128xf32, #tpu.memory_space<vmem_shared>>
      tpu.enqueue_dma source(%arg12 : memref<128x128xf32, #tpu.memory_space<vmem>>) target(%dma_start3A_66 : memref<128x128xf32, #tpu.memory_space<vmem_shared>>) target_semaphore(%run_scoped3A : memref<!tpu.dma_semaphore, #tpu.memory_space<semaphore_mem>>)
      %dma_wait3A = arith.constant 0 : i32
      %dma_wait3A_67 = tpu.memref_slice %arg11[%add3A_37, %dma_wait3A] : memref<10240x128xf32, #tpu.memory_space<vmem_shared>> -> memref<128x128xf32, #tpu.memory_space<vmem_shared>>
      %dma_wait3A_68 = arith.constant 0 : i32
      %dma_wait3A_69 = tpu.memref_slice %arg11[%add3A_37, %dma_wait3A_68] : memref<10240x128xf32, #tpu.memory_space<vmem_shared>> -> memref<128x128xf32, #tpu.memory_space<vmem_shared>>
      tpu.wait_dma2 semaphore(%run_scoped3A : memref<!tpu.dma_semaphore, #tpu.memory_space<semaphore_mem>>) src(%arg12 : memref<128x128xf32, #tpu.memory_space<vmem>>) dst(%dma_wait3A_69 : memref<128x128xf32, #tpu.memory_space<vmem_shared>>)
      tpu.yield
    }) : () -> ()
    %add3A_38 = arith.constant 384 : i32
    %add3A_39 = arith.addi %mul3A_2, %add3A_38 : i32
    "tpu.region"() ({
      %run_scoped3A = tpu.sem_alloc : memref<!tpu.dma_semaphore, #tpu.memory_space<semaphore_mem>>
      %dma_start3A = arith.constant 0 : i32
      %dma_start3A_64 = tpu.memref_slice %arg11[%add3A_39, %dma_start3A] : memref<10240x128xf32, #tpu.memory_space<vmem_shared>> -> memref<128x128xf32, #tpu.memory_space<vmem_shared>>
      %dma_start3A_65 = arith.constant 0 : i32
      %dma_start3A_66 = tpu.memref_slice %arg11[%add3A_39, %dma_start3A_65] : memref<10240x128xf32, #tpu.memory_space<vmem_shared>> -> memref<128x128xf32, #tpu.memory_space<vmem_shared>>
      tpu.enqueue_dma source(%arg12 : memref<128x128xf32, #tpu.memory_space<vmem>>) target(%dma_start3A_66 : memref<128x128xf32, #tpu.memory_space<vmem_shared>>) target_semaphore(%run_scoped3A : memref<!tpu.dma_semaphore, #tpu.memory_space<semaphore_mem>>)
      %dma_wait3A = arith.constant 0 : i32
      %dma_wait3A_67 = tpu.memref_slice %arg11[%add3A_39, %dma_wait3A] : memref<10240x128xf32, #tpu.memory_space<vmem_shared>> -> memref<128x128xf32, #tpu.memory_space<vmem_shared>>
      %dma_wait3A_68 = arith.constant 0 : i32
      %dma_wait3A_69 = tpu.memref_slice %arg11[%add3A_39, %dma_wait3A_68] : memref<10240x128xf32, #tpu.memory_space<vmem_shared>> -> memref<128x128xf32, #tpu.memory_space<vmem_shared>>
      tpu.wait_dma2 semaphore(%run_scoped3A : memref<!tpu.dma_semaphore, #tpu.memory_space<semaphore_mem>>) src(%arg12 : memref<128x128xf32, #tpu.memory_space<vmem>>) dst(%dma_wait3A_69 : memref<128x128xf32, #tpu.memory_space<vmem_shared>>)
      tpu.yield
    }) : () -> ()
    %add3A_40 = arith.constant 512 : i32
    %add3A_41 = arith.addi %mul3A_2, %add3A_40 : i32
    "tpu.region"() ({
      %run_scoped3A = tpu.sem_alloc : memref<!tpu.dma_semaphore, #tpu.memory_space<semaphore_mem>>
      %dma_start3A = arith.constant 0 : i32
      %dma_start3A_64 = tpu.memref_slice %arg11[%add3A_41, %dma_start3A] : memref<10240x128xf32, #tpu.memory_space<vmem_shared>> -> memref<128x128xf32, #tpu.memory_space<vmem_shared>>
      %dma_start3A_65 = arith.constant 0 : i32
      %dma_start3A_66 = tpu.memref_slice %arg11[%add3A_41, %dma_start3A_65] : memref<10240x128xf32, #tpu.memory_space<vmem_shared>> -> memref<128x128xf32, #tpu.memory_space<vmem_shared>>
      tpu.enqueue_dma source(%arg12 : memref<128x128xf32, #tpu.memory_space<vmem>>) target(%dma_start3A_66 : memref<128x128xf32, #tpu.memory_space<vmem_shared>>) target_semaphore(%run_scoped3A : memref<!tpu.dma_semaphore, #tpu.memory_space<semaphore_mem>>)
      %dma_wait3A = arith.constant 0 : i32
      %dma_wait3A_67 = tpu.memref_slice %arg11[%add3A_41, %dma_wait3A] : memref<10240x128xf32, #tpu.memory_space<vmem_shared>> -> memref<128x128xf32, #tpu.memory_space<vmem_shared>>
      %dma_wait3A_68 = arith.constant 0 : i32
      %dma_wait3A_69 = tpu.memref_slice %arg11[%add3A_41, %dma_wait3A_68] : memref<10240x128xf32, #tpu.memory_space<vmem_shared>> -> memref<128x128xf32, #tpu.memory_space<vmem_shared>>
      tpu.wait_dma2 semaphore(%run_scoped3A : memref<!tpu.dma_semaphore, #tpu.memory_space<semaphore_mem>>) src(%arg12 : memref<128x128xf32, #tpu.memory_space<vmem>>) dst(%dma_wait3A_69 : memref<128x128xf32, #tpu.memory_space<vmem_shared>>)
      tpu.yield
    }) : () -> ()
    "tpu.region"() ({
      %run_scoped3A = tpu.sem_alloc : memref<!tpu.dma_semaphore, #tpu.memory_space<semaphore_mem>>
      tpu.enqueue_dma source(%arg6 : memref<128x128xf32, #tpu.memory_space<hbm>>) target(%arg12 : memref<128x128xf32, #tpu.memory_space<vmem>>) target_semaphore(%run_scoped3A : memref<!tpu.dma_semaphore, #tpu.memory_space<semaphore_mem>>)
      tpu.wait_dma2 semaphore(%run_scoped3A : memref<!tpu.dma_semaphore, #tpu.memory_space<semaphore_mem>>) src(%arg6 : memref<128x128xf32, #tpu.memory_space<hbm>>) dst(%arg12 : memref<128x128xf32, #tpu.memory_space<vmem>>)
      tpu.yield
    }) : () -> ()
    %barrier3A_42 = arith.constant 0 : index
    tpu.barrier barrier_id(%barrier3A_42)
    %eq3A_43 = arith.constant 0 : i32
    %eq3A_44 = arith.cmpi eq, %arg0, %eq3A_43 : i32
    %convert_element_type3A_45 = arith.extui %eq3A_44 : i1 to i32
    %cond3A_46 = arith.constant 0 : i32
    %cond3A_47 = arith.cmpi ne, %convert_element_type3A_45, %cond3A_46 : i32
    scf.if %cond3A_47 {
      %scan3A = arith.constant 0 : i32
      %scan3A_64 = arith.constant 0 : i32
      %scan3A_65 = arith.constant 157 : i32
      %scan3A_66 = arith.addi %scan3A_64, %scan3A_65 : i32
      %scan3A_67 = arith.constant 1 : i32
      scf.for %scan3A_69 = %scan3A_64 to %scan3A_66 step %scan3A_67  : i32 {
        %mul3A_70 = arith.constant 32 : i32
        %mul3A_71 = arith.muli %scan3A_69, %mul3A_70 : i32
        %add3A_72 = arith.addi %add3A, %mul3A_71 : i32
        %lt3A = arith.constant 5000 : i32
        %lt3A_73 = arith.cmpi slt, %add3A_72, %lt3A : i32
        %convert_element_type3A_74 = arith.extui %lt3A_73 : i1 to i32
        %cond3A_75 = arith.constant 0 : i32
        %cond3A_76 = arith.cmpi ne, %convert_element_type3A_74, %cond3A_75 : i32
        scf.if %cond3A_76 {
          %mul3A_77 = arith.constant 128 : i32
          %mul3A_78 = arith.muli %add3A_72, %mul3A_77 : i32
          "tpu.region"() ({
            %run_scoped3A = tpu.sem_alloc : memref<!tpu.dma_semaphore, #tpu.memory_space<semaphore_mem>>
            %dma_start3A = tpu.memref_slice %arg3[%mul3A_78] : memref<640000xi32, #tpu.memory_space<hbm>> -> memref<128xi32, #tpu.memory_space<hbm>>
            %dma_start3A_79 = tpu.memref_slice %arg3[%mul3A_78] : memref<640000xi32, #tpu.memory_space<hbm>> -> memref<128xi32, #tpu.memory_space<hbm>>
            tpu.enqueue_dma source(%dma_start3A_79 : memref<128xi32, #tpu.memory_space<hbm>>) target(%arg14 : memref<128xi32, #tpu.memory_space<vmem>>) target_semaphore(%run_scoped3A : memref<!tpu.dma_semaphore, #tpu.memory_space<semaphore_mem>>)
            %dma_wait3A = tpu.memref_slice %arg3[%mul3A_78] : memref<640000xi32, #tpu.memory_space<hbm>> -> memref<128xi32, #tpu.memory_space<hbm>>
            %dma_wait3A_80 = tpu.memref_slice %arg3[%mul3A_78] : memref<640000xi32, #tpu.memory_space<hbm>> -> memref<128xi32, #tpu.memory_space<hbm>>
            tpu.wait_dma2 semaphore(%run_scoped3A : memref<!tpu.dma_semaphore, #tpu.memory_space<semaphore_mem>>) src(%dma_wait3A_80 : memref<128xi32, #tpu.memory_space<hbm>>) dst(%arg14 : memref<128xi32, #tpu.memory_space<vmem>>)
            tpu.yield
          }) : () -> ()
          "tpu.region"() ({
            %run_scoped3A = tpu.sem_alloc : memref<!tpu.dma_semaphore, #tpu.memory_space<semaphore_mem>>
            %dma_start3A = arith.constant 0 : i32
            %dma_start3A_79 = arith.constant 0 : i32
            %dma_start3A_80 = tpu.memref_slice %arg11[%dma_start3A, %dma_start3A_79] : memref<10240x128xf32, #tpu.memory_space<vmem_shared>> -> memref<10240x128xf32, #tpu.memory_space<vmem_shared>>
            tpu.enqueue_indirect_dma source(%arg12 : memref<128x128xf32, #tpu.memory_space<vmem>>) target(%dma_start3A_80 : memref<10240x128xf32, #tpu.memory_space<vmem_shared>>) offsets(%arg14 : memref<128xi32, #tpu.memory_space<vmem>>) semaphore(%run_scoped3A : memref<!tpu.dma_semaphore, #tpu.memory_space<semaphore_mem>>) {add = true}
            %dma_wait3A = arith.constant 0 : i32
            %dma_wait3A_81 = arith.constant 0 : i32
            %dma_wait3A_82 = tpu.memref_slice %arg11[%dma_wait3A, %dma_wait3A_81] : memref<10240x128xf32, #tpu.memory_space<vmem_shared>> -> memref<10240x128xf32, #tpu.memory_space<vmem_shared>>
            tpu.wait_indirect_dma semaphore(%run_scoped3A : memref<!tpu.dma_semaphore, #tpu.memory_space<semaphore_mem>>) src(%arg12 : memref<128x128xf32, #tpu.memory_space<vmem>>) dst(%dma_wait3A_82 : memref<10240x128xf32, #tpu.memory_space<vmem_shared>>)
            tpu.yield
          }) : () -> ()
        } else {
        }
      }
      %scan3A_68 = arith.constant 157 : i32
    } else {
    }
    %eq3A_48 = arith.constant 1 : i32
    %eq3A_49 = arith.cmpi eq, %arg0, %eq3A_48 : i32
    %convert_element_type3A_50 = arith.extui %eq3A_49 : i1 to i32
    %cond3A_51 = arith.constant 0 : i32
    %cond3A_52 = arith.cmpi ne, %convert_element_type3A_50, %cond3A_51 : i32
    scf.if %cond3A_52 {
      %scan3A = arith.constant 0 : i32
      %scan3A_64 = arith.constant 0 : i32
      %scan3A_65 = arith.constant 157 : i32
      %scan3A_66 = arith.addi %scan3A_64, %scan3A_65 : i32
      %scan3A_67 = arith.constant 1 : i32
      scf.for %scan3A_69 = %scan3A_64 to %scan3A_66 step %scan3A_67  : i32 {
        %mul3A_70 = arith.constant 32 : i32
        %mul3A_71 = arith.muli %scan3A_69, %mul3A_70 : i32
        %add3A_72 = arith.addi %add3A, %mul3A_71 : i32
        %lt3A = arith.constant 5000 : i32
        %lt3A_73 = arith.cmpi slt, %add3A_72, %lt3A : i32
        %convert_element_type3A_74 = arith.extui %lt3A_73 : i1 to i32
        %cond3A_75 = arith.constant 0 : i32
        %cond3A_76 = arith.cmpi ne, %convert_element_type3A_74, %cond3A_75 : i32
        scf.if %cond3A_76 {
          %mul3A_77 = arith.constant 128 : i32
          %mul3A_78 = arith.muli %add3A_72, %mul3A_77 : i32
          "tpu.region"() ({
            %run_scoped3A = tpu.sem_alloc : memref<!tpu.dma_semaphore, #tpu.memory_space<semaphore_mem>>
            %dma_start3A = tpu.memref_slice %arg4[%mul3A_78] : memref<640000xi32, #tpu.memory_space<hbm>> -> memref<128xi32, #tpu.memory_space<hbm>>
            %dma_start3A_79 = tpu.memref_slice %arg4[%mul3A_78] : memref<640000xi32, #tpu.memory_space<hbm>> -> memref<128xi32, #tpu.memory_space<hbm>>
            tpu.enqueue_dma source(%dma_start3A_79 : memref<128xi32, #tpu.memory_space<hbm>>) target(%arg14 : memref<128xi32, #tpu.memory_space<vmem>>) target_semaphore(%run_scoped3A : memref<!tpu.dma_semaphore, #tpu.memory_space<semaphore_mem>>)
            %dma_wait3A = tpu.memref_slice %arg4[%mul3A_78] : memref<640000xi32, #tpu.memory_space<hbm>> -> memref<128xi32, #tpu.memory_space<hbm>>
            %dma_wait3A_80 = tpu.memref_slice %arg4[%mul3A_78] : memref<640000xi32, #tpu.memory_space<hbm>> -> memref<128xi32, #tpu.memory_space<hbm>>
            tpu.wait_dma2 semaphore(%run_scoped3A : memref<!tpu.dma_semaphore, #tpu.memory_space<semaphore_mem>>) src(%dma_wait3A_80 : memref<128xi32, #tpu.memory_space<hbm>>) dst(%arg14 : memref<128xi32, #tpu.memory_space<vmem>>)
            tpu.yield
          }) : () -> ()
          "tpu.region"() ({
            %run_scoped3A = tpu.sem_alloc : memref<!tpu.dma_semaphore, #tpu.memory_space<semaphore_mem>>
            %dma_start3A = arith.constant 0 : i32
            %dma_start3A_79 = arith.constant 0 : i32
            %dma_start3A_80 = tpu.memref_slice %arg11[%dma_start3A, %dma_start3A_79] : memref<10240x128xf32, #tpu.memory_space<vmem_shared>> -> memref<10240x128xf32, #tpu.memory_space<vmem_shared>>
            tpu.enqueue_indirect_dma source(%arg12 : memref<128x128xf32, #tpu.memory_space<vmem>>) target(%dma_start3A_80 : memref<10240x128xf32, #tpu.memory_space<vmem_shared>>) offsets(%arg14 : memref<128xi32, #tpu.memory_space<vmem>>) semaphore(%run_scoped3A : memref<!tpu.dma_semaphore, #tpu.memory_space<semaphore_mem>>) {add = true}
            %dma_wait3A = arith.constant 0 : i32
            %dma_wait3A_81 = arith.constant 0 : i32
            %dma_wait3A_82 = tpu.memref_slice %arg11[%dma_wait3A, %dma_wait3A_81] : memref<10240x128xf32, #tpu.memory_space<vmem_shared>> -> memref<10240x128xf32, #tpu.memory_space<vmem_shared>>
            tpu.wait_indirect_dma semaphore(%run_scoped3A : memref<!tpu.dma_semaphore, #tpu.memory_space<semaphore_mem>>) src(%arg12 : memref<128x128xf32, #tpu.memory_space<vmem>>) dst(%dma_wait3A_82 : memref<10240x128xf32, #tpu.memory_space<vmem_shared>>)
            tpu.yield
          }) : () -> ()
        } else {
        }
      }
      %scan3A_68 = arith.constant 157 : i32
    } else {
    }
    %barrier3A_53 = arith.constant 0 : index
    tpu.barrier barrier_id(%barrier3A_53)
    %eq3A_54 = arith.constant 0 : i32
    %eq3A_55 = arith.cmpi eq, %arg0, %eq3A_54 : i32
    %convert_element_type3A_56 = arith.extui %eq3A_55 : i1 to i32
    %cond3A_57 = arith.constant 0 : i32
    %cond3A_58 = arith.cmpi ne, %convert_element_type3A_56, %cond3A_57 : i32
    scf.if %cond3A_58 {
      %add3A_64 = arith.constant 0 : i32
      %add3A_65 = arith.addi %mul3A_2, %add3A_64 : i32
      "tpu.region"() ({
        %run_scoped3A = tpu.sem_alloc : memref<!tpu.dma_semaphore, #tpu.memory_space<semaphore_mem>>
        %dma_start3A = arith.constant 0 : i32
        %dma_start3A_74 = tpu.memref_slice %arg11[%add3A_65, %dma_start3A] : memref<10240x128xf32, #tpu.memory_space<vmem_shared>> -> memref<128x128xf32, #tpu.memory_space<vmem_shared>>
        %dma_start3A_75 = arith.constant 0 : i32
        %dma_start3A_76 = tpu.memref_slice %arg11[%add3A_65, %dma_start3A_75] : memref<10240x128xf32, #tpu.memory_space<vmem_shared>> -> memref<128x128xf32, #tpu.memory_space<vmem_shared>>
        tpu.enqueue_dma source(%dma_start3A_76 : memref<128x128xf32, #tpu.memory_space<vmem_shared>>) target(%arg12 : memref<128x128xf32, #tpu.memory_space<vmem>>) target_semaphore(%run_scoped3A : memref<!tpu.dma_semaphore, #tpu.memory_space<semaphore_mem>>)
        %dma_wait3A = arith.constant 0 : i32
        %dma_wait3A_77 = tpu.memref_slice %arg11[%add3A_65, %dma_wait3A] : memref<10240x128xf32, #tpu.memory_space<vmem_shared>> -> memref<128x128xf32, #tpu.memory_space<vmem_shared>>
        %dma_wait3A_78 = arith.constant 0 : i32
        %dma_wait3A_79 = tpu.memref_slice %arg11[%add3A_65, %dma_wait3A_78] : memref<10240x128xf32, #tpu.memory_space<vmem_shared>> -> memref<128x128xf32, #tpu.memory_space<vmem_shared>>
        tpu.wait_dma2 semaphore(%run_scoped3A : memref<!tpu.dma_semaphore, #tpu.memory_space<semaphore_mem>>) src(%dma_wait3A_79 : memref<128x128xf32, #tpu.memory_space<vmem_shared>>) dst(%arg12 : memref<128x128xf32, #tpu.memory_space<vmem>>)
        tpu.yield
      }) : () -> ()
      "tpu.region"() ({
        %run_scoped3A = tpu.sem_alloc : memref<!tpu.dma_semaphore, #tpu.memory_space<semaphore_mem>>
        %dma_start3A = arith.constant 0 : i32
        %dma_start3A_74 = tpu.memref_slice %arg9[%add3A_65, %dma_start3A] : memref<10240x128xf32, #tpu.memory_space<hbm>> -> memref<128x128xf32, #tpu.memory_space<hbm>>
        %dma_start3A_75 = arith.constant 0 : i32
        %dma_start3A_76 = tpu.memref_slice %arg9[%add3A_65, %dma_start3A_75] : memref<10240x128xf32, #tpu.memory_space<hbm>> -> memref<128x128xf32, #tpu.memory_space<hbm>>
        tpu.enqueue_dma source(%arg12 : memref<128x128xf32, #tpu.memory_space<vmem>>) target(%dma_start3A_76 : memref<128x128xf32, #tpu.memory_space<hbm>>) target_semaphore(%run_scoped3A : memref<!tpu.dma_semaphore, #tpu.memory_space<semaphore_mem>>)
        %dma_wait3A = arith.constant 0 : i32
        %dma_wait3A_77 = tpu.memref_slice %arg9[%add3A_65, %dma_wait3A] : memref<10240x128xf32, #tpu.memory_space<hbm>> -> memref<128x128xf32, #tpu.memory_space<hbm>>
        %dma_wait3A_78 = arith.constant 0 : i32
        %dma_wait3A_79 = tpu.memref_slice %arg9[%add3A_65, %dma_wait3A_78] : memref<10240x128xf32, #tpu.memory_space<hbm>> -> memref<128x128xf32, #tpu.memory_space<hbm>>
        tpu.wait_dma2 semaphore(%run_scoped3A : memref<!tpu.dma_semaphore, #tpu.memory_space<semaphore_mem>>) src(%arg12 : memref<128x128xf32, #tpu.memory_space<vmem>>) dst(%dma_wait3A_79 : memref<128x128xf32, #tpu.memory_space<hbm>>)
        tpu.yield
      }) : () -> ()
      %add3A_66 = arith.constant 128 : i32
      %add3A_67 = arith.addi %mul3A_2, %add3A_66 : i32
      "tpu.region"() ({
        %run_scoped3A = tpu.sem_alloc : memref<!tpu.dma_semaphore, #tpu.memory_space<semaphore_mem>>
        %dma_start3A = arith.constant 0 : i32
        %dma_start3A_74 = tpu.memref_slice %arg11[%add3A_67, %dma_start3A] : memref<10240x128xf32, #tpu.memory_space<vmem_shared>> -> memref<128x128xf32, #tpu.memory_space<vmem_shared>>
        %dma_start3A_75 = arith.constant 0 : i32
        %dma_start3A_76 = tpu.memref_slice %arg11[%add3A_67, %dma_start3A_75] : memref<10240x128xf32, #tpu.memory_space<vmem_shared>> -> memref<128x128xf32, #tpu.memory_space<vmem_shared>>
        tpu.enqueue_dma source(%dma_start3A_76 : memref<128x128xf32, #tpu.memory_space<vmem_shared>>) target(%arg12 : memref<128x128xf32, #tpu.memory_space<vmem>>) target_semaphore(%run_scoped3A : memref<!tpu.dma_semaphore, #tpu.memory_space<semaphore_mem>>)
        %dma_wait3A = arith.constant 0 : i32
        %dma_wait3A_77 = tpu.memref_slice %arg11[%add3A_67, %dma_wait3A] : memref<10240x128xf32, #tpu.memory_space<vmem_shared>> -> memref<128x128xf32, #tpu.memory_space<vmem_shared>>
        %dma_wait3A_78 = arith.constant 0 : i32
        %dma_wait3A_79 = tpu.memref_slice %arg11[%add3A_67, %dma_wait3A_78] : memref<10240x128xf32, #tpu.memory_space<vmem_shared>> -> memref<128x128xf32, #tpu.memory_space<vmem_shared>>
        tpu.wait_dma2 semaphore(%run_scoped3A : memref<!tpu.dma_semaphore, #tpu.memory_space<semaphore_mem>>) src(%dma_wait3A_79 : memref<128x128xf32, #tpu.memory_space<vmem_shared>>) dst(%arg12 : memref<128x128xf32, #tpu.memory_space<vmem>>)
        tpu.yield
      }) : () -> ()
      "tpu.region"() ({
        %run_scoped3A = tpu.sem_alloc : memref<!tpu.dma_semaphore, #tpu.memory_space<semaphore_mem>>
        %dma_start3A = arith.constant 0 : i32
        %dma_start3A_74 = tpu.memref_slice %arg9[%add3A_67, %dma_start3A] : memref<10240x128xf32, #tpu.memory_space<hbm>> -> memref<128x128xf32, #tpu.memory_space<hbm>>
        %dma_start3A_75 = arith.constant 0 : i32
        %dma_start3A_76 = tpu.memref_slice %arg9[%add3A_67, %dma_start3A_75] : memref<10240x128xf32, #tpu.memory_space<hbm>> -> memref<128x128xf32, #tpu.memory_space<hbm>>
        tpu.enqueue_dma source(%arg12 : memref<128x128xf32, #tpu.memory_space<vmem>>) target(%dma_start3A_76 : memref<128x128xf32, #tpu.memory_space<hbm>>) target_semaphore(%run_scoped3A : memref<!tpu.dma_semaphore, #tpu.memory_space<semaphore_mem>>)
        %dma_wait3A = arith.constant 0 : i32
        %dma_wait3A_77 = tpu.memref_slice %arg9[%add3A_67, %dma_wait3A] : memref<10240x128xf32, #tpu.memory_space<hbm>> -> memref<128x128xf32, #tpu.memory_space<hbm>>
        %dma_wait3A_78 = arith.constant 0 : i32
        %dma_wait3A_79 = tpu.memref_slice %arg9[%add3A_67, %dma_wait3A_78] : memref<10240x128xf32, #tpu.memory_space<hbm>> -> memref<128x128xf32, #tpu.memory_space<hbm>>
        tpu.wait_dma2 semaphore(%run_scoped3A : memref<!tpu.dma_semaphore, #tpu.memory_space<semaphore_mem>>) src(%arg12 : memref<128x128xf32, #tpu.memory_space<vmem>>) dst(%dma_wait3A_79 : memref<128x128xf32, #tpu.memory_space<hbm>>)
        tpu.yield
      }) : () -> ()
      %add3A_68 = arith.constant 256 : i32
      %add3A_69 = arith.addi %mul3A_2, %add3A_68 : i32
      "tpu.region"() ({
        %run_scoped3A = tpu.sem_alloc : memref<!tpu.dma_semaphore, #tpu.memory_space<semaphore_mem>>
        %dma_start3A = arith.constant 0 : i32
        %dma_start3A_74 = tpu.memref_slice %arg11[%add3A_69, %dma_start3A] : memref<10240x128xf32, #tpu.memory_space<vmem_shared>> -> memref<128x128xf32, #tpu.memory_space<vmem_shared>>
        %dma_start3A_75 = arith.constant 0 : i32
        %dma_start3A_76 = tpu.memref_slice %arg11[%add3A_69, %dma_start3A_75] : memref<10240x128xf32, #tpu.memory_space<vmem_shared>> -> memref<128x128xf32, #tpu.memory_space<vmem_shared>>
        tpu.enqueue_dma source(%dma_start3A_76 : memref<128x128xf32, #tpu.memory_space<vmem_shared>>) target(%arg12 : memref<128x128xf32, #tpu.memory_space<vmem>>) target_semaphore(%run_scoped3A : memref<!tpu.dma_semaphore, #tpu.memory_space<semaphore_mem>>)
        %dma_wait3A = arith.constant 0 : i32
        %dma_wait3A_77 = tpu.memref_slice %arg11[%add3A_69, %dma_wait3A] : memref<10240x128xf32, #tpu.memory_space<vmem_shared>> -> memref<128x128xf32, #tpu.memory_space<vmem_shared>>
        %dma_wait3A_78 = arith.constant 0 : i32
        %dma_wait3A_79 = tpu.memref_slice %arg11[%add3A_69, %dma_wait3A_78] : memref<10240x128xf32, #tpu.memory_space<vmem_shared>> -> memref<128x128xf32, #tpu.memory_space<vmem_shared>>
        tpu.wait_dma2 semaphore(%run_scoped3A : memref<!tpu.dma_semaphore, #tpu.memory_space<semaphore_mem>>) src(%dma_wait3A_79 : memref<128x128xf32, #tpu.memory_space<vmem_shared>>) dst(%arg12 : memref<128x128xf32, #tpu.memory_space<vmem>>)
        tpu.yield
      }) : () -> ()
      "tpu.region"() ({
        %run_scoped3A = tpu.sem_alloc : memref<!tpu.dma_semaphore, #tpu.memory_space<semaphore_mem>>
        %dma_start3A = arith.constant 0 : i32
        %dma_start3A_74 = tpu.memref_slice %arg9[%add3A_69, %dma_start3A] : memref<10240x128xf32, #tpu.memory_space<hbm>> -> memref<128x128xf32, #tpu.memory_space<hbm>>
        %dma_start3A_75 = arith.constant 0 : i32
        %dma_start3A_76 = tpu.memref_slice %arg9[%add3A_69, %dma_start3A_75] : memref<10240x128xf32, #tpu.memory_space<hbm>> -> memref<128x128xf32, #tpu.memory_space<hbm>>
        tpu.enqueue_dma source(%arg12 : memref<128x128xf32, #tpu.memory_space<vmem>>) target(%dma_start3A_76 : memref<128x128xf32, #tpu.memory_space<hbm>>) target_semaphore(%run_scoped3A : memref<!tpu.dma_semaphore, #tpu.memory_space<semaphore_mem>>)
        %dma_wait3A = arith.constant 0 : i32
        %dma_wait3A_77 = tpu.memref_slice %arg9[%add3A_69, %dma_wait3A] : memref<10240x128xf32, #tpu.memory_space<hbm>> -> memref<128x128xf32, #tpu.memory_space<hbm>>
        %dma_wait3A_78 = arith.constant 0 : i32
        %dma_wait3A_79 = tpu.memref_slice %arg9[%add3A_69, %dma_wait3A_78] : memref<10240x128xf32, #tpu.memory_space<hbm>> -> memref<128x128xf32, #tpu.memory_space<hbm>>
        tpu.wait_dma2 semaphore(%run_scoped3A : memref<!tpu.dma_semaphore, #tpu.memory_space<semaphore_mem>>) src(%arg12 : memref<128x128xf32, #tpu.memory_space<vmem>>) dst(%dma_wait3A_79 : memref<128x128xf32, #tpu.memory_space<hbm>>)
        tpu.yield
      }) : () -> ()
      %add3A_70 = arith.constant 384 : i32
      %add3A_71 = arith.addi %mul3A_2, %add3A_70 : i32
      "tpu.region"() ({
        %run_scoped3A = tpu.sem_alloc : memref<!tpu.dma_semaphore, #tpu.memory_space<semaphore_mem>>
        %dma_start3A = arith.constant 0 : i32
        %dma_start3A_74 = tpu.memref_slice %arg11[%add3A_71, %dma_start3A] : memref<10240x128xf32, #tpu.memory_space<vmem_shared>> -> memref<128x128xf32, #tpu.memory_space<vmem_shared>>
        %dma_start3A_75 = arith.constant 0 : i32
        %dma_start3A_76 = tpu.memref_slice %arg11[%add3A_71, %dma_start3A_75] : memref<10240x128xf32, #tpu.memory_space<vmem_shared>> -> memref<128x128xf32, #tpu.memory_space<vmem_shared>>
        tpu.enqueue_dma source(%dma_start3A_76 : memref<128x128xf32, #tpu.memory_space<vmem_shared>>) target(%arg12 : memref<128x128xf32, #tpu.memory_space<vmem>>) target_semaphore(%run_scoped3A : memref<!tpu.dma_semaphore, #tpu.memory_space<semaphore_mem>>)
        %dma_wait3A = arith.constant 0 : i32
        %dma_wait3A_77 = tpu.memref_slice %arg11[%add3A_71, %dma_wait3A] : memref<10240x128xf32, #tpu.memory_space<vmem_shared>> -> memref<128x128xf32, #tpu.memory_space<vmem_shared>>
        %dma_wait3A_78 = arith.constant 0 : i32
        %dma_wait3A_79 = tpu.memref_slice %arg11[%add3A_71, %dma_wait3A_78] : memref<10240x128xf32, #tpu.memory_space<vmem_shared>> -> memref<128x128xf32, #tpu.memory_space<vmem_shared>>
        tpu.wait_dma2 semaphore(%run_scoped3A : memref<!tpu.dma_semaphore, #tpu.memory_space<semaphore_mem>>) src(%dma_wait3A_79 : memref<128x128xf32, #tpu.memory_space<vmem_shared>>) dst(%arg12 : memref<128x128xf32, #tpu.memory_space<vmem>>)
        tpu.yield
      }) : () -> ()
      "tpu.region"() ({
        %run_scoped3A = tpu.sem_alloc : memref<!tpu.dma_semaphore, #tpu.memory_space<semaphore_mem>>
        %dma_start3A = arith.constant 0 : i32
        %dma_start3A_74 = tpu.memref_slice %arg9[%add3A_71, %dma_start3A] : memref<10240x128xf32, #tpu.memory_space<hbm>> -> memref<128x128xf32, #tpu.memory_space<hbm>>
        %dma_start3A_75 = arith.constant 0 : i32
        %dma_start3A_76 = tpu.memref_slice %arg9[%add3A_71, %dma_start3A_75] : memref<10240x128xf32, #tpu.memory_space<hbm>> -> memref<128x128xf32, #tpu.memory_space<hbm>>
        tpu.enqueue_dma source(%arg12 : memref<128x128xf32, #tpu.memory_space<vmem>>) target(%dma_start3A_76 : memref<128x128xf32, #tpu.memory_space<hbm>>) target_semaphore(%run_scoped3A : memref<!tpu.dma_semaphore, #tpu.memory_space<semaphore_mem>>)
        %dma_wait3A = arith.constant 0 : i32
        %dma_wait3A_77 = tpu.memref_slice %arg9[%add3A_71, %dma_wait3A] : memref<10240x128xf32, #tpu.memory_space<hbm>> -> memref<128x128xf32, #tpu.memory_space<hbm>>
        %dma_wait3A_78 = arith.constant 0 : i32
        %dma_wait3A_79 = tpu.memref_slice %arg9[%add3A_71, %dma_wait3A_78] : memref<10240x128xf32, #tpu.memory_space<hbm>> -> memref<128x128xf32, #tpu.memory_space<hbm>>
        tpu.wait_dma2 semaphore(%run_scoped3A : memref<!tpu.dma_semaphore, #tpu.memory_space<semaphore_mem>>) src(%arg12 : memref<128x128xf32, #tpu.memory_space<vmem>>) dst(%dma_wait3A_79 : memref<128x128xf32, #tpu.memory_space<hbm>>)
        tpu.yield
      }) : () -> ()
      %add3A_72 = arith.constant 512 : i32
      %add3A_73 = arith.addi %mul3A_2, %add3A_72 : i32
      "tpu.region"() ({
        %run_scoped3A = tpu.sem_alloc : memref<!tpu.dma_semaphore, #tpu.memory_space<semaphore_mem>>
        %dma_start3A = arith.constant 0 : i32
        %dma_start3A_74 = tpu.memref_slice %arg11[%add3A_73, %dma_start3A] : memref<10240x128xf32, #tpu.memory_space<vmem_shared>> -> memref<128x128xf32, #tpu.memory_space<vmem_shared>>
        %dma_start3A_75 = arith.constant 0 : i32
        %dma_start3A_76 = tpu.memref_slice %arg11[%add3A_73, %dma_start3A_75] : memref<10240x128xf32, #tpu.memory_space<vmem_shared>> -> memref<128x128xf32, #tpu.memory_space<vmem_shared>>
        tpu.enqueue_dma source(%dma_start3A_76 : memref<128x128xf32, #tpu.memory_space<vmem_shared>>) target(%arg12 : memref<128x128xf32, #tpu.memory_space<vmem>>) target_semaphore(%run_scoped3A : memref<!tpu.dma_semaphore, #tpu.memory_space<semaphore_mem>>)
        %dma_wait3A = arith.constant 0 : i32
        %dma_wait3A_77 = tpu.memref_slice %arg11[%add3A_73, %dma_wait3A] : memref<10240x128xf32, #tpu.memory_space<vmem_shared>> -> memref<128x128xf32, #tpu.memory_space<vmem_shared>>
        %dma_wait3A_78 = arith.constant 0 : i32
        %dma_wait3A_79 = tpu.memref_slice %arg11[%add3A_73, %dma_wait3A_78] : memref<10240x128xf32, #tpu.memory_space<vmem_shared>> -> memref<128x128xf32, #tpu.memory_space<vmem_shared>>
        tpu.wait_dma2 semaphore(%run_scoped3A : memref<!tpu.dma_semaphore, #tpu.memory_space<semaphore_mem>>) src(%dma_wait3A_79 : memref<128x128xf32, #tpu.memory_space<vmem_shared>>) dst(%arg12 : memref<128x128xf32, #tpu.memory_space<vmem>>)
        tpu.yield
      }) : () -> ()
      "tpu.region"() ({
        %run_scoped3A = tpu.sem_alloc : memref<!tpu.dma_semaphore, #tpu.memory_space<semaphore_mem>>
        %dma_start3A = arith.constant 0 : i32
        %dma_start3A_74 = tpu.memref_slice %arg9[%add3A_73, %dma_start3A] : memref<10240x128xf32, #tpu.memory_space<hbm>> -> memref<128x128xf32, #tpu.memory_space<hbm>>
        %dma_start3A_75 = arith.constant 0 : i32
        %dma_start3A_76 = tpu.memref_slice %arg9[%add3A_73, %dma_start3A_75] : memref<10240x128xf32, #tpu.memory_space<hbm>> -> memref<128x128xf32, #tpu.memory_space<hbm>>
        tpu.enqueue_dma source(%arg12 : memref<128x128xf32, #tpu.memory_space<vmem>>) target(%dma_start3A_76 : memref<128x128xf32, #tpu.memory_space<hbm>>) target_semaphore(%run_scoped3A : memref<!tpu.dma_semaphore, #tpu.memory_space<semaphore_mem>>)
        %dma_wait3A = arith.constant 0 : i32
        %dma_wait3A_77 = tpu.memref_slice %arg9[%add3A_73, %dma_wait3A] : memref<10240x128xf32, #tpu.memory_space<hbm>> -> memref<128x128xf32, #tpu.memory_space<hbm>>
        %dma_wait3A_78 = arith.constant 0 : i32
        %dma_wait3A_79 = tpu.memref_slice %arg9[%add3A_73, %dma_wait3A_78] : memref<10240x128xf32, #tpu.memory_space<hbm>> -> memref<128x128xf32, #tpu.memory_space<hbm>>
        tpu.wait_dma2 semaphore(%run_scoped3A : memref<!tpu.dma_semaphore, #tpu.memory_space<semaphore_mem>>) src(%arg12 : memref<128x128xf32, #tpu.memory_space<vmem>>) dst(%dma_wait3A_79 : memref<128x128xf32, #tpu.memory_space<hbm>>)
        tpu.yield
      }) : () -> ()
    } else {
    }
    %eq3A_59 = arith.constant 1 : i32
    %eq3A_60 = arith.cmpi eq, %arg0, %eq3A_59 : i32
    %convert_element_type3A_61 = arith.extui %eq3A_60 : i1 to i32
    %cond3A_62 = arith.constant 0 : i32
    %cond3A_63 = arith.cmpi ne, %convert_element_type3A_61, %cond3A_62 : i32
    scf.if %cond3A_63 {
      %add3A_64 = arith.constant 0 : i32
      %add3A_65 = arith.addi %mul3A_2, %add3A_64 : i32
      "tpu.region"() ({
        %run_scoped3A = tpu.sem_alloc : memref<!tpu.dma_semaphore, #tpu.memory_space<semaphore_mem>>
        %dma_start3A = arith.constant 0 : i32
        %dma_start3A_74 = tpu.memref_slice %arg11[%add3A_65, %dma_start3A] : memref<10240x128xf32, #tpu.memory_space<vmem_shared>> -> memref<128x128xf32, #tpu.memory_space<vmem_shared>>
        %dma_start3A_75 = arith.constant 0 : i32
        %dma_start3A_76 = tpu.memref_slice %arg11[%add3A_65, %dma_start3A_75] : memref<10240x128xf32, #tpu.memory_space<vmem_shared>> -> memref<128x128xf32, #tpu.memory_space<vmem_shared>>
        tpu.enqueue_dma source(%dma_start3A_76 : memref<128x128xf32, #tpu.memory_space<vmem_shared>>) target(%arg12 : memref<128x128xf32, #tpu.memory_space<vmem>>) target_semaphore(%run_scoped3A : memref<!tpu.dma_semaphore, #tpu.memory_space<semaphore_mem>>)
        %dma_wait3A = arith.constant 0 : i32
        %dma_wait3A_77 = tpu.memref_slice %arg11[%add3A_65, %dma_wait3A] : memref<10240x128xf32, #tpu.memory_space<vmem_shared>> -> memref<128x128xf32, #tpu.memory_space<vmem_shared>>
        %dma_wait3A_78 = arith.constant 0 : i32
        %dma_wait3A_79 = tpu.memref_slice %arg11[%add3A_65, %dma_wait3A_78] : memref<10240x128xf32, #tpu.memory_space<vmem_shared>> -> memref<128x128xf32, #tpu.memory_space<vmem_shared>>
        tpu.wait_dma2 semaphore(%run_scoped3A : memref<!tpu.dma_semaphore, #tpu.memory_space<semaphore_mem>>) src(%dma_wait3A_79 : memref<128x128xf32, #tpu.memory_space<vmem_shared>>) dst(%arg12 : memref<128x128xf32, #tpu.memory_space<vmem>>)
        tpu.yield
      }) : () -> ()
      "tpu.region"() ({
        %run_scoped3A = tpu.sem_alloc : memref<!tpu.dma_semaphore, #tpu.memory_space<semaphore_mem>>
        %dma_start3A = arith.constant 0 : i32
        %dma_start3A_74 = tpu.memref_slice %arg10[%add3A_65, %dma_start3A] : memref<10240x128xf32, #tpu.memory_space<hbm>> -> memref<128x128xf32, #tpu.memory_space<hbm>>
        %dma_start3A_75 = arith.constant 0 : i32
        %dma_start3A_76 = tpu.memref_slice %arg10[%add3A_65, %dma_start3A_75] : memref<10240x128xf32, #tpu.memory_space<hbm>> -> memref<128x128xf32, #tpu.memory_space<hbm>>
        tpu.enqueue_dma source(%arg12 : memref<128x128xf32, #tpu.memory_space<vmem>>) target(%dma_start3A_76 : memref<128x128xf32, #tpu.memory_space<hbm>>) target_semaphore(%run_scoped3A : memref<!tpu.dma_semaphore, #tpu.memory_space<semaphore_mem>>)
        %dma_wait3A = arith.constant 0 : i32
        %dma_wait3A_77 = tpu.memref_slice %arg10[%add3A_65, %dma_wait3A] : memref<10240x128xf32, #tpu.memory_space<hbm>> -> memref<128x128xf32, #tpu.memory_space<hbm>>
        %dma_wait3A_78 = arith.constant 0 : i32
        %dma_wait3A_79 = tpu.memref_slice %arg10[%add3A_65, %dma_wait3A_78] : memref<10240x128xf32, #tpu.memory_space<hbm>> -> memref<128x128xf32, #tpu.memory_space<hbm>>
        tpu.wait_dma2 semaphore(%run_scoped3A : memref<!tpu.dma_semaphore, #tpu.memory_space<semaphore_mem>>) src(%arg12 : memref<128x128xf32, #tpu.memory_space<vmem>>) dst(%dma_wait3A_79 : memref<128x128xf32, #tpu.memory_space<hbm>>)
        tpu.yield
      }) : () -> ()
      %add3A_66 = arith.constant 128 : i32
      %add3A_67 = arith.addi %mul3A_2, %add3A_66 : i32
      "tpu.region"() ({
        %run_scoped3A = tpu.sem_alloc : memref<!tpu.dma_semaphore, #tpu.memory_space<semaphore_mem>>
        %dma_start3A = arith.constant 0 : i32
        %dma_start3A_74 = tpu.memref_slice %arg11[%add3A_67, %dma_start3A] : memref<10240x128xf32, #tpu.memory_space<vmem_shared>> -> memref<128x128xf32, #tpu.memory_space<vmem_shared>>
        %dma_start3A_75 = arith.constant 0 : i32
        %dma_start3A_76 = tpu.memref_slice %arg11[%add3A_67, %dma_start3A_75] : memref<10240x128xf32, #tpu.memory_space<vmem_shared>> -> memref<128x128xf32, #tpu.memory_space<vmem_shared>>
        tpu.enqueue_dma source(%dma_start3A_76 : memref<128x128xf32, #tpu.memory_space<vmem_shared>>) target(%arg12 : memref<128x128xf32, #tpu.memory_space<vmem>>) target_semaphore(%run_scoped3A : memref<!tpu.dma_semaphore, #tpu.memory_space<semaphore_mem>>)
        %dma_wait3A = arith.constant 0 : i32
        %dma_wait3A_77 = tpu.memref_slice %arg11[%add3A_67, %dma_wait3A] : memref<10240x128xf32, #tpu.memory_space<vmem_shared>> -> memref<128x128xf32, #tpu.memory_space<vmem_shared>>
        %dma_wait3A_78 = arith.constant 0 : i32
        %dma_wait3A_79 = tpu.memref_slice %arg11[%add3A_67, %dma_wait3A_78] : memref<10240x128xf32, #tpu.memory_space<vmem_shared>> -> memref<128x128xf32, #tpu.memory_space<vmem_shared>>
        tpu.wait_dma2 semaphore(%run_scoped3A : memref<!tpu.dma_semaphore, #tpu.memory_space<semaphore_mem>>) src(%dma_wait3A_79 : memref<128x128xf32, #tpu.memory_space<vmem_shared>>) dst(%arg12 : memref<128x128xf32, #tpu.memory_space<vmem>>)
        tpu.yield
      }) : () -> ()
      "tpu.region"() ({
        %run_scoped3A = tpu.sem_alloc : memref<!tpu.dma_semaphore, #tpu.memory_space<semaphore_mem>>
        %dma_start3A = arith.constant 0 : i32
        %dma_start3A_74 = tpu.memref_slice %arg10[%add3A_67, %dma_start3A] : memref<10240x128xf32, #tpu.memory_space<hbm>> -> memref<128x128xf32, #tpu.memory_space<hbm>>
        %dma_start3A_75 = arith.constant 0 : i32
        %dma_start3A_76 = tpu.memref_slice %arg10[%add3A_67, %dma_start3A_75] : memref<10240x128xf32, #tpu.memory_space<hbm>> -> memref<128x128xf32, #tpu.memory_space<hbm>>
        tpu.enqueue_dma source(%arg12 : memref<128x128xf32, #tpu.memory_space<vmem>>) target(%dma_start3A_76 : memref<128x128xf32, #tpu.memory_space<hbm>>) target_semaphore(%run_scoped3A : memref<!tpu.dma_semaphore, #tpu.memory_space<semaphore_mem>>)
        %dma_wait3A = arith.constant 0 : i32
        %dma_wait3A_77 = tpu.memref_slice %arg10[%add3A_67, %dma_wait3A] : memref<10240x128xf32, #tpu.memory_space<hbm>> -> memref<128x128xf32, #tpu.memory_space<hbm>>
        %dma_wait3A_78 = arith.constant 0 : i32
        %dma_wait3A_79 = tpu.memref_slice %arg10[%add3A_67, %dma_wait3A_78] : memref<10240x128xf32, #tpu.memory_space<hbm>> -> memref<128x128xf32, #tpu.memory_space<hbm>>
        tpu.wait_dma2 semaphore(%run_scoped3A : memref<!tpu.dma_semaphore, #tpu.memory_space<semaphore_mem>>) src(%arg12 : memref<128x128xf32, #tpu.memory_space<vmem>>) dst(%dma_wait3A_79 : memref<128x128xf32, #tpu.memory_space<hbm>>)
        tpu.yield
      }) : () -> ()
      %add3A_68 = arith.constant 256 : i32
      %add3A_69 = arith.addi %mul3A_2, %add3A_68 : i32
      "tpu.region"() ({
        %run_scoped3A = tpu.sem_alloc : memref<!tpu.dma_semaphore, #tpu.memory_space<semaphore_mem>>
        %dma_start3A = arith.constant 0 : i32
        %dma_start3A_74 = tpu.memref_slice %arg11[%add3A_69, %dma_start3A] : memref<10240x128xf32, #tpu.memory_space<vmem_shared>> -> memref<128x128xf32, #tpu.memory_space<vmem_shared>>
        %dma_start3A_75 = arith.constant 0 : i32
        %dma_start3A_76 = tpu.memref_slice %arg11[%add3A_69, %dma_start3A_75] : memref<10240x128xf32, #tpu.memory_space<vmem_shared>> -> memref<128x128xf32, #tpu.memory_space<vmem_shared>>
        tpu.enqueue_dma source(%dma_start3A_76 : memref<128x128xf32, #tpu.memory_space<vmem_shared>>) target(%arg12 : memref<128x128xf32, #tpu.memory_space<vmem>>) target_semaphore(%run_scoped3A : memref<!tpu.dma_semaphore, #tpu.memory_space<semaphore_mem>>)
        %dma_wait3A = arith.constant 0 : i32
        %dma_wait3A_77 = tpu.memref_slice %arg11[%add3A_69, %dma_wait3A] : memref<10240x128xf32, #tpu.memory_space<vmem_shared>> -> memref<128x128xf32, #tpu.memory_space<vmem_shared>>
        %dma_wait3A_78 = arith.constant 0 : i32
        %dma_wait3A_79 = tpu.memref_slice %arg11[%add3A_69, %dma_wait3A_78] : memref<10240x128xf32, #tpu.memory_space<vmem_shared>> -> memref<128x128xf32, #tpu.memory_space<vmem_shared>>
        tpu.wait_dma2 semaphore(%run_scoped3A : memref<!tpu.dma_semaphore, #tpu.memory_space<semaphore_mem>>) src(%dma_wait3A_79 : memref<128x128xf32, #tpu.memory_space<vmem_shared>>) dst(%arg12 : memref<128x128xf32, #tpu.memory_space<vmem>>)
        tpu.yield
      }) : () -> ()
      "tpu.region"() ({
        %run_scoped3A = tpu.sem_alloc : memref<!tpu.dma_semaphore, #tpu.memory_space<semaphore_mem>>
        %dma_start3A = arith.constant 0 : i32
        %dma_start3A_74 = tpu.memref_slice %arg10[%add3A_69, %dma_start3A] : memref<10240x128xf32, #tpu.memory_space<hbm>> -> memref<128x128xf32, #tpu.memory_space<hbm>>
        %dma_start3A_75 = arith.constant 0 : i32
        %dma_start3A_76 = tpu.memref_slice %arg10[%add3A_69, %dma_start3A_75] : memref<10240x128xf32, #tpu.memory_space<hbm>> -> memref<128x128xf32, #tpu.memory_space<hbm>>
        tpu.enqueue_dma source(%arg12 : memref<128x128xf32, #tpu.memory_space<vmem>>) target(%dma_start3A_76 : memref<128x128xf32, #tpu.memory_space<hbm>>) target_semaphore(%run_scoped3A : memref<!tpu.dma_semaphore, #tpu.memory_space<semaphore_mem>>)
        %dma_wait3A = arith.constant 0 : i32
        %dma_wait3A_77 = tpu.memref_slice %arg10[%add3A_69, %dma_wait3A] : memref<10240x128xf32, #tpu.memory_space<hbm>> -> memref<128x128xf32, #tpu.memory_space<hbm>>
        %dma_wait3A_78 = arith.constant 0 : i32
        %dma_wait3A_79 = tpu.memref_slice %arg10[%add3A_69, %dma_wait3A_78] : memref<10240x128xf32, #tpu.memory_space<hbm>> -> memref<128x128xf32, #tpu.memory_space<hbm>>
        tpu.wait_dma2 semaphore(%run_scoped3A : memref<!tpu.dma_semaphore, #tpu.memory_space<semaphore_mem>>) src(%arg12 : memref<128x128xf32, #tpu.memory_space<vmem>>) dst(%dma_wait3A_79 : memref<128x128xf32, #tpu.memory_space<hbm>>)
        tpu.yield
      }) : () -> ()
      %add3A_70 = arith.constant 384 : i32
      %add3A_71 = arith.addi %mul3A_2, %add3A_70 : i32
      "tpu.region"() ({
        %run_scoped3A = tpu.sem_alloc : memref<!tpu.dma_semaphore, #tpu.memory_space<semaphore_mem>>
        %dma_start3A = arith.constant 0 : i32
        %dma_start3A_74 = tpu.memref_slice %arg11[%add3A_71, %dma_start3A] : memref<10240x128xf32, #tpu.memory_space<vmem_shared>> -> memref<128x128xf32, #tpu.memory_space<vmem_shared>>
        %dma_start3A_75 = arith.constant 0 : i32
        %dma_start3A_76 = tpu.memref_slice %arg11[%add3A_71, %dma_start3A_75] : memref<10240x128xf32, #tpu.memory_space<vmem_shared>> -> memref<128x128xf32, #tpu.memory_space<vmem_shared>>
        tpu.enqueue_dma source(%dma_start3A_76 : memref<128x128xf32, #tpu.memory_space<vmem_shared>>) target(%arg12 : memref<128x128xf32, #tpu.memory_space<vmem>>) target_semaphore(%run_scoped3A : memref<!tpu.dma_semaphore, #tpu.memory_space<semaphore_mem>>)
        %dma_wait3A = arith.constant 0 : i32
        %dma_wait3A_77 = tpu.memref_slice %arg11[%add3A_71, %dma_wait3A] : memref<10240x128xf32, #tpu.memory_space<vmem_shared>> -> memref<128x128xf32, #tpu.memory_space<vmem_shared>>
        %dma_wait3A_78 = arith.constant 0 : i32
        %dma_wait3A_79 = tpu.memref_slice %arg11[%add3A_71, %dma_wait3A_78] : memref<10240x128xf32, #tpu.memory_space<vmem_shared>> -> memref<128x128xf32, #tpu.memory_space<vmem_shared>>
        tpu.wait_dma2 semaphore(%run_scoped3A : memref<!tpu.dma_semaphore, #tpu.memory_space<semaphore_mem>>) src(%dma_wait3A_79 : memref<128x128xf32, #tpu.memory_space<vmem_shared>>) dst(%arg12 : memref<128x128xf32, #tpu.memory_space<vmem>>)
        tpu.yield
      }) : () -> ()
      "tpu.region"() ({
        %run_scoped3A = tpu.sem_alloc : memref<!tpu.dma_semaphore, #tpu.memory_space<semaphore_mem>>
        %dma_start3A = arith.constant 0 : i32
        %dma_start3A_74 = tpu.memref_slice %arg10[%add3A_71, %dma_start3A] : memref<10240x128xf32, #tpu.memory_space<hbm>> -> memref<128x128xf32, #tpu.memory_space<hbm>>
        %dma_start3A_75 = arith.constant 0 : i32
        %dma_start3A_76 = tpu.memref_slice %arg10[%add3A_71, %dma_start3A_75] : memref<10240x128xf32, #tpu.memory_space<hbm>> -> memref<128x128xf32, #tpu.memory_space<hbm>>
        tpu.enqueue_dma source(%arg12 : memref<128x128xf32, #tpu.memory_space<vmem>>) target(%dma_start3A_76 : memref<128x128xf32, #tpu.memory_space<hbm>>) target_semaphore(%run_scoped3A : memref<!tpu.dma_semaphore, #tpu.memory_space<semaphore_mem>>)
        %dma_wait3A = arith.constant 0 : i32
        %dma_wait3A_77 = tpu.memref_slice %arg10[%add3A_71, %dma_wait3A] : memref<10240x128xf32, #tpu.memory_space<hbm>> -> memref<128x128xf32, #tpu.memory_space<hbm>>
        %dma_wait3A_78 = arith.constant 0 : i32
        %dma_wait3A_79 = tpu.memref_slice %arg10[%add3A_71, %dma_wait3A_78] : memref<10240x128xf32, #tpu.memory_space<hbm>> -> memref<128x128xf32, #tpu.memory_space<hbm>>
        tpu.wait_dma2 semaphore(%run_scoped3A : memref<!tpu.dma_semaphore, #tpu.memory_space<semaphore_mem>>) src(%arg12 : memref<128x128xf32, #tpu.memory_space<vmem>>) dst(%dma_wait3A_79 : memref<128x128xf32, #tpu.memory_space<hbm>>)
        tpu.yield
      }) : () -> ()
      %add3A_72 = arith.constant 512 : i32
      %add3A_73 = arith.addi %mul3A_2, %add3A_72 : i32
      "tpu.region"() ({
        %run_scoped3A = tpu.sem_alloc : memref<!tpu.dma_semaphore, #tpu.memory_space<semaphore_mem>>
        %dma_start3A = arith.constant 0 : i32
        %dma_start3A_74 = tpu.memref_slice %arg11[%add3A_73, %dma_start3A] : memref<10240x128xf32, #tpu.memory_space<vmem_shared>> -> memref<128x128xf32, #tpu.memory_space<vmem_shared>>
        %dma_start3A_75 = arith.constant 0 : i32
        %dma_start3A_76 = tpu.memref_slice %arg11[%add3A_73, %dma_start3A_75] : memref<10240x128xf32, #tpu.memory_space<vmem_shared>> -> memref<128x128xf32, #tpu.memory_space<vmem_shared>>
        tpu.enqueue_dma source(%dma_start3A_76 : memref<128x128xf32, #tpu.memory_space<vmem_shared>>) target(%arg12 : memref<128x128xf32, #tpu.memory_space<vmem>>) target_semaphore(%run_scoped3A : memref<!tpu.dma_semaphore, #tpu.memory_space<semaphore_mem>>)
        %dma_wait3A = arith.constant 0 : i32
        %dma_wait3A_77 = tpu.memref_slice %arg11[%add3A_73, %dma_wait3A] : memref<10240x128xf32, #tpu.memory_space<vmem_shared>> -> memref<128x128xf32, #tpu.memory_space<vmem_shared>>
        %dma_wait3A_78 = arith.constant 0 : i32
        %dma_wait3A_79 = tpu.memref_slice %arg11[%add3A_73, %dma_wait3A_78] : memref<10240x128xf32, #tpu.memory_space<vmem_shared>> -> memref<128x128xf32, #tpu.memory_space<vmem_shared>>
        tpu.wait_dma2 semaphore(%run_scoped3A : memref<!tpu.dma_semaphore, #tpu.memory_space<semaphore_mem>>) src(%dma_wait3A_79 : memref<128x128xf32, #tpu.memory_space<vmem_shared>>) dst(%arg12 : memref<128x128xf32, #tpu.memory_space<vmem>>)
        tpu.yield
      }) : () -> ()
      "tpu.region"() ({
        %run_scoped3A = tpu.sem_alloc : memref<!tpu.dma_semaphore, #tpu.memory_space<semaphore_mem>>
        %dma_start3A = arith.constant 0 : i32
        %dma_start3A_74 = tpu.memref_slice %arg10[%add3A_73, %dma_start3A] : memref<10240x128xf32, #tpu.memory_space<hbm>> -> memref<128x128xf32, #tpu.memory_space<hbm>>
        %dma_start3A_75 = arith.constant 0 : i32
        %dma_start3A_76 = tpu.memref_slice %arg10[%add3A_73, %dma_start3A_75] : memref<10240x128xf32, #tpu.memory_space<hbm>> -> memref<128x128xf32, #tpu.memory_space<hbm>>
        tpu.enqueue_dma source(%arg12 : memref<128x128xf32, #tpu.memory_space<vmem>>) target(%dma_start3A_76 : memref<128x128xf32, #tpu.memory_space<hbm>>) target_semaphore(%run_scoped3A : memref<!tpu.dma_semaphore, #tpu.memory_space<semaphore_mem>>)
        %dma_wait3A = arith.constant 0 : i32
        %dma_wait3A_77 = tpu.memref_slice %arg10[%add3A_73, %dma_wait3A] : memref<10240x128xf32, #tpu.memory_space<hbm>> -> memref<128x128xf32, #tpu.memory_space<hbm>>
        %dma_wait3A_78 = arith.constant 0 : i32
        %dma_wait3A_79 = tpu.memref_slice %arg10[%add3A_73, %dma_wait3A_78] : memref<10240x128xf32, #tpu.memory_space<hbm>> -> memref<128x128xf32, #tpu.memory_space<hbm>>
        tpu.wait_dma2 semaphore(%run_scoped3A : memref<!tpu.dma_semaphore, #tpu.memory_space<semaphore_mem>>) src(%arg12 : memref<128x128xf32, #tpu.memory_space<vmem>>) dst(%dma_wait3A_79 : memref<128x128xf32, #tpu.memory_space<hbm>>)
        tpu.yield
      }) : () -> ()
    } else {
    }
    return
  }
}

#map = affine_map<(d0, d1) -> (0, 0)>
#map1 = affine_map<(d0, d1) -> (0)>
module attributes {stable_mosaic.version = 14 : i64} {
  func.func @k(%arg0: i32, %arg1: i32, %arg2: memref<10240x128xf32, #tpu.memory_space<hbm>>, %arg3: memref<10240x128xf32, #tpu.memory_space<hbm>>, %arg4: memref<640000xi32, #tpu.memory_space<hbm>>, %arg5: memref<640000xi32, #tpu.memory_space<hbm>>, %arg6: memref<640000x128xf32, #tpu.memory_space<hbm>>, %arg7: memref<128xi32, #tpu.memory_space<vmem>>, %arg8: memref<128xi32, #tpu.memory_space<vmem>>, %arg9: memref<128xi32, #tpu.memory_space<vmem>>, %arg10: memref<128xi32, #tpu.memory_space<vmem>>, %arg11: memref<128x128xf32, #tpu.memory_space<vmem>>, %arg12: memref<128x128xf32, #tpu.memory_space<vmem>>, %arg13: memref<128x128xf32, #tpu.memory_space<vmem>>, %arg14: memref<128x128xf32, #tpu.memory_space<vmem>>, %arg15: memref<!tpu.dma_semaphore, #tpu.memory_space<semaphore_mem>>, %arg16: memref<!tpu.dma_semaphore, #tpu.memory_space<semaphore_mem>>, %arg17: memref<!tpu.dma_semaphore, #tpu.memory_space<semaphore_mem>>, %arg18: memref<!tpu.dma_semaphore, #tpu.memory_space<semaphore_mem>>) attributes {dimension_semantics = [#tpu.dimension_semantics<core_parallel>, #tpu.dimension_semantics<subcore_parallel>], iteration_bounds = array<i64: 2, 16>, scalar_prefetch = 0 : i64, scratch_operands = 12 : i64, tpu.core_type = #tpu.core_type<sc_vector_subcore>, window_params = [{transform_indices = #map}, {transform_indices = #map}, {transform_indices = #map1}, {transform_indices = #map1}, {transform_indices = #map}]} {
    %mul3A = arith.constant 2 : i32
    %mul3A_0 = arith.muli %arg1, %mul3A : i32
    %add3A = arith.addi %mul3A_0, %arg0 : i32
    %lt3A = arith.constant 5000 : i32
    %lt3A_1 = arith.cmpi slt, %add3A, %lt3A : i32
    %convert_element_type3A = arith.extui %lt3A_1 : i1 to i32
    %cond3A = arith.constant 0 : i32
    %cond3A_2 = arith.cmpi ne, %convert_element_type3A, %cond3A : i32
    scf.if %cond3A_2 {
      %mul3A_8 = arith.constant 128 : i32
      %mul3A_9 = arith.muli %add3A, %mul3A_8 : i32
      "tpu.region"() ({
        %run_scoped3A = tpu.sem_alloc : memref<!tpu.dma_semaphore, #tpu.memory_space<semaphore_mem>>
        %dma_start3A_15 = tpu.memref_slice %arg4[%mul3A_9] : memref<640000xi32, #tpu.memory_space<hbm>> -> memref<128xi32, #tpu.memory_space<hbm>>
        %dma_start3A_16 = tpu.memref_slice %arg4[%mul3A_9] : memref<640000xi32, #tpu.memory_space<hbm>> -> memref<128xi32, #tpu.memory_space<hbm>>
        tpu.enqueue_dma source(%dma_start3A_16 : memref<128xi32, #tpu.memory_space<hbm>>) target(%arg7 : memref<128xi32, #tpu.memory_space<vmem>>) target_semaphore(%run_scoped3A : memref<!tpu.dma_semaphore, #tpu.memory_space<semaphore_mem>>)
        %dma_wait3A = tpu.memref_slice %arg4[%mul3A_9] : memref<640000xi32, #tpu.memory_space<hbm>> -> memref<128xi32, #tpu.memory_space<hbm>>
        %dma_wait3A_17 = tpu.memref_slice %arg4[%mul3A_9] : memref<640000xi32, #tpu.memory_space<hbm>> -> memref<128xi32, #tpu.memory_space<hbm>>
        tpu.wait_dma2 semaphore(%run_scoped3A : memref<!tpu.dma_semaphore, #tpu.memory_space<semaphore_mem>>) src(%dma_wait3A_17 : memref<128xi32, #tpu.memory_space<hbm>>) dst(%arg7 : memref<128xi32, #tpu.memory_space<vmem>>)
        tpu.yield
      }) : () -> ()
      "tpu.region"() ({
        %run_scoped3A = tpu.sem_alloc : memref<!tpu.dma_semaphore, #tpu.memory_space<semaphore_mem>>
        %dma_start3A_15 = tpu.memref_slice %arg5[%mul3A_9] : memref<640000xi32, #tpu.memory_space<hbm>> -> memref<128xi32, #tpu.memory_space<hbm>>
        %dma_start3A_16 = tpu.memref_slice %arg5[%mul3A_9] : memref<640000xi32, #tpu.memory_space<hbm>> -> memref<128xi32, #tpu.memory_space<hbm>>
        tpu.enqueue_dma source(%dma_start3A_16 : memref<128xi32, #tpu.memory_space<hbm>>) target(%arg8 : memref<128xi32, #tpu.memory_space<vmem>>) target_semaphore(%run_scoped3A : memref<!tpu.dma_semaphore, #tpu.memory_space<semaphore_mem>>)
        %dma_wait3A = tpu.memref_slice %arg5[%mul3A_9] : memref<640000xi32, #tpu.memory_space<hbm>> -> memref<128xi32, #tpu.memory_space<hbm>>
        %dma_wait3A_17 = tpu.memref_slice %arg5[%mul3A_9] : memref<640000xi32, #tpu.memory_space<hbm>> -> memref<128xi32, #tpu.memory_space<hbm>>
        tpu.wait_dma2 semaphore(%run_scoped3A : memref<!tpu.dma_semaphore, #tpu.memory_space<semaphore_mem>>) src(%dma_wait3A_17 : memref<128xi32, #tpu.memory_space<hbm>>) dst(%arg8 : memref<128xi32, #tpu.memory_space<vmem>>)
        tpu.yield
      }) : () -> ()
      %dma_start3A = arith.constant 0 : i32
      %dma_start3A_10 = arith.constant 0 : i32
      %dma_start3A_11 = tpu.memref_slice %arg2[%dma_start3A, %dma_start3A_10] : memref<10240x128xf32, #tpu.memory_space<hbm>> -> memref<10240x128xf32, #tpu.memory_space<hbm>>
      tpu.enqueue_indirect_dma source(%dma_start3A_11 : memref<10240x128xf32, #tpu.memory_space<hbm>>) target(%arg11 : memref<128x128xf32, #tpu.memory_space<vmem>>) offsets(%arg7 : memref<128xi32, #tpu.memory_space<vmem>>) semaphore(%arg15 : memref<!tpu.dma_semaphore, #tpu.memory_space<semaphore_mem>>)
      %dma_start3A_12 = arith.constant 0 : i32
      %dma_start3A_13 = arith.constant 0 : i32
      %dma_start3A_14 = tpu.memref_slice %arg3[%dma_start3A_12, %dma_start3A_13] : memref<10240x128xf32, #tpu.memory_space<hbm>> -> memref<10240x128xf32, #tpu.memory_space<hbm>>
      tpu.enqueue_indirect_dma source(%dma_start3A_14 : memref<10240x128xf32, #tpu.memory_space<hbm>>) target(%arg12 : memref<128x128xf32, #tpu.memory_space<vmem>>) offsets(%arg8 : memref<128xi32, #tpu.memory_space<vmem>>) semaphore(%arg16 : memref<!tpu.dma_semaphore, #tpu.memory_space<semaphore_mem>>)
    } else {
    }
    %scan3A = arith.constant 0 : i32
    %scan3A_3 = arith.constant 0 : i32
    %scan3A_4 = arith.constant 79 : i32
    %scan3A_5 = arith.addi %scan3A_3, %scan3A_4 : i32
    %scan3A_6 = arith.constant 1 : i32
    scf.for %scan3A_8 = %scan3A_3 to %scan3A_5 step %scan3A_6  : i32 {
      %mul3A_9 = arith.constant 2 : i32
      %mul3A_10 = arith.muli %mul3A_9, %scan3A_8 : i32
      %mul3A_11 = arith.constant 32 : i32
      %mul3A_12 = arith.muli %mul3A_10, %mul3A_11 : i32
      %add3A_13 = arith.addi %add3A, %mul3A_12 : i32
      %add3A_14 = arith.constant 32 : i32
      %add3A_15 = arith.addi %add3A_13, %add3A_14 : i32
      %lt3A_16 = arith.constant 5000 : i32
      %lt3A_17 = arith.cmpi slt, %add3A_15, %lt3A_16 : i32
      %convert_element_type3A_18 = arith.extui %lt3A_17 : i1 to i32
      %cond3A_19 = arith.constant 0 : i32
      %cond3A_20 = arith.cmpi ne, %convert_element_type3A_18, %cond3A_19 : i32
      scf.if %cond3A_20 {
        %mul3A_40 = arith.constant 128 : i32
        %mul3A_41 = arith.muli %add3A_15, %mul3A_40 : i32
        "tpu.region"() ({
          %run_scoped3A = tpu.sem_alloc : memref<!tpu.dma_semaphore, #tpu.memory_space<semaphore_mem>>
          %dma_start3A_47 = tpu.memref_slice %arg4[%mul3A_41] : memref<640000xi32, #tpu.memory_space<hbm>> -> memref<128xi32, #tpu.memory_space<hbm>>
          %dma_start3A_48 = tpu.memref_slice %arg4[%mul3A_41] : memref<640000xi32, #tpu.memory_space<hbm>> -> memref<128xi32, #tpu.memory_space<hbm>>
          tpu.enqueue_dma source(%dma_start3A_48 : memref<128xi32, #tpu.memory_space<hbm>>) target(%arg9 : memref<128xi32, #tpu.memory_space<vmem>>) target_semaphore(%run_scoped3A : memref<!tpu.dma_semaphore, #tpu.memory_space<semaphore_mem>>)
          %dma_wait3A = tpu.memref_slice %arg4[%mul3A_41] : memref<640000xi32, #tpu.memory_space<hbm>> -> memref<128xi32, #tpu.memory_space<hbm>>
          %dma_wait3A_49 = tpu.memref_slice %arg4[%mul3A_41] : memref<640000xi32, #tpu.memory_space<hbm>> -> memref<128xi32, #tpu.memory_space<hbm>>
          tpu.wait_dma2 semaphore(%run_scoped3A : memref<!tpu.dma_semaphore, #tpu.memory_space<semaphore_mem>>) src(%dma_wait3A_49 : memref<128xi32, #tpu.memory_space<hbm>>) dst(%arg9 : memref<128xi32, #tpu.memory_space<vmem>>)
          tpu.yield
        }) : () -> ()
        "tpu.region"() ({
          %run_scoped3A = tpu.sem_alloc : memref<!tpu.dma_semaphore, #tpu.memory_space<semaphore_mem>>
          %dma_start3A_47 = tpu.memref_slice %arg5[%mul3A_41] : memref<640000xi32, #tpu.memory_space<hbm>> -> memref<128xi32, #tpu.memory_space<hbm>>
          %dma_start3A_48 = tpu.memref_slice %arg5[%mul3A_41] : memref<640000xi32, #tpu.memory_space<hbm>> -> memref<128xi32, #tpu.memory_space<hbm>>
          tpu.enqueue_dma source(%dma_start3A_48 : memref<128xi32, #tpu.memory_space<hbm>>) target(%arg10 : memref<128xi32, #tpu.memory_space<vmem>>) target_semaphore(%run_scoped3A : memref<!tpu.dma_semaphore, #tpu.memory_space<semaphore_mem>>)
          %dma_wait3A = tpu.memref_slice %arg5[%mul3A_41] : memref<640000xi32, #tpu.memory_space<hbm>> -> memref<128xi32, #tpu.memory_space<hbm>>
          %dma_wait3A_49 = tpu.memref_slice %arg5[%mul3A_41] : memref<640000xi32, #tpu.memory_space<hbm>> -> memref<128xi32, #tpu.memory_space<hbm>>
          tpu.wait_dma2 semaphore(%run_scoped3A : memref<!tpu.dma_semaphore, #tpu.memory_space<semaphore_mem>>) src(%dma_wait3A_49 : memref<128xi32, #tpu.memory_space<hbm>>) dst(%arg10 : memref<128xi32, #tpu.memory_space<vmem>>)
          tpu.yield
        }) : () -> ()
        %dma_start3A = arith.constant 0 : i32
        %dma_start3A_42 = arith.constant 0 : i32
        %dma_start3A_43 = tpu.memref_slice %arg2[%dma_start3A, %dma_start3A_42] : memref<10240x128xf32, #tpu.memory_space<hbm>> -> memref<10240x128xf32, #tpu.memory_space<hbm>>
        tpu.enqueue_indirect_dma source(%dma_start3A_43 : memref<10240x128xf32, #tpu.memory_space<hbm>>) target(%arg13 : memref<128x128xf32, #tpu.memory_space<vmem>>) offsets(%arg9 : memref<128xi32, #tpu.memory_space<vmem>>) semaphore(%arg17 : memref<!tpu.dma_semaphore, #tpu.memory_space<semaphore_mem>>)
        %dma_start3A_44 = arith.constant 0 : i32
        %dma_start3A_45 = arith.constant 0 : i32
        %dma_start3A_46 = tpu.memref_slice %arg3[%dma_start3A_44, %dma_start3A_45] : memref<10240x128xf32, #tpu.memory_space<hbm>> -> memref<10240x128xf32, #tpu.memory_space<hbm>>
        tpu.enqueue_indirect_dma source(%dma_start3A_46 : memref<10240x128xf32, #tpu.memory_space<hbm>>) target(%arg14 : memref<128x128xf32, #tpu.memory_space<vmem>>) offsets(%arg10 : memref<128xi32, #tpu.memory_space<vmem>>) semaphore(%arg18 : memref<!tpu.dma_semaphore, #tpu.memory_space<semaphore_mem>>)
      } else {
      }
      %lt3A_21 = arith.constant 5000 : i32
      %lt3A_22 = arith.cmpi slt, %add3A_13, %lt3A_21 : i32
      %convert_element_type3A_23 = arith.extui %lt3A_22 : i1 to i32
      %cond3A_24 = arith.constant 0 : i32
      %cond3A_25 = arith.cmpi ne, %convert_element_type3A_23, %cond3A_24 : i32
      scf.if %cond3A_25 {
        %dma_wait3A = arith.constant 0 : i32
        %dma_wait3A_40 = arith.constant 0 : i32
        %dma_wait3A_41 = tpu.memref_slice %arg2[%dma_wait3A, %dma_wait3A_40] : memref<10240x128xf32, #tpu.memory_space<hbm>> -> memref<10240x128xf32, #tpu.memory_space<hbm>>
        tpu.wait_indirect_dma semaphore(%arg15 : memref<!tpu.dma_semaphore, #tpu.memory_space<semaphore_mem>>) src(%dma_wait3A_41 : memref<10240x128xf32, #tpu.memory_space<hbm>>) dst(%arg11 : memref<128x128xf32, #tpu.memory_space<vmem>>)
        %dma_wait3A_42 = arith.constant 0 : i32
        %dma_wait3A_43 = arith.constant 0 : i32
        %dma_wait3A_44 = tpu.memref_slice %arg3[%dma_wait3A_42, %dma_wait3A_43] : memref<10240x128xf32, #tpu.memory_space<hbm>> -> memref<10240x128xf32, #tpu.memory_space<hbm>>
        tpu.wait_indirect_dma semaphore(%arg16 : memref<!tpu.dma_semaphore, #tpu.memory_space<semaphore_mem>>) src(%dma_wait3A_44 : memref<10240x128xf32, #tpu.memory_space<hbm>>) dst(%arg12 : memref<128x128xf32, #tpu.memory_space<vmem>>)
        %scan3A_45 = arith.constant 0 : i32
        %scan3A_46 = arith.constant 0 : i32
        %scan3A_47 = arith.constant 128 : i32
        %scan3A_48 = arith.addi %scan3A_46, %scan3A_47 : i32
        %scan3A_49 = arith.constant 1 : i32
        scf.for %scan3A_53 = %scan3A_46 to %scan3A_48 step %scan3A_49  : i32 {
          %get3A = arith.index_cast %scan3A_53 : i32 to index
          %get3A_54 = arith.constant 0 : index
          %get3A_55 = tpu.vector_load %arg11[%get3A, %get3A_54] {strides = array<i32>} : memref<128x128xf32, #tpu.memory_space<vmem>>, vector<1x16xf32>,
          %get3A_56 = vector.shape_cast %get3A_55 : vector<1x16xf32> to vector<16xf32>
          %get3A_57 = arith.index_cast %scan3A_53 : i32 to index
          %get3A_58 = arith.constant 0 : index
          %get3A_59 = tpu.vector_load %arg12[%get3A_57, %get3A_58] {strides = array<i32>} : memref<128x128xf32, #tpu.memory_space<vmem>>, vector<1x16xf32>,
          %get3A_60 = vector.shape_cast %get3A_59 : vector<1x16xf32> to vector<16xf32>
          %add3A_61 = arith.addf %get3A_56, %get3A_60 : vector<16xf32>
          %swap3A = arith.index_cast %scan3A_53 : i32 to index
          %swap3A_62 = arith.constant 0 : index
          %swap3A_63 = tpu.vector_load %arg11[%swap3A, %swap3A_62] {strides = array<i32>} : memref<128x128xf32, #tpu.memory_space<vmem>>, vector<1x16xf32>,
          %swap3A_64 = vector.shape_cast %swap3A_63 : vector<1x16xf32> to vector<16xf32>
          %swap3A_65 = vector.shape_cast %add3A_61 : vector<16xf32> to vector<1x16xf32>
          tpu.vector_store %arg11[%swap3A, %swap3A_62], %swap3A_65 {strides = array<i32>} : memref<128x128xf32, #tpu.memory_space<vmem>>, vector<1x16xf32>,
          %get3A_66 = arith.index_cast %scan3A_53 : i32 to index
          %get3A_67 = arith.constant 16 : index
          %get3A_68 = tpu.vector_load %arg11[%get3A_66, %get3A_67] {strides = array<i32>} : memref<128x128xf32, #tpu.memory_space<vmem>>, vector<1x16xf32>,
          %get3A_69 = vector.shape_cast %get3A_68 : vector<1x16xf32> to vector<16xf32>
          %get3A_70 = arith.index_cast %scan3A_53 : i32 to index
          %get3A_71 = arith.constant 16 : index
          %get3A_72 = tpu.vector_load %arg12[%get3A_70, %get3A_71] {strides = array<i32>} : memref<128x128xf32, #tpu.memory_space<vmem>>, vector<1x16xf32>,
          %get3A_73 = vector.shape_cast %get3A_72 : vector<1x16xf32> to vector<16xf32>
          %add3A_74 = arith.addf %get3A_69, %get3A_73 : vector<16xf32>
          %swap3A_75 = arith.index_cast %scan3A_53 : i32 to index
          %swap3A_76 = arith.constant 16 : index
          %swap3A_77 = tpu.vector_load %arg11[%swap3A_75, %swap3A_76] {strides = array<i32>} : memref<128x128xf32, #tpu.memory_space<vmem>>, vector<1x16xf32>,
          %swap3A_78 = vector.shape_cast %swap3A_77 : vector<1x16xf32> to vector<16xf32>
          %swap3A_79 = vector.shape_cast %add3A_74 : vector<16xf32> to vector<1x16xf32>
          tpu.vector_store %arg11[%swap3A_75, %swap3A_76], %swap3A_79 {strides = array<i32>} : memref<128x128xf32, #tpu.memory_space<vmem>>, vector<1x16xf32>,
          %get3A_80 = arith.index_cast %scan3A_53 : i32 to index
          %get3A_81 = arith.constant 32 : index
          %get3A_82 = tpu.vector_load %arg11[%get3A_80, %get3A_81] {strides = array<i32>} : memref<128x128xf32, #tpu.memory_space<vmem>>, vector<1x16xf32>,
          %get3A_83 = vector.shape_cast %get3A_82 : vector<1x16xf32> to vector<16xf32>
          %get3A_84 = arith.index_cast %scan3A_53 : i32 to index
          %get3A_85 = arith.constant 32 : index
          %get3A_86 = tpu.vector_load %arg12[%get3A_84, %get3A_85] {strides = array<i32>} : memref<128x128xf32, #tpu.memory_space<vmem>>, vector<1x16xf32>,
          %get3A_87 = vector.shape_cast %get3A_86 : vector<1x16xf32> to vector<16xf32>
          %add3A_88 = arith.addf %get3A_83, %get3A_87 : vector<16xf32>
          %swap3A_89 = arith.index_cast %scan3A_53 : i32 to index
          %swap3A_90 = arith.constant 32 : index
          %swap3A_91 = tpu.vector_load %arg11[%swap3A_89, %swap3A_90] {strides = array<i32>} : memref<128x128xf32, #tpu.memory_space<vmem>>, vector<1x16xf32>,
          %swap3A_92 = vector.shape_cast %swap3A_91 : vector<1x16xf32> to vector<16xf32>
          %swap3A_93 = vector.shape_cast %add3A_88 : vector<16xf32> to vector<1x16xf32>
          tpu.vector_store %arg11[%swap3A_89, %swap3A_90], %swap3A_93 {strides = array<i32>} : memref<128x128xf32, #tpu.memory_space<vmem>>, vector<1x16xf32>,
          %get3A_94 = arith.index_cast %scan3A_53 : i32 to index
          %get3A_95 = arith.constant 48 : index
          %get3A_96 = tpu.vector_load %arg11[%get3A_94, %get3A_95] {strides = array<i32>} : memref<128x128xf32, #tpu.memory_space<vmem>>, vector<1x16xf32>,
          %get3A_97 = vector.shape_cast %get3A_96 : vector<1x16xf32> to vector<16xf32>
          %get3A_98 = arith.index_cast %scan3A_53 : i32 to index
          %get3A_99 = arith.constant 48 : index
          %get3A_100 = tpu.vector_load %arg12[%get3A_98, %get3A_99] {strides = array<i32>} : memref<128x128xf32, #tpu.memory_space<vmem>>, vector<1x16xf32>,
          %get3A_101 = vector.shape_cast %get3A_100 : vector<1x16xf32> to vector<16xf32>
          %add3A_102 = arith.addf %get3A_97, %get3A_101 : vector<16xf32>
          %swap3A_103 = arith.index_cast %scan3A_53 : i32 to index
          %swap3A_104 = arith.constant 48 : index
          %swap3A_105 = tpu.vector_load %arg11[%swap3A_103, %swap3A_104] {strides = array<i32>} : memref<128x128xf32, #tpu.memory_space<vmem>>, vector<1x16xf32>,
          %swap3A_106 = vector.shape_cast %swap3A_105 : vector<1x16xf32> to vector<16xf32>
          %swap3A_107 = vector.shape_cast %add3A_102 : vector<16xf32> to vector<1x16xf32>
          tpu.vector_store %arg11[%swap3A_103, %swap3A_104], %swap3A_107 {strides = array<i32>} : memref<128x128xf32, #tpu.memory_space<vmem>>, vector<1x16xf32>,
          %get3A_108 = arith.index_cast %scan3A_53 : i32 to index
          %get3A_109 = arith.constant 64 : index
          %get3A_110 = tpu.vector_load %arg11[%get3A_108, %get3A_109] {strides = array<i32>} : memref<128x128xf32, #tpu.memory_space<vmem>>, vector<1x16xf32>,
          %get3A_111 = vector.shape_cast %get3A_110 : vector<1x16xf32> to vector<16xf32>
          %get3A_112 = arith.index_cast %scan3A_53 : i32 to index
          %get3A_113 = arith.constant 64 : index
          %get3A_114 = tpu.vector_load %arg12[%get3A_112, %get3A_113] {strides = array<i32>} : memref<128x128xf32, #tpu.memory_space<vmem>>, vector<1x16xf32>,
          %get3A_115 = vector.shape_cast %get3A_114 : vector<1x16xf32> to vector<16xf32>
          %add3A_116 = arith.addf %get3A_111, %get3A_115 : vector<16xf32>
          %swap3A_117 = arith.index_cast %scan3A_53 : i32 to index
          %swap3A_118 = arith.constant 64 : index
          %swap3A_119 = tpu.vector_load %arg11[%swap3A_117, %swap3A_118] {strides = array<i32>} : memref<128x128xf32, #tpu.memory_space<vmem>>, vector<1x16xf32>,
          %swap3A_120 = vector.shape_cast %swap3A_119 : vector<1x16xf32> to vector<16xf32>
          %swap3A_121 = vector.shape_cast %add3A_116 : vector<16xf32> to vector<1x16xf32>
          tpu.vector_store %arg11[%swap3A_117, %swap3A_118], %swap3A_121 {strides = array<i32>} : memref<128x128xf32, #tpu.memory_space<vmem>>, vector<1x16xf32>,
          %get3A_122 = arith.index_cast %scan3A_53 : i32 to index
          %get3A_123 = arith.constant 80 : index
          %get3A_124 = tpu.vector_load %arg11[%get3A_122, %get3A_123] {strides = array<i32>} : memref<128x128xf32, #tpu.memory_space<vmem>>, vector<1x16xf32>,
          %get3A_125 = vector.shape_cast %get3A_124 : vector<1x16xf32> to vector<16xf32>
          %get3A_126 = arith.index_cast %scan3A_53 : i32 to index
          %get3A_127 = arith.constant 80 : index
          %get3A_128 = tpu.vector_load %arg12[%get3A_126, %get3A_127] {strides = array<i32>} : memref<128x128xf32, #tpu.memory_space<vmem>>, vector<1x16xf32>,
          %get3A_129 = vector.shape_cast %get3A_128 : vector<1x16xf32> to vector<16xf32>
          %add3A_130 = arith.addf %get3A_125, %get3A_129 : vector<16xf32>
          %swap3A_131 = arith.index_cast %scan3A_53 : i32 to index
          %swap3A_132 = arith.constant 80 : index
          %swap3A_133 = tpu.vector_load %arg11[%swap3A_131, %swap3A_132] {strides = array<i32>} : memref<128x128xf32, #tpu.memory_space<vmem>>, vector<1x16xf32>,
          %swap3A_134 = vector.shape_cast %swap3A_133 : vector<1x16xf32> to vector<16xf32>
          %swap3A_135 = vector.shape_cast %add3A_130 : vector<16xf32> to vector<1x16xf32>
          tpu.vector_store %arg11[%swap3A_131, %swap3A_132], %swap3A_135 {strides = array<i32>} : memref<128x128xf32, #tpu.memory_space<vmem>>, vector<1x16xf32>,
          %get3A_136 = arith.index_cast %scan3A_53 : i32 to index
          %get3A_137 = arith.constant 96 : index
          %get3A_138 = tpu.vector_load %arg11[%get3A_136, %get3A_137] {strides = array<i32>} : memref<128x128xf32, #tpu.memory_space<vmem>>, vector<1x16xf32>,
          %get3A_139 = vector.shape_cast %get3A_138 : vector<1x16xf32> to vector<16xf32>
          %get3A_140 = arith.index_cast %scan3A_53 : i32 to index
          %get3A_141 = arith.constant 96 : index
          %get3A_142 = tpu.vector_load %arg12[%get3A_140, %get3A_141] {strides = array<i32>} : memref<128x128xf32, #tpu.memory_space<vmem>>, vector<1x16xf32>,
          %get3A_143 = vector.shape_cast %get3A_142 : vector<1x16xf32> to vector<16xf32>
          %add3A_144 = arith.addf %get3A_139, %get3A_143 : vector<16xf32>
          %swap3A_145 = arith.index_cast %scan3A_53 : i32 to index
          %swap3A_146 = arith.constant 96 : index
          %swap3A_147 = tpu.vector_load %arg11[%swap3A_145, %swap3A_146] {strides = array<i32>} : memref<128x128xf32, #tpu.memory_space<vmem>>, vector<1x16xf32>,
          %swap3A_148 = vector.shape_cast %swap3A_147 : vector<1x16xf32> to vector<16xf32>
          %swap3A_149 = vector.shape_cast %add3A_144 : vector<16xf32> to vector<1x16xf32>
          tpu.vector_store %arg11[%swap3A_145, %swap3A_146], %swap3A_149 {strides = array<i32>} : memref<128x128xf32, #tpu.memory_space<vmem>>, vector<1x16xf32>,
          %get3A_150 = arith.index_cast %scan3A_53 : i32 to index
          %get3A_151 = arith.constant 112 : index
          %get3A_152 = tpu.vector_load %arg11[%get3A_150, %get3A_151] {strides = array<i32>} : memref<128x128xf32, #tpu.memory_space<vmem>>, vector<1x16xf32>,
          %get3A_153 = vector.shape_cast %get3A_152 : vector<1x16xf32> to vector<16xf32>
          %get3A_154 = arith.index_cast %scan3A_53 : i32 to index
          %get3A_155 = arith.constant 112 : index
          %get3A_156 = tpu.vector_load %arg12[%get3A_154, %get3A_155] {strides = array<i32>} : memref<128x128xf32, #tpu.memory_space<vmem>>, vector<1x16xf32>,
          %get3A_157 = vector.shape_cast %get3A_156 : vector<1x16xf32> to vector<16xf32>
          %add3A_158 = arith.addf %get3A_153, %get3A_157 : vector<16xf32>
          %swap3A_159 = arith.index_cast %scan3A_53 : i32 to index
          %swap3A_160 = arith.constant 112 : index
          %swap3A_161 = tpu.vector_load %arg11[%swap3A_159, %swap3A_160] {strides = array<i32>} : memref<128x128xf32, #tpu.memory_space<vmem>>, vector<1x16xf32>,
          %swap3A_162 = vector.shape_cast %swap3A_161 : vector<1x16xf32> to vector<16xf32>
          %swap3A_163 = vector.shape_cast %add3A_158 : vector<16xf32> to vector<1x16xf32>
          tpu.vector_store %arg11[%swap3A_159, %swap3A_160], %swap3A_163 {strides = array<i32>} : memref<128x128xf32, #tpu.memory_space<vmem>>, vector<1x16xf32>,
        }
        %scan3A_50 = arith.constant 128 : i32
        %mul3A_51 = arith.constant 128 : i32
        %mul3A_52 = arith.muli %add3A_13, %mul3A_51 : i32
        "tpu.region"() ({
          %run_scoped3A = tpu.sem_alloc : memref<!tpu.dma_semaphore, #tpu.memory_space<semaphore_mem>>
          %dma_start3A = arith.constant 0 : i32
          %dma_start3A_53 = tpu.memref_slice %arg6[%mul3A_52, %dma_start3A] : memref<640000x128xf32, #tpu.memory_space<hbm>> -> memref<128x128xf32, #tpu.memory_space<hbm>>
          %dma_start3A_54 = arith.constant 0 : i32
          %dma_start3A_55 = tpu.memref_slice %arg6[%mul3A_52, %dma_start3A_54] : memref<640000x128xf32, #tpu.memory_space<hbm>> -> memref<128x128xf32, #tpu.memory_space<hbm>>
          tpu.enqueue_dma source(%arg11 : memref<128x128xf32, #tpu.memory_space<vmem>>) target(%dma_start3A_55 : memref<128x128xf32, #tpu.memory_space<hbm>>) target_semaphore(%run_scoped3A : memref<!tpu.dma_semaphore, #tpu.memory_space<semaphore_mem>>)
          %dma_wait3A_56 = arith.constant 0 : i32
          %dma_wait3A_57 = tpu.memref_slice %arg6[%mul3A_52, %dma_wait3A_56] : memref<640000x128xf32, #tpu.memory_space<hbm>> -> memref<128x128xf32, #tpu.memory_space<hbm>>
          %dma_wait3A_58 = arith.constant 0 : i32
          %dma_wait3A_59 = tpu.memref_slice %arg6[%mul3A_52, %dma_wait3A_58] : memref<640000x128xf32, #tpu.memory_space<hbm>> -> memref<128x128xf32, #tpu.memory_space<hbm>>
          tpu.wait_dma2 semaphore(%run_scoped3A : memref<!tpu.dma_semaphore, #tpu.memory_space<semaphore_mem>>) src(%arg11 : memref<128x128xf32, #tpu.memory_space<vmem>>) dst(%dma_wait3A_59 : memref<128x128xf32, #tpu.memory_space<hbm>>)
          tpu.yield
        }) : () -> ()
      } else {
      }
      %add3A_26 = arith.constant 64 : i32
      %add3A_27 = arith.addi %add3A_13, %add3A_26 : i32
      %lt3A_28 = arith.constant 5000 : i32
      %lt3A_29 = arith.cmpi slt, %add3A_27, %lt3A_28 : i32
      %convert_element_type3A_30 = arith.extui %lt3A_29 : i1 to i32
      %cond3A_31 = arith.constant 0 : i32
      %cond3A_32 = arith.cmpi ne, %convert_element_type3A_30, %cond3A_31 : i32
      scf.if %cond3A_32 {
        %mul3A_40 = arith.constant 128 : i32
        %mul3A_41 = arith.muli %add3A_27, %mul3A_40 : i32
        "tpu.region"() ({
          %run_scoped3A = tpu.sem_alloc : memref<!tpu.dma_semaphore, #tpu.memory_space<semaphore_mem>>
          %dma_start3A_47 = tpu.memref_slice %arg4[%mul3A_41] : memref<640000xi32, #tpu.memory_space<hbm>> -> memref<128xi32, #tpu.memory_space<hbm>>
          %dma_start3A_48 = tpu.memref_slice %arg4[%mul3A_41] : memref<640000xi32, #tpu.memory_space<hbm>> -> memref<128xi32, #tpu.memory_space<hbm>>
          tpu.enqueue_dma source(%dma_start3A_48 : memref<128xi32, #tpu.memory_space<hbm>>) target(%arg7 : memref<128xi32, #tpu.memory_space<vmem>>) target_semaphore(%run_scoped3A : memref<!tpu.dma_semaphore, #tpu.memory_space<semaphore_mem>>)
          %dma_wait3A = tpu.memref_slice %arg4[%mul3A_41] : memref<640000xi32, #tpu.memory_space<hbm>> -> memref<128xi32, #tpu.memory_space<hbm>>
          %dma_wait3A_49 = tpu.memref_slice %arg4[%mul3A_41] : memref<640000xi32, #tpu.memory_space<hbm>> -> memref<128xi32, #tpu.memory_space<hbm>>
          tpu.wait_dma2 semaphore(%run_scoped3A : memref<!tpu.dma_semaphore, #tpu.memory_space<semaphore_mem>>) src(%dma_wait3A_49 : memref<128xi32, #tpu.memory_space<hbm>>) dst(%arg7 : memref<128xi32, #tpu.memory_space<vmem>>)
          tpu.yield
        }) : () -> ()
        "tpu.region"() ({
          %run_scoped3A = tpu.sem_alloc : memref<!tpu.dma_semaphore, #tpu.memory_space<semaphore_mem>>
          %dma_start3A_47 = tpu.memref_slice %arg5[%mul3A_41] : memref<640000xi32, #tpu.memory_space<hbm>> -> memref<128xi32, #tpu.memory_space<hbm>>
          %dma_start3A_48 = tpu.memref_slice %arg5[%mul3A_41] : memref<640000xi32, #tpu.memory_space<hbm>> -> memref<128xi32, #tpu.memory_space<hbm>>
          tpu.enqueue_dma source(%dma_start3A_48 : memref<128xi32, #tpu.memory_space<hbm>>) target(%arg8 : memref<128xi32, #tpu.memory_space<vmem>>) target_semaphore(%run_scoped3A : memref<!tpu.dma_semaphore, #tpu.memory_space<semaphore_mem>>)
          %dma_wait3A = tpu.memref_slice %arg5[%mul3A_41] : memref<640000xi32, #tpu.memory_space<hbm>> -> memref<128xi32, #tpu.memory_space<hbm>>
          %dma_wait3A_49 = tpu.memref_slice %arg5[%mul3A_41] : memref<640000xi32, #tpu.memory_space<hbm>> -> memref<128xi32, #tpu.memory_space<hbm>>
          tpu.wait_dma2 semaphore(%run_scoped3A : memref<!tpu.dma_semaphore, #tpu.memory_space<semaphore_mem>>) src(%dma_wait3A_49 : memref<128xi32, #tpu.memory_space<hbm>>) dst(%arg8 : memref<128xi32, #tpu.memory_space<vmem>>)
          tpu.yield
        }) : () -> ()
        %dma_start3A = arith.constant 0 : i32
        %dma_start3A_42 = arith.constant 0 : i32
        %dma_start3A_43 = tpu.memref_slice %arg2[%dma_start3A, %dma_start3A_42] : memref<10240x128xf32, #tpu.memory_space<hbm>> -> memref<10240x128xf32, #tpu.memory_space<hbm>>
        tpu.enqueue_indirect_dma source(%dma_start3A_43 : memref<10240x128xf32, #tpu.memory_space<hbm>>) target(%arg11 : memref<128x128xf32, #tpu.memory_space<vmem>>) offsets(%arg7 : memref<128xi32, #tpu.memory_space<vmem>>) semaphore(%arg15 : memref<!tpu.dma_semaphore, #tpu.memory_space<semaphore_mem>>)
        %dma_start3A_44 = arith.constant 0 : i32
        %dma_start3A_45 = arith.constant 0 : i32
        %dma_start3A_46 = tpu.memref_slice %arg3[%dma_start3A_44, %dma_start3A_45] : memref<10240x128xf32, #tpu.memory_space<hbm>> -> memref<10240x128xf32, #tpu.memory_space<hbm>>
        tpu.enqueue_indirect_dma source(%dma_start3A_46 : memref<10240x128xf32, #tpu.memory_space<hbm>>) target(%arg12 : memref<128x128xf32, #tpu.memory_space<vmem>>) offsets(%arg8 : memref<128xi32, #tpu.memory_space<vmem>>) semaphore(%arg16 : memref<!tpu.dma_semaphore, #tpu.memory_space<semaphore_mem>>)
      } else {
      }
      %add3A_33 = arith.constant 32 : i32
      %add3A_34 = arith.addi %add3A_13, %add3A_33 : i32
      %lt3A_35 = arith.constant 5000 : i32
      %lt3A_36 = arith.cmpi slt, %add3A_34, %lt3A_35 : i32
      %convert_element_type3A_37 = arith.extui %lt3A_36 : i1 to i32
      %cond3A_38 = arith.constant 0 : i32
      %cond3A_39 = arith.cmpi ne, %convert_element_type3A_37, %cond3A_38 : i32
      scf.if %cond3A_39 {
        %dma_wait3A = arith.constant 0 : i32
        %dma_wait3A_40 = arith.constant 0 : i32
        %dma_wait3A_41 = tpu.memref_slice %arg2[%dma_wait3A, %dma_wait3A_40] : memref<10240x128xf32, #tpu.memory_space<hbm>> -> memref<10240x128xf32, #tpu.memory_space<hbm>>
        tpu.wait_indirect_dma semaphore(%arg17 : memref<!tpu.dma_semaphore, #tpu.memory_space<semaphore_mem>>) src(%dma_wait3A_41 : memref<10240x128xf32, #tpu.memory_space<hbm>>) dst(%arg13 : memref<128x128xf32, #tpu.memory_space<vmem>>)
        %dma_wait3A_42 = arith.constant 0 : i32
        %dma_wait3A_43 = arith.constant 0 : i32
        %dma_wait3A_44 = tpu.memref_slice %arg3[%dma_wait3A_42, %dma_wait3A_43] : memref<10240x128xf32, #tpu.memory_space<hbm>> -> memref<10240x128xf32, #tpu.memory_space<hbm>>
        tpu.wait_indirect_dma semaphore(%arg18 : memref<!tpu.dma_semaphore, #tpu.memory_space<semaphore_mem>>) src(%dma_wait3A_44 : memref<10240x128xf32, #tpu.memory_space<hbm>>) dst(%arg14 : memref<128x128xf32, #tpu.memory_space<vmem>>)
        %scan3A_45 = arith.constant 0 : i32
        %scan3A_46 = arith.constant 0 : i32
        %scan3A_47 = arith.constant 128 : i32
        %scan3A_48 = arith.addi %scan3A_46, %scan3A_47 : i32
        %scan3A_49 = arith.constant 1 : i32
        scf.for %scan3A_53 = %scan3A_46 to %scan3A_48 step %scan3A_49  : i32 {
          %get3A = arith.index_cast %scan3A_53 : i32 to index
          %get3A_54 = arith.constant 0 : index
          %get3A_55 = tpu.vector_load %arg13[%get3A, %get3A_54] {strides = array<i32>} : memref<128x128xf32, #tpu.memory_space<vmem>>, vector<1x16xf32>,
          %get3A_56 = vector.shape_cast %get3A_55 : vector<1x16xf32> to vector<16xf32>
          %get3A_57 = arith.index_cast %scan3A_53 : i32 to index
          %get3A_58 = arith.constant 0 : index
          %get3A_59 = tpu.vector_load %arg14[%get3A_57, %get3A_58] {strides = array<i32>} : memref<128x128xf32, #tpu.memory_space<vmem>>, vector<1x16xf32>,
          %get3A_60 = vector.shape_cast %get3A_59 : vector<1x16xf32> to vector<16xf32>
          %add3A_61 = arith.addf %get3A_56, %get3A_60 : vector<16xf32>
          %swap3A = arith.index_cast %scan3A_53 : i32 to index
          %swap3A_62 = arith.constant 0 : index
          %swap3A_63 = tpu.vector_load %arg13[%swap3A, %swap3A_62] {strides = array<i32>} : memref<128x128xf32, #tpu.memory_space<vmem>>, vector<1x16xf32>,
          %swap3A_64 = vector.shape_cast %swap3A_63 : vector<1x16xf32> to vector<16xf32>
          %swap3A_65 = vector.shape_cast %add3A_61 : vector<16xf32> to vector<1x16xf32>
          tpu.vector_store %arg13[%swap3A, %swap3A_62], %swap3A_65 {strides = array<i32>} : memref<128x128xf32, #tpu.memory_space<vmem>>, vector<1x16xf32>,
          %get3A_66 = arith.index_cast %scan3A_53 : i32 to index
          %get3A_67 = arith.constant 16 : index
          %get3A_68 = tpu.vector_load %arg13[%get3A_66, %get3A_67] {strides = array<i32>} : memref<128x128xf32, #tpu.memory_space<vmem>>, vector<1x16xf32>,
          %get3A_69 = vector.shape_cast %get3A_68 : vector<1x16xf32> to vector<16xf32>
          %get3A_70 = arith.index_cast %scan3A_53 : i32 to index
          %get3A_71 = arith.constant 16 : index
          %get3A_72 = tpu.vector_load %arg14[%get3A_70, %get3A_71] {strides = array<i32>} : memref<128x128xf32, #tpu.memory_space<vmem>>, vector<1x16xf32>,
          %get3A_73 = vector.shape_cast %get3A_72 : vector<1x16xf32> to vector<16xf32>
          %add3A_74 = arith.addf %get3A_69, %get3A_73 : vector<16xf32>
          %swap3A_75 = arith.index_cast %scan3A_53 : i32 to index
          %swap3A_76 = arith.constant 16 : index
          %swap3A_77 = tpu.vector_load %arg13[%swap3A_75, %swap3A_76] {strides = array<i32>} : memref<128x128xf32, #tpu.memory_space<vmem>>, vector<1x16xf32>,
          %swap3A_78 = vector.shape_cast %swap3A_77 : vector<1x16xf32> to vector<16xf32>
          %swap3A_79 = vector.shape_cast %add3A_74 : vector<16xf32> to vector<1x16xf32>
          tpu.vector_store %arg13[%swap3A_75, %swap3A_76], %swap3A_79 {strides = array<i32>} : memref<128x128xf32, #tpu.memory_space<vmem>>, vector<1x16xf32>,
          %get3A_80 = arith.index_cast %scan3A_53 : i32 to index
          %get3A_81 = arith.constant 32 : index
          %get3A_82 = tpu.vector_load %arg13[%get3A_80, %get3A_81] {strides = array<i32>} : memref<128x128xf32, #tpu.memory_space<vmem>>, vector<1x16xf32>,
          %get3A_83 = vector.shape_cast %get3A_82 : vector<1x16xf32> to vector<16xf32>
          %get3A_84 = arith.index_cast %scan3A_53 : i32 to index
          %get3A_85 = arith.constant 32 : index
          %get3A_86 = tpu.vector_load %arg14[%get3A_84, %get3A_85] {strides = array<i32>} : memref<128x128xf32, #tpu.memory_space<vmem>>, vector<1x16xf32>,
          %get3A_87 = vector.shape_cast %get3A_86 : vector<1x16xf32> to vector<16xf32>
          %add3A_88 = arith.addf %get3A_83, %get3A_87 : vector<16xf32>
          %swap3A_89 = arith.index_cast %scan3A_53 : i32 to index
          %swap3A_90 = arith.constant 32 : index
          %swap3A_91 = tpu.vector_load %arg13[%swap3A_89, %swap3A_90] {strides = array<i32>} : memref<128x128xf32, #tpu.memory_space<vmem>>, vector<1x16xf32>,
          %swap3A_92 = vector.shape_cast %swap3A_91 : vector<1x16xf32> to vector<16xf32>
          %swap3A_93 = vector.shape_cast %add3A_88 : vector<16xf32> to vector<1x16xf32>
          tpu.vector_store %arg13[%swap3A_89, %swap3A_90], %swap3A_93 {strides = array<i32>} : memref<128x128xf32, #tpu.memory_space<vmem>>, vector<1x16xf32>,
          %get3A_94 = arith.index_cast %scan3A_53 : i32 to index
          %get3A_95 = arith.constant 48 : index
          %get3A_96 = tpu.vector_load %arg13[%get3A_94, %get3A_95] {strides = array<i32>} : memref<128x128xf32, #tpu.memory_space<vmem>>, vector<1x16xf32>,
          %get3A_97 = vector.shape_cast %get3A_96 : vector<1x16xf32> to vector<16xf32>
          %get3A_98 = arith.index_cast %scan3A_53 : i32 to index
          %get3A_99 = arith.constant 48 : index
          %get3A_100 = tpu.vector_load %arg14[%get3A_98, %get3A_99] {strides = array<i32>} : memref<128x128xf32, #tpu.memory_space<vmem>>, vector<1x16xf32>,
          %get3A_101 = vector.shape_cast %get3A_100 : vector<1x16xf32> to vector<16xf32>
          %add3A_102 = arith.addf %get3A_97, %get3A_101 : vector<16xf32>
          %swap3A_103 = arith.index_cast %scan3A_53 : i32 to index
          %swap3A_104 = arith.constant 48 : index
          %swap3A_105 = tpu.vector_load %arg13[%swap3A_103, %swap3A_104] {strides = array<i32>} : memref<128x128xf32, #tpu.memory_space<vmem>>, vector<1x16xf32>,
          %swap3A_106 = vector.shape_cast %swap3A_105 : vector<1x16xf32> to vector<16xf32>
          %swap3A_107 = vector.shape_cast %add3A_102 : vector<16xf32> to vector<1x16xf32>
          tpu.vector_store %arg13[%swap3A_103, %swap3A_104], %swap3A_107 {strides = array<i32>} : memref<128x128xf32, #tpu.memory_space<vmem>>, vector<1x16xf32>,
          %get3A_108 = arith.index_cast %scan3A_53 : i32 to index
          %get3A_109 = arith.constant 64 : index
          %get3A_110 = tpu.vector_load %arg13[%get3A_108, %get3A_109] {strides = array<i32>} : memref<128x128xf32, #tpu.memory_space<vmem>>, vector<1x16xf32>,
          %get3A_111 = vector.shape_cast %get3A_110 : vector<1x16xf32> to vector<16xf32>
          %get3A_112 = arith.index_cast %scan3A_53 : i32 to index
          %get3A_113 = arith.constant 64 : index
          %get3A_114 = tpu.vector_load %arg14[%get3A_112, %get3A_113] {strides = array<i32>} : memref<128x128xf32, #tpu.memory_space<vmem>>, vector<1x16xf32>,
          %get3A_115 = vector.shape_cast %get3A_114 : vector<1x16xf32> to vector<16xf32>
          %add3A_116 = arith.addf %get3A_111, %get3A_115 : vector<16xf32>
          %swap3A_117 = arith.index_cast %scan3A_53 : i32 to index
          %swap3A_118 = arith.constant 64 : index
          %swap3A_119 = tpu.vector_load %arg13[%swap3A_117, %swap3A_118] {strides = array<i32>} : memref<128x128xf32, #tpu.memory_space<vmem>>, vector<1x16xf32>,
          %swap3A_120 = vector.shape_cast %swap3A_119 : vector<1x16xf32> to vector<16xf32>
          %swap3A_121 = vector.shape_cast %add3A_116 : vector<16xf32> to vector<1x16xf32>
          tpu.vector_store %arg13[%swap3A_117, %swap3A_118], %swap3A_121 {strides = array<i32>} : memref<128x128xf32, #tpu.memory_space<vmem>>, vector<1x16xf32>,
          %get3A_122 = arith.index_cast %scan3A_53 : i32 to index
          %get3A_123 = arith.constant 80 : index
          %get3A_124 = tpu.vector_load %arg13[%get3A_122, %get3A_123] {strides = array<i32>} : memref<128x128xf32, #tpu.memory_space<vmem>>, vector<1x16xf32>,
          %get3A_125 = vector.shape_cast %get3A_124 : vector<1x16xf32> to vector<16xf32>
          %get3A_126 = arith.index_cast %scan3A_53 : i32 to index
          %get3A_127 = arith.constant 80 : index
          %get3A_128 = tpu.vector_load %arg14[%get3A_126, %get3A_127] {strides = array<i32>} : memref<128x128xf32, #tpu.memory_space<vmem>>, vector<1x16xf32>,
          %get3A_129 = vector.shape_cast %get3A_128 : vector<1x16xf32> to vector<16xf32>
          %add3A_130 = arith.addf %get3A_125, %get3A_129 : vector<16xf32>
          %swap3A_131 = arith.index_cast %scan3A_53 : i32 to index
          %swap3A_132 = arith.constant 80 : index
          %swap3A_133 = tpu.vector_load %arg13[%swap3A_131, %swap3A_132] {strides = array<i32>} : memref<128x128xf32, #tpu.memory_space<vmem>>, vector<1x16xf32>,
          %swap3A_134 = vector.shape_cast %swap3A_133 : vector<1x16xf32> to vector<16xf32>
          %swap3A_135 = vector.shape_cast %add3A_130 : vector<16xf32> to vector<1x16xf32>
          tpu.vector_store %arg13[%swap3A_131, %swap3A_132], %swap3A_135 {strides = array<i32>} : memref<128x128xf32, #tpu.memory_space<vmem>>, vector<1x16xf32>,
          %get3A_136 = arith.index_cast %scan3A_53 : i32 to index
          %get3A_137 = arith.constant 96 : index
          %get3A_138 = tpu.vector_load %arg13[%get3A_136, %get3A_137] {strides = array<i32>} : memref<128x128xf32, #tpu.memory_space<vmem>>, vector<1x16xf32>,
          %get3A_139 = vector.shape_cast %get3A_138 : vector<1x16xf32> to vector<16xf32>
          %get3A_140 = arith.index_cast %scan3A_53 : i32 to index
          %get3A_141 = arith.constant 96 : index
          %get3A_142 = tpu.vector_load %arg14[%get3A_140, %get3A_141] {strides = array<i32>} : memref<128x128xf32, #tpu.memory_space<vmem>>, vector<1x16xf32>,
          %get3A_143 = vector.shape_cast %get3A_142 : vector<1x16xf32> to vector<16xf32>
          %add3A_144 = arith.addf %get3A_139, %get3A_143 : vector<16xf32>
          %swap3A_145 = arith.index_cast %scan3A_53 : i32 to index
          %swap3A_146 = arith.constant 96 : index
          %swap3A_147 = tpu.vector_load %arg13[%swap3A_145, %swap3A_146] {strides = array<i32>} : memref<128x128xf32, #tpu.memory_space<vmem>>, vector<1x16xf32>,
          %swap3A_148 = vector.shape_cast %swap3A_147 : vector<1x16xf32> to vector<16xf32>
          %swap3A_149 = vector.shape_cast %add3A_144 : vector<16xf32> to vector<1x16xf32>
          tpu.vector_store %arg13[%swap3A_145, %swap3A_146], %swap3A_149 {strides = array<i32>} : memref<128x128xf32, #tpu.memory_space<vmem>>, vector<1x16xf32>,
          %get3A_150 = arith.index_cast %scan3A_53 : i32 to index
          %get3A_151 = arith.constant 112 : index
          %get3A_152 = tpu.vector_load %arg13[%get3A_150, %get3A_151] {strides = array<i32>} : memref<128x128xf32, #tpu.memory_space<vmem>>, vector<1x16xf32>,
          %get3A_153 = vector.shape_cast %get3A_152 : vector<1x16xf32> to vector<16xf32>
          %get3A_154 = arith.index_cast %scan3A_53 : i32 to index
          %get3A_155 = arith.constant 112 : index
          %get3A_156 = tpu.vector_load %arg14[%get3A_154, %get3A_155] {strides = array<i32>} : memref<128x128xf32, #tpu.memory_space<vmem>>, vector<1x16xf32>,
          %get3A_157 = vector.shape_cast %get3A_156 : vector<1x16xf32> to vector<16xf32>
          %add3A_158 = arith.addf %get3A_153, %get3A_157 : vector<16xf32>
          %swap3A_159 = arith.index_cast %scan3A_53 : i32 to index
          %swap3A_160 = arith.constant 112 : index
          %swap3A_161 = tpu.vector_load %arg13[%swap3A_159, %swap3A_160] {strides = array<i32>} : memref<128x128xf32, #tpu.memory_space<vmem>>, vector<1x16xf32>,
          %swap3A_162 = vector.shape_cast %swap3A_161 : vector<1x16xf32> to vector<16xf32>
          %swap3A_163 = vector.shape_cast %add3A_158 : vector<16xf32> to vector<1x16xf32>
          tpu.vector_store %arg13[%swap3A_159, %swap3A_160], %swap3A_163 {strides = array<i32>} : memref<128x128xf32, #tpu.memory_space<vmem>>, vector<1x16xf32>,
        }
        %scan3A_50 = arith.constant 128 : i32
        %mul3A_51 = arith.constant 128 : i32
        %mul3A_52 = arith.muli %add3A_34, %mul3A_51 : i32
        "tpu.region"() ({
          %run_scoped3A = tpu.sem_alloc : memref<!tpu.dma_semaphore, #tpu.memory_space<semaphore_mem>>
          %dma_start3A = arith.constant 0 : i32
          %dma_start3A_53 = tpu.memref_slice %arg6[%mul3A_52, %dma_start3A] : memref<640000x128xf32, #tpu.memory_space<hbm>> -> memref<128x128xf32, #tpu.memory_space<hbm>>
          %dma_start3A_54 = arith.constant 0 : i32
          %dma_start3A_55 = tpu.memref_slice %arg6[%mul3A_52, %dma_start3A_54] : memref<640000x128xf32, #tpu.memory_space<hbm>> -> memref<128x128xf32, #tpu.memory_space<hbm>>
          tpu.enqueue_dma source(%arg13 : memref<128x128xf32, #tpu.memory_space<vmem>>) target(%dma_start3A_55 : memref<128x128xf32, #tpu.memory_space<hbm>>) target_semaphore(%run_scoped3A : memref<!tpu.dma_semaphore, #tpu.memory_space<semaphore_mem>>)
          %dma_wait3A_56 = arith.constant 0 : i32
          %dma_wait3A_57 = tpu.memref_slice %arg6[%mul3A_52, %dma_wait3A_56] : memref<640000x128xf32, #tpu.memory_space<hbm>> -> memref<128x128xf32, #tpu.memory_space<hbm>>
          %dma_wait3A_58 = arith.constant 0 : i32
          %dma_wait3A_59 = tpu.memref_slice %arg6[%mul3A_52, %dma_wait3A_58] : memref<640000x128xf32, #tpu.memory_space<hbm>> -> memref<128x128xf32, #tpu.memory_space<hbm>>
          tpu.wait_dma2 semaphore(%run_scoped3A : memref<!tpu.dma_semaphore, #tpu.memory_space<semaphore_mem>>) src(%arg13 : memref<128x128xf32, #tpu.memory_space<vmem>>) dst(%dma_wait3A_59 : memref<128x128xf32, #tpu.memory_space<hbm>>)
          tpu.yield
        }) : () -> ()
      } else {
      }
    }
    %scan3A_7 = arith.constant 79 : i32
    return
  }
}

module attributes {stable_mosaic.version = 14 : i64} {
  func.func @_node_body(%arg0: i32, %arg1: memref<2048x128xf32, #tpu.memory_space<vmem>>, %arg2: memref<2048x128xf32, #tpu.memory_space<vmem>>, %arg3: memref<2048x128xf32, #tpu.memory_space<vmem>>, %arg4: memref<2048x128xf32, #tpu.memory_space<vmem>>, %arg5: memref<128x1xf32, #tpu.memory_space<vmem>>, %arg6: memref<128x128xf32, #tpu.memory_space<vmem>>, %arg7: memref<128x128xf32, #tpu.memory_space<vmem>>, %arg8: memref<128x128xf32, #tpu.memory_space<vmem>>, %arg9: memref<2048x128xf32, #tpu.memory_space<vmem>>, %arg10: memref<2048x128xf32, #tpu.memory_space<vmem>>) attributes {dimension_semantics = [#tpu.dimension_semantics<parallel>], iteration_bounds = array<i64: 5>, scalar_prefetch = 0 : i64, scratch_operands = 0 : i64, tpu.core_type = #tpu.core_type<tc>, window_params = [{transform_indices = @transform_0, window_bounds = array<i64: 2048, 128>}, {transform_indices = @transform_1, window_bounds = array<i64: 2048, 128>}, {transform_indices = @transform_2, window_bounds = array<i64: 2048, 128>}, {transform_indices = @transform_3, window_bounds = array<i64: 2048, 128>}, {pipeline_mode = #tpu.pipeline_mode<synchronous>, transform_indices = @transform_4, window_bounds = array<i64: 128, 1>}, {pipeline_mode = #tpu.pipeline_mode<synchronous>, transform_indices = @transform_5, window_bounds = array<i64: 128, 128>}, {pipeline_mode = #tpu.pipeline_mode<synchronous>, transform_indices = @transform_6, window_bounds = array<i64: 128, 128>}, {pipeline_mode = #tpu.pipeline_mode<synchronous>, transform_indices = @transform_7, window_bounds = array<i64: 128, 128>}, {transform_indices = @transform_8, window_bounds = array<i64: 2048, 128>}, {transform_indices = @transform_9, window_bounds = array<i64: 2048, 128>}]} {
    %get3A = arith.constant 0 : index
    %get3A_0 = arith.constant 0 : index
    %get3A_1 = vector.load %arg1[%get3A, %get3A_0] : memref<2048x128xf32, #tpu.memory_space<vmem>>, vector<2048x128xf32>
    %get3A_2 = arith.constant 0 : index
    %get3A_3 = arith.constant 0 : index
    %get3A_4 = vector.load %arg3[%get3A_2, %get3A_3] : memref<2048x128xf32, #tpu.memory_space<vmem>>, vector<2048x128xf32>
    %get3A_5 = arith.constant 0 : index
    %get3A_6 = arith.constant 0 : index
    %get3A_7 = vector.load %arg4[%get3A_5, %get3A_6] : memref<2048x128xf32, #tpu.memory_space<vmem>>, vector<2048x128xf32>
    %add3A = arith.addf %get3A_4, %get3A_7 : vector<2048x128xf32>
    %get3A_8 = arith.constant 0 : index
    %get3A_9 = arith.constant 0 : index
    %get3A_10 = vector.load %arg5[%get3A_8, %get3A_9] : memref<128x1xf32, #tpu.memory_space<vmem>>, vector<128x1xf32>
    %dot_general3A = arith.constant dense<0.000000e+00> : vector<2048x1xf32>
    %dot_general3A_11 = tpu.matmul %add3A, %get3A_10, %dot_general3A {dimension_numbers = #tpu.dot_dimension_numbers<[1], [0], [0], [1], [0, 0, 1, 1], [], []>, transpose_lhs_hint = false} : vector<2048x128xf32>, vector<128x1xf32>, vector<2048x1xf32> -> vector<2048x1xf32>
    %get3A_12 = arith.constant 0 : index
    %get3A_13 = arith.constant 0 : index
    %get3A_14 = vector.load %arg7[%get3A_12, %get3A_13] : memref<128x128xf32, #tpu.memory_space<vmem>>, vector<128x128xf32>
    %dot_general3A_15 = arith.constant dense<0.000000e+00> : vector<2048x128xf32>
    %dot_general3A_16 = tpu.matmul %get3A_1, %get3A_14, %dot_general3A_15 {dimension_numbers = #tpu.dot_dimension_numbers<[1], [0], [0], [1], [0, 0, 1, 1], [], []>, transpose_lhs_hint = false} : vector<2048x128xf32>, vector<128x128xf32>, vector<2048x128xf32> -> vector<2048x128xf32>
    %mul3A = vector.broadcast %dot_general3A_11 : vector<2048x1xf32> to vector<2048x128xf32>
    %mul3A_17 = arith.mulf %mul3A, %dot_general3A_16 : vector<2048x128xf32>
    %get3A_18 = arith.constant 0 : index
    %get3A_19 = arith.constant 0 : index
    %get3A_20 = vector.load %arg2[%get3A_18, %get3A_19] : memref<2048x128xf32, #tpu.memory_space<vmem>>, vector<2048x128xf32>
    %get3A_21 = arith.constant 0 : index
    %get3A_22 = arith.constant 0 : index
    %get3A_23 = vector.load %arg6[%get3A_21, %get3A_22] : memref<128x128xf32, #tpu.memory_space<vmem>>, vector<128x128xf32>
    %dot_general3A_24 = arith.constant dense<0.000000e+00> : vector<2048x128xf32>
    %dot_general3A_25 = tpu.matmul %get3A_20, %get3A_23, %dot_general3A_24 {dimension_numbers = #tpu.dot_dimension_numbers<[1], [0], [0], [1], [0, 0, 1, 1], [], []>, transpose_lhs_hint = false} : vector<2048x128xf32>, vector<128x128xf32>, vector<2048x128xf32> -> vector<2048x128xf32>
    %add3A_26 = arith.addf %mul3A_17, %dot_general3A_25 : vector<2048x128xf32>
    %swap3A = arith.constant 0 : index
    %swap3A_27 = arith.constant 0 : index
    %swap3A_28 = vector.load %arg9[%swap3A, %swap3A_27] : memref<2048x128xf32, #tpu.memory_space<vmem>>, vector<2048x128xf32>
    tpu.vector_store %arg9[%swap3A, %swap3A_27], %add3A_26 {strides = array<i32>} : memref<2048x128xf32, #tpu.memory_space<vmem>>, vector<2048x128xf32>,
    %get3A_29 = arith.constant 0 : index
    %get3A_30 = arith.constant 0 : index
    %get3A_31 = vector.load %arg8[%get3A_29, %get3A_30] : memref<128x128xf32, #tpu.memory_space<vmem>>, vector<128x128xf32>
    %dot_general3A_32 = arith.constant dense<0.000000e+00> : vector<2048x128xf32>
    %dot_general3A_33 = tpu.matmul %get3A_1, %get3A_31, %dot_general3A_32 {dimension_numbers = #tpu.dot_dimension_numbers<[1], [0], [0], [1], [0, 0, 1, 1], [], []>, transpose_lhs_hint = false} : vector<2048x128xf32>, vector<128x128xf32>, vector<2048x128xf32> -> vector<2048x128xf32>
    %swap3A_34 = arith.constant 0 : index
    %swap3A_35 = arith.constant 0 : index
    %swap3A_36 = vector.load %arg10[%swap3A_34, %swap3A_35] : memref<2048x128xf32, #tpu.memory_space<vmem>>, vector<2048x128xf32>
    tpu.vector_store %arg10[%swap3A_34, %swap3A_35], %dot_general3A_33 {strides = array<i32>} : memref<2048x128xf32, #tpu.memory_space<vmem>>, vector<2048x128xf32>,
    return
  }
  func.func @transform_0(%arg0: i32) -> (i32, i32) {
    %c0_i32 = arith.constant 0 : i32
    %c0_i32_0 = arith.constant 0 : i32
    return %arg0, %c0_i32 : i32, i32
  }
  func.func @transform_1(%arg0: i32) -> (i32, i32) {
    %c0_i32 = arith.constant 0 : i32
    %c0_i32_0 = arith.constant 0 : i32
    return %arg0, %c0_i32 : i32, i32
  }
  func.func @transform_2(%arg0: i32) -> (i32, i32) {
    %c0_i32 = arith.constant 0 : i32
    %c0_i32_0 = arith.constant 0 : i32
    return %arg0, %c0_i32 : i32, i32
  }
  func.func @transform_3(%arg0: i32) -> (i32, i32) {
    %c0_i32 = arith.constant 0 : i32
    %c0_i32_0 = arith.constant 0 : i32
    return %arg0, %c0_i32 : i32, i32
  }
  func.func @transform_4(%arg0: i32) -> (i32, i32) {
    %c0_i32 = arith.constant 0 : i32
    %c0_i32_0 = arith.constant 0 : i32
    %c0_i32_1 = arith.constant 0 : i32
    return %c0_i32, %c0_i32_0 : i32, i32
  }
  func.func @transform_5(%arg0: i32) -> (i32, i32) {
    %c0_i32 = arith.constant 0 : i32
    %c0_i32_0 = arith.constant 0 : i32
    %c0_i32_1 = arith.constant 0 : i32
    return %c0_i32, %c0_i32_0 : i32, i32
  }
  func.func @transform_6(%arg0: i32) -> (i32, i32) {
    %c0_i32 = arith.constant 0 : i32
    %c0_i32_0 = arith.constant 0 : i32
    %c0_i32_1 = arith.constant 0 : i32
    return %c0_i32, %c0_i32_0 : i32, i32
  }
  func.func @transform_7(%arg0: i32) -> (i32, i32) {
    %c0_i32 = arith.constant 0 : i32
    %c0_i32_0 = arith.constant 0 : i32
    %c0_i32_1 = arith.constant 0 : i32
    return %c0_i32, %c0_i32_0 : i32, i32
  }
  func.func @transform_8(%arg0: i32) -> (i32, i32) {
    %c0_i32 = arith.constant 0 : i32
    %c0_i32_0 = arith.constant 0 : i32
    return %arg0, %c0_i32 : i32, i32
  }
  func.func @transform_9(%arg0: i32) -> (i32, i32) {
    %c0_i32 = arith.constant 0 : i32
    %c0_i32_0 = arith.constant 0 : i32
    return %arg0, %c0_i32 : i32, i32
  }
}

module attributes {stable_mosaic.version = 14 : i64} {
  func.func @_p2_body(%arg0: i32, %arg1: memref<6400x128xf32, #tpu.memory_space<vmem>>, %arg2: memref<6400x128xf32, #tpu.memory_space<vmem>>, %arg3: memref<128x128xf32, #tpu.memory_space<vmem>>, %arg4: memref<1x128xf32, #tpu.memory_space<vmem>>, %arg5: memref<1x1xf32, #tpu.memory_space<smem>>, %arg6: memref<6400x128xbf16, #tpu.memory_space<vmem>>, %arg7: memref<1x128xf32, #tpu.memory_space<vmem>>, %arg8: memref<128x128xf32, #tpu.memory_space<vmem>>) attributes {dimension_semantics = [#tpu.dimension_semantics<arbitrary>], iteration_bounds = array<i64: 100>, scalar_prefetch = 0 : i64, scratch_operands = 0 : i64, tpu.core_type = #tpu.core_type<tc>, window_params = [{transform_indices = @transform_0, window_bounds = array<i64: 6400, 128>}, {transform_indices = @transform_1, window_bounds = array<i64: 6400, 128>}, {pipeline_mode = #tpu.pipeline_mode<synchronous>, transform_indices = @transform_2, window_bounds = array<i64: 128, 128>}, {pipeline_mode = #tpu.pipeline_mode<synchronous>, transform_indices = @transform_3, window_bounds = array<i64: 1, 128>}, {transform_indices = @transform_4, window_bounds = array<i64: 1, 1>}, {transform_indices = @transform_5, window_bounds = array<i64: 6400, 128>}, {pipeline_mode = #tpu.pipeline_mode<synchronous>, transform_indices = @transform_6, window_bounds = array<i64: 1, 128>}, {pipeline_mode = #tpu.pipeline_mode<synchronous>, transform_indices = @transform_7, window_bounds = array<i64: 128, 128>}]} {
    %get3A = arith.constant 0 : index
    %get3A_0 = arith.constant 0 : index
    %get3A_1 = vector.load %arg1[%get3A, %get3A_0] : memref<6400x128xf32, #tpu.memory_space<vmem>>, vector<6400x128xf32>
    %get3A_2 = arith.constant 0 : index
    %get3A_3 = arith.constant 0 : index
    %get3A_4 = vector.load %arg3[%get3A_2, %get3A_3] : memref<128x128xf32, #tpu.memory_space<vmem>>, vector<128x128xf32>
    %dot_general3A = arith.constant dense<0.000000e+00> : vector<6400x128xf32>
    %dot_general3A_5 = tpu.matmul %get3A_1, %get3A_4, %dot_general3A {dimension_numbers = #tpu.dot_dimension_numbers<[1], [0], [0], [1], [0, 0, 1, 1], [], []>, transpose_lhs_hint = false} : vector<6400x128xf32>, vector<128x128xf32>, vector<6400x128xf32> -> vector<6400x128xf32>
    %get3A_6 = arith.constant 0 : index
    %get3A_7 = arith.constant 0 : index
    %get3A_8 = vector.load %arg2[%get3A_6, %get3A_7] : memref<6400x128xf32, #tpu.memory_space<vmem>>, vector<6400x128xf32>
    %add3A = arith.addf %dot_general3A_5, %get3A_8 : vector<6400x128xf32>
    %get3A_9 = arith.constant 0 : index
    %get3A_10 = arith.constant 0 : index
    %get3A_11 = vector.load %arg4[%get3A_9, %get3A_10] : memref<1x128xf32, #tpu.memory_space<vmem>>, vector<1x128xf32>
    %add3A_12 = vector.broadcast %get3A_11 : vector<1x128xf32> to vector<6400x128xf32>
    %add3A_13 = arith.addf %add3A, %add3A_12 : vector<6400x128xf32>
    %get3A_14 = arith.constant 0 : index
    %get3A_15 = arith.constant 0 : index
    %get3A_16 = memref.load %arg5[%get3A_14, %get3A_15] : memref<1x1xf32, #tpu.memory_space<smem>>
    %mul3A = vector.broadcast %get3A_16 : f32 to vector<6400x128xf32>
    %mul3A_17 = arith.mulf %mul3A, %get3A_1 : vector<6400x128xf32>
    %add3A_18 = arith.addf %add3A_13, %mul3A_17 : vector<6400x128xf32>
    %convert_element_type3A = arith.truncf %add3A_18 : vector<6400x128xf32> to vector<6400x128xbf16>
    %swap3A = arith.constant 0 : index
    %swap3A_19 = arith.constant 0 : index
    %swap3A_20 = vector.load %arg6[%swap3A, %swap3A_19] : memref<6400x128xbf16, #tpu.memory_space<vmem>>, vector<6400x128xbf16>
    tpu.vector_store %arg6[%swap3A, %swap3A_19], %convert_element_type3A {strides = array<i32>} : memref<6400x128xbf16, #tpu.memory_space<vmem>>, vector<6400x128xbf16>,
    %eq3A = arith.constant 0 : i32
    %eq3A_21 = arith.cmpi eq, %arg0, %eq3A : i32
    %convert_element_type3A_22 = arith.extui %eq3A_21 : i1 to i32
    %cond3A = arith.constant 0 : i32
    %cond3A_23 = arith.cmpi ne, %convert_element_type3A_22, %cond3A : i32
    scf.if %cond3A_23 {
      %broadcast_in_dim3A_41 = arith.constant 0.000000e+00 : f32
      %broadcast_in_dim3A_42 = vector.broadcast %broadcast_in_dim3A_41 : f32 to vector<1x128xf32>
      %swap3A_43 = arith.constant 0 : index
      %swap3A_44 = arith.constant 0 : index
      %swap3A_45 = vector.load %arg7[%swap3A_43, %swap3A_44] : memref<1x128xf32, #tpu.memory_space<vmem>>, vector<1x128xf32>
      tpu.vector_store %arg7[%swap3A_43, %swap3A_44], %broadcast_in_dim3A_42 {strides = array<i32>} : memref<1x128xf32, #tpu.memory_space<vmem>>, vector<1x128xf32>,
      %broadcast_in_dim3A_46 = arith.constant 0.000000e+00 : f32
      %broadcast_in_dim3A_47 = vector.broadcast %broadcast_in_dim3A_46 : f32 to vector<128x128xf32>
      %swap3A_48 = arith.constant 0 : index
      %swap3A_49 = arith.constant 0 : index
      %swap3A_50 = vector.load %arg8[%swap3A_48, %swap3A_49] : memref<128x128xf32, #tpu.memory_space<vmem>>, vector<128x128xf32>
      tpu.vector_store %arg8[%swap3A_48, %swap3A_49], %broadcast_in_dim3A_47 {strides = array<i32>} : memref<128x128xf32, #tpu.memory_space<vmem>>, vector<128x128xf32>,
    } else {
    }
    %get3A_24 = arith.constant 0 : index
    %get3A_25 = arith.constant 0 : index
    %get3A_26 = vector.load %arg7[%get3A_24, %get3A_25] : memref<1x128xf32, #tpu.memory_space<vmem>>, vector<1x128xf32>
    %reduce_sum3A = arith.constant dense<0.000000e+00> : vector<128xf32>
    %reduce_sum3A_27 = vector.multi_reduction <add>, %add3A_18, %reduce_sum3A [0] : vector<6400x128xf32> to vector<128xf32>
    %broadcast_in_dim3A = vector.shape_cast %reduce_sum3A_27 : vector<128xf32> to vector<1x128xf32>
    %add3A_28 = arith.addf %get3A_26, %broadcast_in_dim3A : vector<1x128xf32>
    %swap3A_29 = arith.constant 0 : index
    %swap3A_30 = arith.constant 0 : index
    %swap3A_31 = vector.load %arg7[%swap3A_29, %swap3A_30] : memref<1x128xf32, #tpu.memory_space<vmem>>, vector<1x128xf32>
    tpu.vector_store %arg7[%swap3A_29, %swap3A_30], %add3A_28 {strides = array<i32>} : memref<1x128xf32, #tpu.memory_space<vmem>>, vector<1x128xf32>,
    %get3A_32 = arith.constant 0 : index
    %get3A_33 = arith.constant 0 : index
    %get3A_34 = vector.load %arg8[%get3A_32, %get3A_33] : memref<128x128xf32, #tpu.memory_space<vmem>>, vector<128x128xf32>
    %dot_general3A_35 = arith.constant dense<0.000000e+00> : vector<128x128xf32>
    %dot_general3A_36 = tpu.matmul %add3A_18, %add3A_18, %dot_general3A_35 {dimension_numbers = #tpu.dot_dimension_numbers<[0], [0], [1], [1], [0, 1, 1, 1], [], []>, transpose_lhs_hint = false} : vector<6400x128xf32>, vector<6400x128xf32>, vector<128x128xf32> -> vector<128x128xf32>
    %add3A_37 = arith.addf %get3A_34, %dot_general3A_36 : vector<128x128xf32>
    %swap3A_38 = arith.constant 0 : index
    %swap3A_39 = arith.constant 0 : index
    %swap3A_40 = vector.load %arg8[%swap3A_38, %swap3A_39] : memref<128x128xf32, #tpu.memory_space<vmem>>, vector<128x128xf32>
    tpu.vector_store %arg8[%swap3A_38, %swap3A_39], %add3A_37 {strides = array<i32>} : memref<128x128xf32, #tpu.memory_space<vmem>>, vector<128x128xf32>,
    return
  }
  func.func @transform_0(%arg0: i32) -> (i32, i32) {
    %c0_i32 = arith.constant 0 : i32
    %c0_i32_0 = arith.constant 0 : i32
    return %arg0, %c0_i32 : i32, i32
  }
  func.func @transform_1(%arg0: i32) -> (i32, i32) {
    %c0_i32 = arith.constant 0 : i32
    %c0_i32_0 = arith.constant 0 : i32
    return %arg0, %c0_i32 : i32, i32
  }
  func.func @transform_2(%arg0: i32) -> (i32, i32) {
    %c0_i32 = arith.constant 0 : i32
    %c0_i32_0 = arith.constant 0 : i32
    %c0_i32_1 = arith.constant 0 : i32
    return %c0_i32, %c0_i32_0 : i32, i32
  }
  func.func @transform_3(%arg0: i32) -> (i32, i32) {
    %c0_i32 = arith.constant 0 : i32
    %c0_i32_0 = arith.constant 0 : i32
    %c0_i32_1 = arith.constant 0 : i32
    return %c0_i32, %c0_i32_0 : i32, i32
  }
  func.func @transform_4(%arg0: i32) -> (i32, i32) {
    %c0_i32 = arith.constant 0 : i32
    %c0_i32_0 = arith.constant 0 : i32
    %c0_i32_1 = arith.constant 0 : i32
    return %c0_i32, %c0_i32_0 : i32, i32
  }
  func.func @transform_5(%arg0: i32) -> (i32, i32) {
    %c0_i32 = arith.constant 0 : i32
    %c0_i32_0 = arith.constant 0 : i32
    return %arg0, %c0_i32 : i32, i32
  }
  func.func @transform_6(%arg0: i32) -> (i32, i32) {
    %c0_i32 = arith.constant 0 : i32
    %c0_i32_0 = arith.constant 0 : i32
    %c0_i32_1 = arith.constant 0 : i32
    return %c0_i32, %c0_i32_0 : i32, i32
  }
  func.func @transform_7(%arg0: i32) -> (i32, i32) {
    %c0_i32 = arith.constant 0 : i32
    %c0_i32_0 = arith.constant 0 : i32
    %c0_i32_1 = arith.constant 0 : i32
    return %c0_i32, %c0_i32_0 : i32, i32
  }
}

module attributes {stable_mosaic.version = 14 : i64} {
  func.func @_p3_body(%arg0: i32, %arg1: memref<6400x128xbf16, #tpu.memory_space<vmem>>, %arg2: memref<1x128xf32, #tpu.memory_space<vmem>>, %arg3: memref<128x128xf32, #tpu.memory_space<vmem>>, %arg4: memref<1x256xf32, #tpu.memory_space<vmem>>, %arg5: memref<1x256xf32, #tpu.memory_space<vmem>>, %arg6: memref<128x256xf32, #tpu.memory_space<vmem>>, %arg7: memref<256x128xf32, #tpu.memory_space<vmem>>, %arg8: memref<6400x128xbf16, #tpu.memory_space<vmem>>, %arg9: memref<1x128xf32, #tpu.memory_space<vmem>>, %arg10: memref<1x128xf32, #tpu.memory_space<vmem>>, %arg11: memref<2x256xf32, #tpu.memory_space<vmem>>) attributes {dimension_semantics = [#tpu.dimension_semantics<arbitrary>], iteration_bounds = array<i64: 100>, scalar_prefetch = 0 : i64, scratch_operands = 1 : i64, tpu.core_type = #tpu.core_type<tc>, window_params = [{transform_indices = @transform_0, window_bounds = array<i64: 6400, 128>}, {pipeline_mode = #tpu.pipeline_mode<synchronous>, transform_indices = @transform_1, window_bounds = array<i64: 1, 128>}, {pipeline_mode = #tpu.pipeline_mode<synchronous>, transform_indices = @transform_2, window_bounds = array<i64: 128, 128>}, {pipeline_mode = #tpu.pipeline_mode<synchronous>, transform_indices = @transform_3, window_bounds = array<i64: 1, 256>}, {pipeline_mode = #tpu.pipeline_mode<synchronous>, transform_indices = @transform_4, window_bounds = array<i64: 1, 256>}, {pipeline_mode = #tpu.pipeline_mode<synchronous>, transform_indices = @transform_5, window_bounds = array<i64: 128, 256>}, {pipeline_mode = #tpu.pipeline_mode<synchronous>, transform_indices = @transform_6, window_bounds = array<i64: 256, 128>}, {transform_indices = @transform_7, window_bounds = array<i64: 6400, 128>}, {pipeline_mode = #tpu.pipeline_mode<synchronous>, transform_indices = @transform_8, window_bounds = array<i64: 1, 128>}, {pipeline_mode = #tpu.pipeline_mode<synchronous>, transform_indices = @transform_9, window_bounds = array<i64: 1, 128>}]} {
    %get3A = arith.constant 0 : index
    %get3A_0 = arith.constant 0 : index
    %get3A_1 = vector.load %arg6[%get3A, %get3A_0] : memref<128x256xf32, #tpu.memory_space<vmem>>, vector<128x256xf32>
    %eq3A = arith.constant 0 : i32
    %eq3A_2 = arith.cmpi eq, %arg0, %eq3A : i32
    %convert_element_type3A = arith.extui %eq3A_2 : i1 to i32
    %cond3A = arith.constant 0 : i32
    %cond3A_3 = arith.cmpi ne, %convert_element_type3A, %cond3A : i32
    scf.if %cond3A_3 {
      %get3A_45 = arith.constant 0 : index
      %get3A_46 = arith.constant 0 : index
      %get3A_47 = vector.load %arg2[%get3A_45, %get3A_46] : memref<1x128xf32, #tpu.memory_space<vmem>>, vector<1x128xf32>
      %dot_general3A_48 = arith.constant dense<0.000000e+00> : vector<1x256xf32>
      %dot_general3A_49 = tpu.matmul %get3A_47, %get3A_1, %dot_general3A_48 {dimension_numbers = #tpu.dot_dimension_numbers<[1], [0], [0], [1], [0, 0, 1, 1], [], []>, transpose_lhs_hint = false} : vector<1x128xf32>, vector<128x256xf32>, vector<1x256xf32> -> vector<1x256xf32>
      %mul3A_50 = arith.constant 1.562500e-06 : f32
      %mul3A_51 = vector.broadcast %mul3A_50 : f32 to vector<1x256xf32>
      %mul3A_52 = arith.mulf %dot_general3A_49, %mul3A_51 : vector<1x256xf32>
      %get3A_53 = arith.constant 0 : index
      %get3A_54 = arith.constant 0 : index
      %get3A_55 = vector.load %arg3[%get3A_53, %get3A_54] : memref<128x128xf32, #tpu.memory_space<vmem>>, vector<128x128xf32>
      %dot_general3A_56 = arith.constant dense<0.000000e+00> : vector<128x256xf32>
      %dot_general3A_57 = tpu.matmul %get3A_55, %get3A_1, %dot_general3A_56 {dimension_numbers = #tpu.dot_dimension_numbers<[1], [0], [0], [1], [0, 0, 1, 1], [], []>, transpose_lhs_hint = false} : vector<128x128xf32>, vector<128x256xf32>, vector<128x256xf32> -> vector<128x256xf32>
      %mul3A_58 = arith.mulf %get3A_1, %dot_general3A_57 : vector<128x256xf32>
      %reduce_sum3A_59 = arith.constant dense<0.000000e+00> : vector<256xf32>
      %reduce_sum3A_60 = vector.multi_reduction <add>, %mul3A_58, %reduce_sum3A_59 [0] : vector<128x256xf32> to vector<256xf32>
      %broadcast_in_dim3A_61 = vector.shape_cast %reduce_sum3A_60 : vector<256xf32> to vector<1x256xf32>
      %mul3A_62 = arith.constant 1.562500e-06 : f32
      %mul3A_63 = vector.broadcast %mul3A_62 : f32 to vector<1x256xf32>
      %mul3A_64 = arith.mulf %broadcast_in_dim3A_61, %mul3A_63 : vector<1x256xf32>
      %mul3A_65 = arith.mulf %mul3A_52, %mul3A_52 : vector<1x256xf32>
      %sub3A = arith.subf %mul3A_64, %mul3A_65 : vector<1x256xf32>
      %get3A_66 = arith.constant 0 : index
      %get3A_67 = arith.constant 0 : index
      %get3A_68 = vector.load %arg4[%get3A_66, %get3A_67] : memref<1x256xf32, #tpu.memory_space<vmem>>, vector<1x256xf32>
      %add3A_69 = arith.constant 9.99999974E-6 : f32
      %add3A_70 = vector.broadcast %add3A_69 : f32 to vector<1x256xf32>
      %add3A_71 = arith.addf %sub3A, %add3A_70 : vector<1x256xf32>
      %rsqrt3A = math.rsqrt %add3A_71 : vector<1x256xf32>
      %mul3A_72 = arith.mulf %get3A_68, %rsqrt3A : vector<1x256xf32>
      %swap3A_73 = arith.constant 0 : index
      %swap3A_74 = arith.constant 0 : index
      %swap3A_75 = vector.load %arg11[%swap3A_73, %swap3A_74] : memref<2x256xf32, #tpu.memory_space<vmem>>, vector<1x256xf32>
      tpu.vector_store %arg11[%swap3A_73, %swap3A_74], %mul3A_72 {strides = array<i32>} : memref<2x256xf32, #tpu.memory_space<vmem>>, vector<1x256xf32>,
      %get3A_76 = arith.constant 0 : index
      %get3A_77 = arith.constant 0 : index
      %get3A_78 = vector.load %arg5[%get3A_76, %get3A_77] : memref<1x256xf32, #tpu.memory_space<vmem>>, vector<1x256xf32>
      %mul3A_79 = arith.mulf %mul3A_52, %mul3A_72 : vector<1x256xf32>
      %sub3A_80 = arith.subf %get3A_78, %mul3A_79 : vector<1x256xf32>
      %swap3A_81 = arith.constant 1 : index
      %swap3A_82 = arith.constant 0 : index
      %swap3A_83 = vector.load %arg11[%swap3A_81, %swap3A_82] : memref<2x256xf32, #tpu.memory_space<vmem>>, vector<1x256xf32>
      tpu.vector_store %arg11[%swap3A_81, %swap3A_82], %sub3A_80 {strides = array<i32>} : memref<2x256xf32, #tpu.memory_space<vmem>>, vector<1x256xf32>,
      %broadcast_in_dim3A_84 = arith.constant 0.000000e+00 : f32
      %broadcast_in_dim3A_85 = vector.broadcast %broadcast_in_dim3A_84 : f32 to vector<1x128xf32>
      %swap3A_86 = arith.constant 0 : index
      %swap3A_87 = arith.constant 0 : index
      %swap3A_88 = vector.load %arg9[%swap3A_86, %swap3A_87] : memref<1x128xf32, #tpu.memory_space<vmem>>, vector<1x128xf32>
      tpu.vector_store %arg9[%swap3A_86, %swap3A_87], %broadcast_in_dim3A_85 {strides = array<i32>} : memref<1x128xf32, #tpu.memory_space<vmem>>, vector<1x128xf32>,
      %broadcast_in_dim3A_89 = arith.constant 0.000000e+00 : f32
      %broadcast_in_dim3A_90 = vector.broadcast %broadcast_in_dim3A_89 : f32 to vector<1x128xf32>
      %swap3A_91 = arith.constant 0 : index
      %swap3A_92 = arith.constant 0 : index
      %swap3A_93 = vector.load %arg10[%swap3A_91, %swap3A_92] : memref<1x128xf32, #tpu.memory_space<vmem>>, vector<1x128xf32>
      tpu.vector_store %arg10[%swap3A_91, %swap3A_92], %broadcast_in_dim3A_90 {strides = array<i32>} : memref<1x128xf32, #tpu.memory_space<vmem>>, vector<1x128xf32>,
    } else {
    }
    %get3A_4 = arith.constant 0 : index
    %get3A_5 = arith.constant 0 : index
    %get3A_6 = vector.load %arg1[%get3A_4, %get3A_5] : memref<6400x128xbf16, #tpu.memory_space<vmem>>, vector<6400x128xbf16>
    %dot_general3A = arith.constant dense<0.000000e+00> : vector<6400x256xf32>
    %dot_general3A_7 = tpu.matmul %get3A_6, %get3A_1, %dot_general3A {dimension_numbers = #tpu.dot_dimension_numbers<[1], [0], [0], [1], [0, 0, 1, 1], [], []>, transpose_lhs_hint = false} : vector<6400x128xbf16>, vector<128x256xf32>, vector<6400x256xf32> -> vector<6400x256xf32>
    %get3A_8 = arith.constant 0 : index
    %get3A_9 = arith.constant 0 : index
    %get3A_10 = vector.load %arg11[%get3A_8, %get3A_9] : memref<2x256xf32, #tpu.memory_space<vmem>>, vector<1x256xf32>
    %mul3A = vector.broadcast %get3A_10 : vector<1x256xf32> to vector<6400x256xf32>
    %mul3A_11 = arith.mulf %dot_general3A_7, %mul3A : vector<6400x256xf32>
    %get3A_12 = arith.constant 1 : index
    %get3A_13 = arith.constant 0 : index
    %get3A_14 = vector.load %arg11[%get3A_12, %get3A_13] : memref<2x256xf32, #tpu.memory_space<vmem>>, vector<1x256xf32>
    %add3A = vector.broadcast %get3A_14 : vector<1x256xf32> to vector<6400x256xf32>
    %add3A_15 = arith.addf %mul3A_11, %add3A : vector<6400x256xf32>
    %max3A = arith.constant 0.000000e+00 : f32
    %max3A_16 = vector.broadcast %max3A : f32 to vector<6400x256xf32>
    %max3A_17 = arith.maximumf %add3A_15, %max3A_16 : vector<6400x256xf32>
    %get3A_18 = arith.constant 0 : index
    %get3A_19 = arith.constant 0 : index
    %get3A_20 = vector.load %arg7[%get3A_18, %get3A_19] : memref<256x128xf32, #tpu.memory_space<vmem>>, vector<256x128xf32>
    %dot_general3A_21 = arith.constant dense<0.000000e+00> : vector<6400x128xf32>
    %dot_general3A_22 = tpu.matmul %max3A_17, %get3A_20, %dot_general3A_21 {dimension_numbers = #tpu.dot_dimension_numbers<[1], [0], [0], [1], [0, 0, 1, 1], [], []>, transpose_lhs_hint = false} : vector<6400x256xf32>, vector<256x128xf32>, vector<6400x128xf32> -> vector<6400x128xf32>
    %convert_element_type3A_23 = arith.truncf %dot_general3A_22 : vector<6400x128xf32> to vector<6400x128xbf16>
    %swap3A = arith.constant 0 : index
    %swap3A_24 = arith.constant 0 : index
    %swap3A_25 = vector.load %arg8[%swap3A, %swap3A_24] : memref<6400x128xbf16, #tpu.memory_space<vmem>>, vector<6400x128xbf16>
    tpu.vector_store %arg8[%swap3A, %swap3A_24], %convert_element_type3A_23 {strides = array<i32>} : memref<6400x128xbf16, #tpu.memory_space<vmem>>, vector<6400x128xbf16>,
    %get3A_26 = arith.constant 0 : index
    %get3A_27 = arith.constant 0 : index
    %get3A_28 = vector.load %arg9[%get3A_26, %get3A_27] : memref<1x128xf32, #tpu.memory_space<vmem>>, vector<1x128xf32>
    %reduce_sum3A = arith.constant dense<0.000000e+00> : vector<128xf32>
    %reduce_sum3A_29 = vector.multi_reduction <add>, %dot_general3A_22, %reduce_sum3A [0] : vector<6400x128xf32> to vector<128xf32>
    %broadcast_in_dim3A = vector.shape_cast %reduce_sum3A_29 : vector<128xf32> to vector<1x128xf32>
    %add3A_30 = arith.addf %get3A_28, %broadcast_in_dim3A : vector<1x128xf32>
    %swap3A_31 = arith.constant 0 : index
    %swap3A_32 = arith.constant 0 : index
    %swap3A_33 = vector.load %arg9[%swap3A_31, %swap3A_32] : memref<1x128xf32, #tpu.memory_space<vmem>>, vector<1x128xf32>
    tpu.vector_store %arg9[%swap3A_31, %swap3A_32], %add3A_30 {strides = array<i32>} : memref<1x128xf32, #tpu.memory_space<vmem>>, vector<1x128xf32>,
    %get3A_34 = arith.constant 0 : index
    %get3A_35 = arith.constant 0 : index
    %get3A_36 = vector.load %arg10[%get3A_34, %get3A_35] : memref<1x128xf32, #tpu.memory_space<vmem>>, vector<1x128xf32>
    %mul3A_37 = arith.mulf %dot_general3A_22, %dot_general3A_22 : vector<6400x128xf32>
    %reduce_sum3A_38 = arith.constant dense<0.000000e+00> : vector<128xf32>
    %reduce_sum3A_39 = vector.multi_reduction <add>, %mul3A_37, %reduce_sum3A_38 [0] : vector<6400x128xf32> to vector<128xf32>
    %broadcast_in_dim3A_40 = vector.shape_cast %reduce_sum3A_39 : vector<128xf32> to vector<1x128xf32>
    %add3A_41 = arith.addf %get3A_36, %broadcast_in_dim3A_40 : vector<1x128xf32>
    %swap3A_42 = arith.constant 0 : index
    %swap3A_43 = arith.constant 0 : index
    %swap3A_44 = vector.load %arg10[%swap3A_42, %swap3A_43] : memref<1x128xf32, #tpu.memory_space<vmem>>, vector<1x128xf32>
    tpu.vector_store %arg10[%swap3A_42, %swap3A_43], %add3A_41 {strides = array<i32>} : memref<1x128xf32, #tpu.memory_space<vmem>>, vector<1x128xf32>,
    return
  }
  func.func @transform_0(%arg0: i32) -> (i32, i32) {
    %c0_i32 = arith.constant 0 : i32
    %c0_i32_0 = arith.constant 0 : i32
    return %arg0, %c0_i32 : i32, i32
  }
  func.func @transform_1(%arg0: i32) -> (i32, i32) {
    %c0_i32 = arith.constant 0 : i32
    %c0_i32_0 = arith.constant 0 : i32
    %c0_i32_1 = arith.constant 0 : i32
    return %c0_i32, %c0_i32_0 : i32, i32
  }
  func.func @transform_2(%arg0: i32) -> (i32, i32) {
    %c0_i32 = arith.constant 0 : i32
    %c0_i32_0 = arith.constant 0 : i32
    %c0_i32_1 = arith.constant 0 : i32
    return %c0_i32, %c0_i32_0 : i32, i32
  }
  func.func @transform_3(%arg0: i32) -> (i32, i32) {
    %c0_i32 = arith.constant 0 : i32
    %c0_i32_0 = arith.constant 0 : i32
    %c0_i32_1 = arith.constant 0 : i32
    return %c0_i32, %c0_i32_0 : i32, i32
  }
  func.func @transform_4(%arg0: i32) -> (i32, i32) {
    %c0_i32 = arith.constant 0 : i32
    %c0_i32_0 = arith.constant 0 : i32
    %c0_i32_1 = arith.constant 0 : i32
    return %c0_i32, %c0_i32_0 : i32, i32
  }
  func.func @transform_5(%arg0: i32) -> (i32, i32) {
    %c0_i32 = arith.constant 0 : i32
    %c0_i32_0 = arith.constant 0 : i32
    %c0_i32_1 = arith.constant 0 : i32
    return %c0_i32, %c0_i32_0 : i32, i32
  }
  func.func @transform_6(%arg0: i32) -> (i32, i32) {
    %c0_i32 = arith.constant 0 : i32
    %c0_i32_0 = arith.constant 0 : i32
    %c0_i32_1 = arith.constant 0 : i32
    return %c0_i32, %c0_i32_0 : i32, i32
  }
  func.func @transform_7(%arg0: i32) -> (i32, i32) {
    %c0_i32 = arith.constant 0 : i32
    %c0_i32_0 = arith.constant 0 : i32
    return %arg0, %c0_i32 : i32, i32
  }
  func.func @transform_8(%arg0: i32) -> (i32, i32) {
    %c0_i32 = arith.constant 0 : i32
    %c0_i32_0 = arith.constant 0 : i32
    %c0_i32_1 = arith.constant 0 : i32
    return %c0_i32, %c0_i32_0 : i32, i32
  }
  func.func @transform_9(%arg0: i32) -> (i32, i32) {
    %c0_i32 = arith.constant 0 : i32
    %c0_i32_0 = arith.constant 0 : i32
    %c0_i32_1 = arith.constant 0 : i32
    return %c0_i32, %c0_i32_0 : i32, i32
  }
}

module attributes {stable_mosaic.version = 14 : i64} {
  func.func @_p4_body(%arg0: i32, %arg1: memref<6400x128xbf16, #tpu.memory_space<vmem>>, %arg2: memref<1x128xf32, #tpu.memory_space<vmem>>, %arg3: memref<1x128xf32, #tpu.memory_space<vmem>>, %arg4: memref<1x128xf32, #tpu.memory_space<vmem>>, %arg5: memref<1x128xf32, #tpu.memory_space<vmem>>, %arg6: memref<6400x128xf32, #tpu.memory_space<vmem>>, %arg7: memref<2x128xf32, #tpu.memory_space<vmem>>) attributes {dimension_semantics = [#tpu.dimension_semantics<arbitrary>], iteration_bounds = array<i64: 100>, scalar_prefetch = 0 : i64, scratch_operands = 1 : i64, tpu.core_type = #tpu.core_type<tc>, window_params = [{transform_indices = @transform_0, window_bounds = array<i64: 6400, 128>}, {pipeline_mode = #tpu.pipeline_mode<synchronous>, transform_indices = @transform_1, window_bounds = array<i64: 1, 128>}, {pipeline_mode = #tpu.pipeline_mode<synchronous>, transform_indices = @transform_2, window_bounds = array<i64: 1, 128>}, {pipeline_mode = #tpu.pipeline_mode<synchronous>, transform_indices = @transform_3, window_bounds = array<i64: 1, 128>}, {pipeline_mode = #tpu.pipeline_mode<synchronous>, transform_indices = @transform_4, window_bounds = array<i64: 1, 128>}, {transform_indices = @transform_5, window_bounds = array<i64: 6400, 128>}]} {
    %eq3A = arith.constant 0 : i32
    %eq3A_0 = arith.cmpi eq, %arg0, %eq3A : i32
    %convert_element_type3A = arith.extui %eq3A_0 : i1 to i32
    %cond3A = arith.constant 0 : i32
    %cond3A_1 = arith.cmpi ne, %convert_element_type3A, %cond3A : i32
    scf.if %cond3A_1 {
      %get3A_17 = arith.constant 0 : index
      %get3A_18 = arith.constant 0 : index
      %get3A_19 = vector.load %arg2[%get3A_17, %get3A_18] : memref<1x128xf32, #tpu.memory_space<vmem>>, vector<1x128xf32>
      %mul3A_20 = arith.constant 1.562500e-06 : f32
      %mul3A_21 = vector.broadcast %mul3A_20 : f32 to vector<1x128xf32>
      %mul3A_22 = arith.mulf %get3A_19, %mul3A_21 : vector<1x128xf32>
      %get3A_23 = arith.constant 0 : index
      %get3A_24 = arith.constant 0 : index
      %get3A_25 = vector.load %arg3[%get3A_23, %get3A_24] : memref<1x128xf32, #tpu.memory_space<vmem>>, vector<1x128xf32>
      %mul3A_26 = arith.constant 1.562500e-06 : f32
      %mul3A_27 = vector.broadcast %mul3A_26 : f32 to vector<1x128xf32>
      %mul3A_28 = arith.mulf %get3A_25, %mul3A_27 : vector<1x128xf32>
      %mul3A_29 = arith.mulf %mul3A_22, %mul3A_22 : vector<1x128xf32>
      %sub3A = arith.subf %mul3A_28, %mul3A_29 : vector<1x128xf32>
      %get3A_30 = arith.constant 0 : index
      %get3A_31 = arith.constant 0 : index
      %get3A_32 = vector.load %arg4[%get3A_30, %get3A_31] : memref<1x128xf32, #tpu.memory_space<vmem>>, vector<1x128xf32>
      %add3A_33 = arith.constant 9.99999974E-6 : f32
      %add3A_34 = vector.broadcast %add3A_33 : f32 to vector<1x128xf32>
      %add3A_35 = arith.addf %sub3A, %add3A_34 : vector<1x128xf32>
      %rsqrt3A = math.rsqrt %add3A_35 : vector<1x128xf32>
      %mul3A_36 = arith.mulf %get3A_32, %rsqrt3A : vector<1x128xf32>
      %swap3A_37 = arith.constant 0 : index
      %swap3A_38 = arith.constant 0 : index
      %swap3A_39 = vector.load %arg7[%swap3A_37, %swap3A_38] : memref<2x128xf32, #tpu.memory_space<vmem>>, vector<1x128xf32>
      tpu.vector_store %arg7[%swap3A_37, %swap3A_38], %mul3A_36 {strides = array<i32>} : memref<2x128xf32, #tpu.memory_space<vmem>>, vector<1x128xf32>,
      %get3A_40 = arith.constant 0 : index
      %get3A_41 = arith.constant 0 : index
      %get3A_42 = vector.load %arg5[%get3A_40, %get3A_41] : memref<1x128xf32, #tpu.memory_space<vmem>>, vector<1x128xf32>
      %mul3A_43 = arith.mulf %mul3A_22, %mul3A_36 : vector<1x128xf32>
      %sub3A_44 = arith.subf %get3A_42, %mul3A_43 : vector<1x128xf32>
      %swap3A_45 = arith.constant 1 : index
      %swap3A_46 = arith.constant 0 : index
      %swap3A_47 = vector.load %arg7[%swap3A_45, %swap3A_46] : memref<2x128xf32, #tpu.memory_space<vmem>>, vector<1x128xf32>
      tpu.vector_store %arg7[%swap3A_45, %swap3A_46], %sub3A_44 {strides = array<i32>} : memref<2x128xf32, #tpu.memory_space<vmem>>, vector<1x128xf32>,
    } else {
    }
    %get3A = arith.constant 0 : index
    %get3A_2 = arith.constant 0 : index
    %get3A_3 = vector.load %arg1[%get3A, %get3A_2] : memref<6400x128xbf16, #tpu.memory_space<vmem>>, vector<6400x128xbf16>
    %convert_element_type3A_4 = arith.extf %get3A_3 : vector<6400x128xbf16> to vector<6400x128xf32>
    %get3A_5 = arith.constant 0 : index
    %get3A_6 = arith.constant 0 : index
    %get3A_7 = vector.load %arg7[%get3A_5, %get3A_6] : memref<2x128xf32, #tpu.memory_space<vmem>>, vector<1x128xf32>
    %mul3A = vector.broadcast %get3A_7 : vector<1x128xf32> to vector<6400x128xf32>
    %mul3A_8 = arith.mulf %convert_element_type3A_4, %mul3A : vector<6400x128xf32>
    %get3A_9 = arith.constant 1 : index
    %get3A_10 = arith.constant 0 : index
    %get3A_11 = vector.load %arg7[%get3A_9, %get3A_10] : memref<2x128xf32, #tpu.memory_space<vmem>>, vector<1x128xf32>
    %add3A = vector.broadcast %get3A_11 : vector<1x128xf32> to vector<6400x128xf32>
    %add3A_12 = arith.addf %mul3A_8, %add3A : vector<6400x128xf32>
    %max3A = arith.constant 0.000000e+00 : f32
    %max3A_13 = vector.broadcast %max3A : f32 to vector<6400x128xf32>
    %max3A_14 = arith.maximumf %add3A_12, %max3A_13 : vector<6400x128xf32>
    %swap3A = arith.constant 0 : index
    %swap3A_15 = arith.constant 0 : index
    %swap3A_16 = vector.load %arg6[%swap3A, %swap3A_15] : memref<6400x128xf32, #tpu.memory_space<vmem>>, vector<6400x128xf32>
    tpu.vector_store %arg6[%swap3A, %swap3A_15], %max3A_14 {strides = array<i32>} : memref<6400x128xf32, #tpu.memory_space<vmem>>, vector<6400x128xf32>,
    return
  }
  func.func @transform_0(%arg0: i32) -> (i32, i32) {
    %c0_i32 = arith.constant 0 : i32
    %c0_i32_0 = arith.constant 0 : i32
    return %arg0, %c0_i32 : i32, i32
  }
  func.func @transform_1(%arg0: i32) -> (i32, i32) {
    %c0_i32 = arith.constant 0 : i32
    %c0_i32_0 = arith.constant 0 : i32
    %c0_i32_1 = arith.constant 0 : i32
    return %c0_i32, %c0_i32_0 : i32, i32
  }
  func.func @transform_2(%arg0: i32) -> (i32, i32) {
    %c0_i32 = arith.constant 0 : i32
    %c0_i32_0 = arith.constant 0 : i32
    %c0_i32_1 = arith.constant 0 : i32
    return %c0_i32, %c0_i32_0 : i32, i32
  }
  func.func @transform_3(%arg0: i32) -> (i32, i32) {
    %c0_i32 = arith.constant 0 : i32
    %c0_i32_0 = arith.constant 0 : i32
    %c0_i32_1 = arith.constant 0 : i32
    return %c0_i32, %c0_i32_0 : i32, i32
  }
  func.func @transform_4(%arg0: i32) -> (i32, i32) {
    %c0_i32 = arith.constant 0 : i32
    %c0_i32_0 = arith.constant 0 : i32
    %c0_i32_1 = arith.constant 0 : i32
    return %c0_i32, %c0_i32_0 : i32, i32
  }
  func.func @transform_5(%arg0: i32) -> (i32, i32) {
    %c0_i32 = arith.constant 0 : i32
    %c0_i32_0 = arith.constant 0 : i32
    return %arg0, %c0_i32 : i32, i32
  }
}

</mosaic_0001>

<sc_bundles>
// kernel: kernel.11.cloned.1.call-start
scs
__scs_entry_jumppad:
0x0: {  	(pc) =	sbr.rel $0x88, $3  }
0x1: {  	(tag) =	ssettag $0x0;
	lr =	simm.s32 $0x1  }
0x2: {  	[smem:$0x3F96] =	sst lr;
	_ =	strace $0xD0000000  }
0x3: {  	_ = 	snop  }
0x4: {  	_ = 	snop  }
0x5: {  	_ = 	snop  }
0x6: {  	_ = 	snop  }
0x7: {  	_ = 	snop  }
__scs_overlays_trampoline_lowered:
0x8: {  	[smem:$0x3FA5] =	sst s0  }
0x9: {  	[smem:$0x3FA6] =	sst s1  }
0xa: {  	[smem:$0x3FA7] =	sst s2  }
0xb: {  	[smem:$0x3FA8] =	sst s3  }
0xc: {  	[smem:$0x3FA9] =	sst s4  }
0xd: {  	[smem:$0x3FAA] =	sst s5  }
0xe: {  	[smem:$0x3FAB] =	sst s6  }
0xf: {  	[smem:$0x3FAC] =	sst s7  }
0x10: {  	[smem:$0x3FAD] =	sst s8  }
0x11: {  	[smem:$0x3FAE] =	sst s9;
	s0 =	simm.s32 @!p0 $0x0  }
0x12: {  	s1 =	sld [smem:$0x3F94];
	s0 =	simm.s32 @p0 $0x1  }
0x13: {  	[smem:$0x3FAF] =	sst s0;
	s0 =	simm.s32 @!p1 $0x0  }
0x14: {  	s2 =	sld [smem:$0x3F93];
	s0 =	simm.s32 @p1 $0x1  }
0x15: {  	[smem:$0x3FB0] =	sst s0;
	s0 =	simm.s32 @!p2 $0x0  }
0x16: {  	s3 =	sld [smem:$0x3FDB];
	s0 =	simm.s32 @p2 $0x1  }
0x17: {  	s4 =	simm.s32 $0x1BF5;
	[smem:$0x3FB2] =	sst s0  }
0x18: {  	s0 =	sld [smem:$0x3F95];
	_ =	swait.ge [sflag:s4], $0x0  }
0x19: {  	s7 =	sld [smem:$0x3F96]  }
0x1a: {  	s8 =	sadd.s32 $0xFFFFE003, lr  }
0x1b: {  	s9 =	sadd.s32 $0xFFFFFEF7, lr;
	s5 =	simm.s32 $0xFFFFFFFF;
	p2 =	slt.u32 s8, $0xFFFFF086  }
0x1c: {  	p1 =	slt.u32 s9, $0xF7A;
	s5 =	simm.s32 @!p2 $0x0  }
0x1d: {  	s5 =	simm.s32 @p1 $0x1;
	p0 =	seq.s32 s7, s2  }
0x1e: {  	s7 =	smul.u32 @!p0 $0xF7A, s2;
	p2 =	seq.s32 @!p0 s5, $0x0  }
0x1f: {  	s9 =	smul.u32 $0xF7A, s1;
	s8 =	simm.s32 @!p0 $0x1BF5;
	p2 =	por !p2, p0  }
0x20: {  	[sflag:s8] =	ssyncset.s32 @!p0 $0xFFFFF086;
	s6 =	sadd.s32 @!p0 s3, s7;
	s7 =	simm.s32 @!p0 $0x108  }
0x21: {  	s3 =	sadd.s32 s3, s9;
	s6 =	sadd.s32 @!p0 $0x88, s6;
	s7 =	simm.s32 @p2 $0x1082  }
0x22: {  	[simem:s7], [sflag:s8] =	dma.local @!p0 [hbm:s6], $0xF7A  }
0x23: {  	s9 =	sor.u32 $0xD0000000, s2;
	s6 =	simm.s32 $0x108;
	_ =	swait.ge @!p0 [sflag:s8], $0x0  }
0x24: {  	s3 =	sadd.s32 $0x88, s3;
	s6 =	simm.s32 @!p1 $0x1082;
	[sflag:s4] =	ssyncset.s32 $0xFFFFF086  }
0x25: {  	[simem:s6], [sflag:s4] =	dma.local [hbm:s3], $0xF7A  }
0x26: {  	[smem:$0x3F96] =	sst s1;
	(tag) =	ssettag s2;
	_ =	strace s9  }
0x27: {  	s1 =	sld [smem:$0x3FA6]  }
0x28: {  	s2 =	sld [smem:$0x3FA7]  }
0x29: {  	s4 =	sld [smem:$0x3FA9]  }
0x2a: {  	p0 =	seq.s32 s5, $0x0;
	s5 =	sld [smem:$0x3FAA]  }
0x2b: {  	s6 =	sld [smem:$0x3FAB]  }
0x2c: {  	s7 =	sld [smem:$0x3FAC]  }
0x2d: {  	s3 =	simm.s32 $0x108;
	s8 =	sld [smem:$0x3FAD]  }
0x2e: {  	s3 =	simm.s32 @!p0 $0x1082;
	s9 =	sld [smem:$0x3FAE]  }
0x2f: {  	lr =	sadd.s32 s0, s3;
	s0 =	sld [smem:$0x3FA5]  }
0x30: {  	s3 =	sld [smem:$0x3FA8]  }
0x31: {  	[smem:$0x3FB1] =	sst s10  }
0x32: {  	s10 =	sld [smem:$0x3FAF];
	_ =	sdelay $0x3  }
0x33: {  	p0 =	seq.s32 s10, $0x1;
	s10 =	sld [smem:$0x3FB1];
	_ =	sdelay $0x3  }
0x34: {  	[smem:$0x3FB1] =	sst s10  }
0x35: {  	s10 =	sld [smem:$0x3FB0];
	_ =	sdelay $0x3  }
0x36: {  	p1 =	seq.s32 s10, $0x1;
	s10 =	sld [smem:$0x3FB1];
	_ =	sdelay $0x3  }
0x37: {  	[smem:$0x3FB1] =	sst s10  }
0x38: {  	s10 =	sld [smem:$0x3FB2]  }
0x39: {  	_ = 	snop;
	(pc) =	sbr.ind lr, $3  }
0x3a: {  	_ = 	snop  }
0x3b: {  	_ = 	snop  }
0x3c: {  	p2 =	seq.s32 s10, $0x1;
	s10 =	sld [smem:$0x3FB1]  }
0x3d: {  	_ =	shalt  }
0x3e: {  	_ =	shalt  }
0x3f: {  	_ =	shalt  }
0x40: {  	_ =	shalt  }
0x41: {  	_ =	shalt  }
0x42: {  	_ =	shalt  }
0x43: {  	_ =	shalt  }
0x44: {  	_ =	shalt  }
0x45: {  	_ =	shalt  }
0x46: {  	_ =	shalt  }
0x47: {  	_ =	shalt  }
0x48: {  	_ =	shalt  }
0x49: {  	_ =	shalt  }
0x4a: {  	_ =	shalt  }
0x4b: {  	_ =	shalt  }
0x4c: {  	_ =	shalt  }
0x4d: {  	_ =	shalt  }
0x4e: {  	_ =	shalt  }
0x4f: {  	_ =	shalt  }
0x50: {  	_ =	shalt  }
0x51: {  	_ =	shalt  }
0x52: {  	_ =	shalt  }
0x53: {  	_ =	shalt  }
0x54: {  	_ =	shalt  }
0x55: {  	_ =	shalt  }
0x56: {  	_ =	shalt  }
0x57: {  	_ =	shalt  }
0x58: {  	_ =	shalt  }
0x59: {  	_ =	shalt  }
0x5a: {  	_ =	shalt  }
0x5b: {  	_ =	shalt  }
0x5c: {  	_ =	shalt  }
0x5d: {  	_ =	shalt  }
0x5e: {  	_ =	shalt  }
0x5f: {  	_ =	shalt  }
0x60: {  	_ =	shalt  }
0x61: {  	_ =	shalt  }
0x62: {  	_ =	shalt  }
0x63: {  	_ =	shalt  }
0x64: {  	_ =	shalt  }
0x65: {  	_ =	shalt  }
0x66: {  	_ =	shalt  }
0x67: {  	_ =	shalt  }
0x68: {  	_ =	shalt  }
0x69: {  	_ =	shalt  }
0x6a: {  	_ =	shalt  }
0x6b: {  	_ =	shalt  }
0x6c: {  	_ =	shalt  }
0x6d: {  	_ =	shalt  }
0x6e: {  	_ =	shalt  }
0x6f: {  	_ =	shalt  }
0x70: {  	_ =	shalt  }
0x71: {  	_ =	shalt  }
0x72: {  	_ =	shalt  }
0x73: {  	_ =	shalt  }
0x74: {  	_ =	shalt  }
0x75: {  	_ =	shalt  }
0x76: {  	_ =	shalt  }
0x77: {  	_ =	shalt  }
0x78: {  	_ =	shalt  }
0x79: {  	_ =	shalt  }
0x7a: {  	_ =	shalt  }
0x7b: {  	_ =	shalt  }
0x7c: {  	_ =	shalt  }
0x7d: {  	_ =	shalt  }
0x7e: {  	_ =	shalt  }
0x7f: {  	_ =	shalt  }
0x80: {  	_ =	shalt  }
0x81: {  	_ =	shalt  }
0x82: {  	_ =	shalt  }
0x83: {  	_ =	shalt  }
0x84: {  	_ =	shalt  }
0x85: {  	_ =	shalt  }
0x86: {  	_ =	shalt  }
0x87: {  	_ =	shalt  }
.Lfunc_end0:
.L_simem_size_0:
called_computation.1_lowered:
.L_overlay_start_0:
0x88: {  	s2 =	sld [smem:$0x3FD9]  }
0x89: {  	s3 =	sld [smem:$0x3FFE];
	_ =	sdelay $0x1  }
0x8a: {  	s1 =	srdreg.scid  }
0x8b: {  	s0 =	sand.u32 $0x1, s1  }
0x8c: {  	s17 =	sshll.u32 s0, $0xA;
	s2 =	sadd.s32 s3, s2  }
0x8d: {  	s2 =	sadd.s32 s2, s17  }
0x8e: {  	[smem:$0x3FBD] =	sst s2  }
0x8f: {  	_ = 	snop  }
0x90: {  	s2 =	sld [smem:$0x3FD0];
	(tm) =	ssettm $0x1  }
0x91: {  	s18 =	sld [smem:$0x3FFB];
	_ =	sdelay $0x3  }
0x92: {  	_ =	strace s18  }
0x93: {  	s3 =	sld [smem:$0x3FFC];
	_ =	sdelay $0x3  }
0x94: {  	_ =	strace s3  }
0x95: {  	s3 =	sld [smem:$0x3FFD];
	_ =	sdelay $0x3  }
0x96: {  	_ =	strace s3  }
0x97: {  	_ =	strace $0x8FFFFFFF  }
0x98: {  	s19 =	sld [smem:$0x3FDB];
	_ =	sdelay $0x1  }
0x99: {  	s4 =	simm.s32 $_scs_section_size  }
0x9a: {  	s5 =	simm.s32 $_size__tile_overlayer_lowered;
	s6 =	simm.s32 $_tile_overlayer_lowered  }
0x9b: {  	s22 =	simm.s32 $0x1BFF;
	s21 =	sshll.u32 s6, $0x1;
	s3 =	sadd.s32 s4, s19  }
0x9c: {  	s7 =	simm.s32 $0x0;
	s20 =	sshll.u32 s5, $0x1;
	s5 =	sadd.s32 s21, s3  }
0x9d: {  	[timem:s7], [sflag:s22] =	dma.local [hbm:s5], s20  }
0x9e: {  	_ =	swait.ge [sflag:s22], s20  }
0x9f: {  	s4 =	ssub.s32 $0x0, s20;
	[sflag:s22] =	ssyncset.done $0x0  }
0xa0: {  	[sflag:s22] =	ssyncadd.s32 s4;
	_ =	sdelay $0x1  }
0xa1: {  	s23 =	simm.s32 $0x1B8B  }
0xa2: {  	_ =	swait.ge [sflag:s23], $0x1  }
0xa3: {  	[sflag:s23] =	ssyncset.done $0x0  }
0xa4: {  	s25 =	simm.s32 $0x1B8E;
	s24 =	sld [smem:$0x3FFE];
	[sflag:s23] =	ssyncadd.s32 $0xFFFFFFFF  }
0xa5: {  	s26 =	simm.s32 $execute0_lowered;
	[smem:$0x3FD2] =	sst s25  }
0xa6: {  	s5 =	sshll.u32 s26, $0x1;
	_ =	strace $0x80000049;
	[dreg:$0x1] =	wrdreg $0xFFFFFFFF  }
0xa7: {  	s28 =	simm.s32 $_size_execute0_lowered;
	s3 =	sadd.s32 s3, s5;
	[dreg:$0x0] =	wrdreg $0x0  }
0xa8: {  	s5 =	sshll.u32 s28, $0x1;
	[dreg:$0x2] =	wrdreg s3  }
0xa9: {  	[dreg:$0x3] =	wrdreg s5  }
0xaa: {  	[dreg:$0x4] =	wrdreg $0xC0  }
0xab: {  	_ =	task [dreg:s7], $0x5FFFF  }
0xac: {  	[dreg:$0x1] =	wrdreg $0xFFFFFFFF  }
0xad: {  	[dreg:$0x0] =	wrdreg $0x60  }
0xae: {  	[dreg:$0x2] =	wrdreg s24  }
0xaf: {  	[dreg:$0x3] =	wrdreg s2  }
0xb0: {  	[dreg:$0x4] =	wrdreg $0x9  }
0xb1: {  	_ =	task.clear_ibuf [dreg:s7], $0x5FFFF;
	_ =	strace $0x90000049  }
0xb2: {  	s29 =	simm.s32 $0x9;
	_ =	strace $0x8000004B  }
0xb3: {  	_ =	swait.ge [sflag:s29], $0x1  }
0xb4: {  	[sflag:s29] =	ssyncadd.s32 $0xFFFFFFFF  }
0xb5: {  	_ =	strace $0x9000004B  }
0xb6: {  	_ =	sfence  }
0xb7: {  	s30 =	sld [smem:$0x0];
	_ =	sdelay $0x2  }
0xb8: {  	s31 =	sshll.u32 s1, $0xD;
	s1 =	sshrl.u32 s1, $0x2  }
0xb9: {  	s3 =	sand.u32 $0x4000, s31;
	s1 =	sadd.s32 s1, s30  }
0xba: {  	s0 =	sor.u32 s3, s0;
	s1 =	sshll.u32 s1, $0x11  }
0xbb: {  	s0 =	sor.u32 s1, s0  }
0xbc: {  	s0 =	sadd.s32 $0x8F2B, s0  }
0xbd: {  	[sflag:s0] =	ssyncadd.remote.s32 $0x1  }
0xbe: {  	_ =	sfence.sel $0xFFFF  }
0xbf: {  	[dreg:$0x0] =	wrdreg $0xFFFFFFFF;
	(pc) =	sbr.abs _section_cstart, $3  }
0xc0: {  	[dreg:$0x1] =	wrdreg $0xFFFFFFFF  }
0xc1: {  	_ =	task.clear_ibuf [dreg:s7], $0x2FFFF;
	_ =	strace $0x9FFFFFFF  }
0xc2: {  	(tm) =	ssettm $0x7FFFFFFF  }
0xc3: {  	_ =	shalt  }
tec
execute0_lowered:
.L_overlay_start_1:
0x0: {  	(tag) =	ssettag $0x1  }
0x1: {  	s8 =	rddreg [dreg:$0x0]  }
0x2: {  	s1 =	rddreg [dreg:$0x1]  }
0x3: {  	s0 =	rddreg [dreg:$0x2];
	s2 =	simm.s32 $0x0  }
0x4: {  	s6 =	srdreg.scid;
	s3 =	stileid.u32;
	s13 =	simm.s32 $0x80  }
0x5: {  	s14 =	simm.s32 $0x200;
	s15 =	simm.s32 $0x4200;
	s16 =	simm.s32 $0x1  }
0x6: {  	s17 =	simm.s32 $0x2;
	s18 =	simm.s32 $0x6;
	s19 =	simm.s32 $0x3  }
0x7: {  	s20 =	simm.s32 $0x4;
	s21 =	simm.s32 $0x8200;
	s22 =	simm.s32 $0x0  }
0x8: {  	[smem:$0x7FF] =	sst s2;
	s4 =	sadd.s32 $0x2AC00, s8;
	s5 =	sadd.s32 $0x52C00, s8  }
.Ltmp0:
0x9: {  	s7 =	sand.u32 $0x1, s6;
	s9 =	sshll.u32 s3, $0x1;
	(pc) =	sbr.rel .LBB2_1-.Ltmp0, $4  }
0xa: {  	s6 =	sadd.s32 $0x3800, s8;
	s10 =	ssub.s32 $0x2, s7;
	s7 =	sor.u32 s7, s9  }
0xb: {  	s8 =	sadd.s32 $0x17200, s8;
	s31 =	sshrl.u32 s10, $0x1;
	s11 =	sshll.u32 s7, $0x4  }
0xc: {  	_ =	strace $0x8000004A;
	s12 =	ssub.s32 s10, s31;
	s9 =	sadd.s32 s6, s11  }
0xd: {  	s10 =	sadd.s32 s8, s11;
	s11 =	smax.u32 s12, $0x1;
	s12 =	simm.s32 $0x5  }
.LBB2_12:
0xe: {  	s22 =	sadd.s32 $0x1, s22  }
0xf: {  	p0 =	sne.s32 s22, s11  }
.Ltmp1:
0x10: {  	_ = 	snop;
	(pc) =	sbr.rel @!p0 .LBB2_13-.Ltmp1, $1  }
0x11: {  	_ =	sdelay $0x3  }
.LBB2_1:
0x12: {  	[tilespmem:s2], [sflag:$0x5] =	stream.linear.gather [hbm4b:s9+s2], $0x80, $0x38;
	[tilespmem:$0x10200] =	vst v63  }
0x13: {  	_ =	swait.ge [sflag:s12], $0x80  }
0x14: {  	[sflag:s12] =	ssyncset.done $0x0  }
0x15: {  	[sflag:s12] =	ssyncadd.s32 $0xFFFFFF80  }
0x16: {  	[tilespmem:s13], [sflag:$0x5] =	stream.linear.gather [hbm4b:s10+s2], $0x80, $0x38;
	[tilespmem:$0x10200] =	vst v63  }
0x17: {  	_ =	swait.ge [sflag:s12], $0x80  }
.Ltmp2:
0x18: {  	[sflag:s12] =	ssyncset.done $0x0;
	(pc) =	sbr.rel .LBB2_2-.Ltmp2, $4  }
0x19: {  	[sflag:s12] =	ssyncadd.s32 $0xFFFFFF80  }
0x1a: {  	[tilespmem:s14], [sflag:$0x1] =	stream.indirect.gather [hbm4b:s4+s13], $0x80, s2, s13, $0xb8;
	[tilespmem:$0x10200] =	vst v63  }
0x1b: {  	s23 =	simm.s32 $0x0  }
0x1c: {  	[tilespmem:s15], [sflag:$0x2] =	stream.indirect.gather [hbm4b:s5+s13], $0x80, s13, s13, $0xb8;
	[tilespmem:$0x10200] =	vst v63  }
.LBB2_11:
0x1d: {  	s23 =	sadd.s32 $0x1, s23  }
0x1e: {  	p0 =	sne.s32 s23, $0x4F  }
.Ltmp3:
0x1f: {  	_ = 	snop;
	(pc) =	sbr.rel @!p0 .LBB2_12-.Ltmp3, $1  }
0x20: {  	_ =	sdelay $0x3  }
.LBB2_2:
0x21: {  	s24 =	sshll.u32 s23, $0x6  }
0x22: {  	s25 =	sor.u32 s7, s24  }
0x23: {  	s24 =	sor.u32 $0x20, s25  }
0x24: {  	p0 =	sgt.u32 s24, $0x1387  }
0x25: {  	s26 =	sshll.u32 @!p0 s24, $0x4  }
0x26: {  	s29 =	simm.s32 @!p0 $0x0;
	s30 =	simm.s32 @!p0 $0x100;
	s28 =	sadd.s32 @!p0 s6, s26  }
0x27: {  	[tilespmem:s30], [sflag:$0x6] =	stream.linear.gather @!p0 [hbm4b:s28+s29], $0x80, $0x38;
	[tilespmem:$0x10200] =	vst v63  }
0x28: {  	s28 =	simm.s32 @!p0 $0x6  }
0x29: {  	_ =	swait.ge @!p0 [sflag:s28], $0x80  }
0x2a: {  	[sflag:s28] =	ssyncset.done @!p0 $0x0  }
0x2b: {  	s31 =	simm.s32 @!p0 $0x180;
	s26 =	sadd.s32 @!p0 s8, s26;
	[sflag:s28] =	ssyncadd.s32 @!p0 $0xFFFFFF80  }
0x2c: {  	[tilespmem:s31], [sflag:$0x6] =	stream.linear.gather @!p0 [hbm4b:s26+s29], $0x80, $0x38;
	[tilespmem:$0x10200] =	vst v63  }
0x2d: {  	p1 =	sgt.u32 s25, $0x1387;
	_ =	swait.ge @!p0 [sflag:s28], $0x80  }
.Ltmp4:
0x2e: {  	[sflag:s28] =	ssyncset.done @!p0 $0x0;
	(pc) =	sbr.rel @p1 .LBB2_11-.Ltmp4, $4  }
0x2f: {  	s26 =	simm.s32 @!p0 $0x80;
	[sflag:s28] =	ssyncadd.s32 @!p0 $0xFFFFFF80;
	s28 =	simm.s32 @!p0 $0x8200  }
0x30: {  	[tilespmem:s28], [sflag:$0x3] =	stream.indirect.gather @!p0 [hbm4b:s4+s26], $0x80, s30, s26, $0xb8;
	[tilespmem:$0x10200] =	vst v63  }
0x31: {  	s28 =	simm.s32 @!p0 $0xC200  }
0x32: {  	[tilespmem:s28], [sflag:$0x4] =	stream.indirect.gather @!p0 [hbm4b:s5+s26], $0x80, s31, s26, $0xb8;
	[tilespmem:$0x10200] =	vst v63  }
0x33: {  	_ =	swait.ge [sflag:s16], $0x4000  }
0x34: {  	[sflag:s16] =	ssyncset.done $0x0  }
0x35: {  	[sflag:s16] =	ssyncadd.s32 $0xFFFFC000  }
0x36: {  	_ =	swait.ge [sflag:s17], $0x4000  }
0x37: {  	[sflag:s17] =	ssyncset.done $0x0  }
0x38: {  	s26 =	simm.s32 $0x0;
	[sflag:s17] =	ssyncadd.s32 $0xFFFFC000  }
0x39: {  	v7 =	vld [tilespmem:s26+$0x4200]  }
0x3a: {  	v11 =	vld [tilespmem:s26+$0x4210]  }
0x3b: {  	v5 =	vld [tilespmem:s26+$0x4220]  }
0x3c: {  	v4 =	vld [tilespmem:s26+$0x4230]  }
0x3d: {  	v3 =	vld [tilespmem:s26+$0x4240]  }
0x3e: {  	v2 =	vld [tilespmem:s26+$0x4250]  }
0x3f: {  	v1 =	vld [tilespmem:s26+$0x4260]  }
0x40: {  	v0 =	vld [tilespmem:s26+$0x4270]  }
0x41: {  	v12 =	vld [tilespmem:s26+$0x200]  }
0x42: {  	v13 =	vld [tilespmem:s26+$0x210]  }
0x43: {  	v10 =	vld [tilespmem:s26+$0x220]  }
0x44: {  	v9 =	vld [tilespmem:s26+$0x230]  }
0x45: {  	v8 =	vld [tilespmem:s26+$0x240]  }
0x46: {  	v6 =	vld [tilespmem:s26+$0x250];
	v12 =	vadd.f32 v7, v12  }
0x47: {  	s28 =	simm.s32 $0x200;
	v11 =	vadd.f32 v11, v13;
	v7 =	vld [tilespmem:s26+$0x260]  }
.LBB2_4:
0x48: {  	s29 =	sshra.s32 s28, $0x2;
	p1 =	sne.s32 s28, $0xFE00;
	[tilespmem:s26+$0x200] =	vst v12;
	v5 =	vadd.f32 v5, v10;
	v10 =	vld [tilespmem:s26+$0x270]  }
0x49: {  	v12 =	vld [tilespmem:s29+$0x4200];
	[tilespmem:s26+$0x210] =	vst v11;
	v4 =	vadd.f32 v4, v9  }
0x4a: {  	v11 =	vld [tilespmem:s29+$0x4210];
	[tilespmem:s26+$0x220] =	vst v5;
	v3 =	vadd.f32 v3, v8  }
0x4b: {  	v5 =	vld [tilespmem:s29+$0x4220];
	[tilespmem:s26+$0x230] =	vst v4;
	v2 =	vadd.f32 v2, v6  }
0x4c: {  	v4 =	vld [tilespmem:s29+$0x4230];
	[tilespmem:s26+$0x240] =	vst v3;
	v1 =	vadd.f32 v1, v7  }
0x4d: {  	v3 =	vld [tilespmem:s29+$0x4240];
	[tilespmem:s26+$0x250] =	vst v2;
	v0 =	vadd.f32 v0, v10  }
0x4e: {  	v2 =	vld [tilespmem:s29+$0x4250];
	[tilespmem:s26+$0x260] =	vst v1  }
0x4f: {  	v1 =	vld [tilespmem:s29+$0x4260];
	[tilespmem:s26+$0x270] =	vst v0;
	s26 =	smov.u32 s29  }
0x50: {  	v0 =	vld [tilespmem:s26+$0x4270]  }
0x51: {  	v6 =	vld [tilespmem:s26+$0x200]  }
0x52: {  	v7 =	vld [tilespmem:s26+$0x210]  }
.Ltmp5:
0x53: {  	v10 =	vld [tilespmem:s26+$0x220];
	(pc) =	sbr.rel @p1 .LBB2_4-.Ltmp5, $4  }
0x54: {  	v9 =	vld [tilespmem:s26+$0x230]  }
0x55: {  	v8 =	vld [tilespmem:s26+$0x240]  }
0x56: {  	v12 =	vadd.f32 v12, v6;
	v6 =	vld [tilespmem:s26+$0x250]  }
0x57: {  	s28 =	sadd.s32 $0x200, s28;
	v11 =	vadd.f32 v11, v7;
	v7 =	vld [tilespmem:s26+$0x260]  }
0x58: {  	[tilespmem:s26+$0x200] =	vst v12;
	v5 =	vadd.f32 v5, v10;
	v63 =	vld [tilespmem:s26+$0x270]  }
0x59: {  	[tilespmem:s26+$0x210] =	vst v11;
	v4 =	vadd.f32 v4, v9  }
0x5a: {  	[tilespmem:s26+$0x220] =	vst v5;
	v3 =	vadd.f32 v3, v8  }
0x5b: {  	[tilespmem:s26+$0x230] =	vst v4;
	v2 =	vadd.f32 v2, v6  }
0x5c: {  	[tilespmem:s26+$0x240] =	vst v3;
	v1 =	vadd.f32 v1, v7  }
0x5d: {  	[tilespmem:s26+$0x250] =	vst v2;
	v0 =	vadd.f32 v0, v63  }
0x5e: {  	s28 =	sshll.u32 s25, $0xB;
	p1 =	sgt.u32 s25, $0x1347;
	[tilespmem:s26+$0x260] =	vst v1  }
.Ltmp6:
0x5f: {  	s31 =	sadd.s32 s1, s28;
	[tilespmem:s26+$0x270] =	vst v0;
	(pc) =	sbr.rel @p1 .LBB2_7-.Ltmp6, $4  }
0x60: {  	[hbm4b:s31+s2] =	stream.linear.scatter [tilespmem:s14], [sflag:$0x6], $0x4000, $0x38;
	[tilespmem:$0x10200] =	vst v63  }
0x61: {  	_ =	swait.ge [sflag:s18], $0x4000  }
0x62: {  	[sflag:s18] =	ssyncset.done $0x0  }
0x63: {  	[sflag:s18] =	ssyncadd.s32 $0xFFFFC000  }
0x64: {  	s25 =	sshll.u32 s25, $0x4  }
0x65: {  	s25 =	sadd.s32 $0x400, s25  }
0x66: {  	s26 =	sadd.s32 s6, s25  }
0x67: {  	[tilespmem:s2], [sflag:$0x6] =	stream.linear.gather [hbm4b:s26+s2], $0x80, $0x38;
	[tilespmem:$0x10200] =	vst v63  }
0x68: {  	_ =	swait.ge [sflag:s18], $0x80  }
0x69: {  	[sflag:s18] =	ssyncset.done $0x0  }
0x6a: {  	s25 =	sadd.s32 s8, s25;
	[sflag:s18] =	ssyncadd.s32 $0xFFFFFF80  }
0x6b: {  	[tilespmem:s13], [sflag:$0x6] =	stream.linear.gather [hbm4b:s25+s2], $0x80, $0x38;
	[tilespmem:$0x10200] =	vst v63  }
0x6c: {  	_ =	swait.ge [sflag:s18], $0x80  }
.Ltmp7:
0x6d: {  	[sflag:s18] =	ssyncset.done $0x0;
	(pc) =	sbr.rel .LBB2_8-.Ltmp7, $4  }
0x6e: {  	[sflag:s18] =	ssyncadd.s32 $0xFFFFFF80  }
0x6f: {  	[tilespmem:s14], [sflag:$0x1] =	stream.indirect.gather [hbm4b:s4+s13], $0x80, s2, s13, $0xb8;
	[tilespmem:$0x10200] =	vst v63  }
0x70: {  	_ = 	snop  }
0x71: {  	[tilespmem:s15], [sflag:$0x2] =	stream.indirect.gather [hbm4b:s5+s13], $0x80, s13, s13, $0xb8;
	[tilespmem:$0x10200] =	vst v63  }
.LBB2_7:
.Ltmp8:
0x72: {  	(pc) =	sbr.rel @p0 .LBB2_11-.Ltmp8, $1  }
0x73: {  	_ =	sdelay $0x3  }
.LBB2_8:
0x74: {  	_ =	swait.ge [sflag:s19], $0x4000  }
0x75: {  	[sflag:s19] =	ssyncset.done $0x0  }
0x76: {  	[sflag:s19] =	ssyncadd.s32 $0xFFFFC000  }
0x77: {  	_ =	swait.ge [sflag:s20], $0x4000  }
0x78: {  	[sflag:s20] =	ssyncset.done $0x0  }
0x79: {  	s25 =	simm.s32 $0x0;
	[sflag:s20] =	ssyncadd.s32 $0xFFFFC000  }
0x7a: {  	v7 =	vld [tilespmem:s25+$0xC200]  }
0x7b: {  	v11 =	vld [tilespmem:s25+$0xC210]  }
0x7c: {  	v5 =	vld [tilespmem:s25+$0xC220]  }
0x7d: {  	v4 =	vld [tilespmem:s25+$0xC230]  }
0x7e: {  	v3 =	vld [tilespmem:s25+$0xC240]  }
0x7f: {  	v2 =	vld [tilespmem:s25+$0xC250]  }
0x80: {  	v1 =	vld [tilespmem:s25+$0xC260]  }
0x81: {  	v0 =	vld [tilespmem:s25+$0xC270]  }
0x82: {  	v12 =	vld [tilespmem:s25+$0x8200]  }
0x83: {  	v13 =	vld [tilespmem:s25+$0x8210]  }
0x84: {  	v10 =	vld [tilespmem:s25+$0x8220]  }
0x85: {  	v9 =	vld [tilespmem:s25+$0x8230]  }
0x86: {  	v8 =	vld [tilespmem:s25+$0x8240]  }
0x87: {  	v6 =	vld [tilespmem:s25+$0x8250];
	v12 =	vadd.f32 v7, v12  }
0x88: {  	s26 =	simm.s32 $0x200;
	v11 =	vadd.f32 v11, v13;
	v7 =	vld [tilespmem:s25+$0x8260]  }
.LBB2_9:
0x89: {  	s28 =	sshra.s32 s26, $0x2;
	p0 =	sne.s32 s26, $0xFE00;
	[tilespmem:s25+$0x8200] =	vst v12;
	v5 =	vadd.f32 v5, v10;
	v10 =	vld [tilespmem:s25+$0x8270]  }
0x8a: {  	v12 =	vld [tilespmem:s28+$0xC200];
	[tilespmem:s25+$0x8210] =	vst v11;
	v4 =	vadd.f32 v4, v9  }
0x8b: {  	v11 =	vld [tilespmem:s28+$0xC210];
	[tilespmem:s25+$0x8220] =	vst v5;
	v3 =	vadd.f32 v3, v8  }
0x8c: {  	v5 =	vld [tilespmem:s28+$0xC220];
	[tilespmem:s25+$0x8230] =	vst v4;
	v2 =	vadd.f32 v2, v6  }
0x8d: {  	v4 =	vld [tilespmem:s28+$0xC230];
	[tilespmem:s25+$0x8240] =	vst v3;
	v1 =	vadd.f32 v1, v7  }
0x8e: {  	v3 =	vld [tilespmem:s28+$0xC240];
	[tilespmem:s25+$0x8250] =	vst v2;
	v0 =	vadd.f32 v0, v10  }
0x8f: {  	v2 =	vld [tilespmem:s28+$0xC250];
	[tilespmem:s25+$0x8260] =	vst v1  }
0x90: {  	v1 =	vld [tilespmem:s28+$0xC260];
	[tilespmem:s25+$0x8270] =	vst v0;
	s25 =	smov.u32 s28  }
0x91: {  	v0 =	vld [tilespmem:s25+$0xC270]  }
0x92: {  	v6 =	vld [tilespmem:s25+$0x8200]  }
0x93: {  	v7 =	vld [tilespmem:s25+$0x8210]  }
.Ltmp9:
0x94: {  	v10 =	vld [tilespmem:s25+$0x8220];
	(pc) =	sbr.rel @p0 .LBB2_9-.Ltmp9, $4  }
0x95: {  	v9 =	vld [tilespmem:s25+$0x8230]  }
0x96: {  	v8 =	vld [tilespmem:s25+$0x8240]  }
0x97: {  	v12 =	vadd.f32 v12, v6;
	v6 =	vld [tilespmem:s25+$0x8250]  }
0x98: {  	s26 =	sadd.s32 $0x200, s26;
	v11 =	vadd.f32 v11, v7;
	v7 =	vld [tilespmem:s25+$0x8260]  }
0x99: {  	[tilespmem:s25+$0x8200] =	vst v12;
	v5 =	vadd.f32 v5, v10;
	v63 =	vld [tilespmem:s25+$0x8270]  }
0x9a: {  	[tilespmem:s25+$0x8210] =	vst v11;
	v4 =	vadd.f32 v4, v9  }
0x9b: {  	[tilespmem:s25+$0x8220] =	vst v5;
	v3 =	vadd.f32 v3, v8  }
0x9c: {  	[tilespmem:s25+$0x8230] =	vst v4;
	v2 =	vadd.f32 v2, v6  }
0x9d: {  	[tilespmem:s25+$0x8240] =	vst v3;
	v1 =	vadd.f32 v1, v7  }
0x9e: {  	[tilespmem:s25+$0x8250] =	vst v2;
	v0 =	vadd.f32 v0, v63  }
0x9f: {  	s24 =	sshll.u32 s24, $0xB;
	[tilespmem:s25+$0x8260] =	vst v1  }
.Ltmp10:
0xa0: {  	s24 =	sadd.s32 s1, s24;
	[tilespmem:s25+$0x8270] =	vst v0;
	(pc) =	sbr.rel .LBB2_11-.Ltmp10, $4  }
0xa1: {  	[hbm4b:s24+s2] =	stream.linear.scatter [tilespmem:s21], [sflag:$0x5], $0x4000, $0x38;
	[tilespmem:$0x10200] =	vst v63  }
0xa2: {  	_ =	swait.ge [sflag:s12], $0x4000  }
0xa3: {  	[sflag:s12] =	ssyncset.done $0x0  }
0xa4: {  	[sflag:s12] =	ssyncadd.s32 $0xFFFFC000  }
.LBB2_13:
0xa5: {  	_ =	sfence.sel $0x180000  }
0xa6: {  	[bflag:$0x0] =	sbarrier.arrive $0xFFFF  }
0xa7: {  	p0 =	sne.s32 s3, $0x0;
	_ =	strace $0x9000004A  }
0xa8: {  	s0 =	sadd.s32 @!p0 $0x100000, s0;
	[bflag:$0x2] =	sbarrier.arrive $0xFFFF  }
0xa9: {  	[sflag:s0] =	ssyncadd.tile.s32 @!p0 $0x1;
	_ =	shalt  }
.Lfunc_end2:
_tile_overlayer_lowered:
.L_overlay_start_2:
0xaa: {  	(tag) =	ssettag $0x2  }
0xab: {  	s0 =	rddreg [dreg:$0x0];
	s2 =	stileid.u32  }
0xac: {  	s1 =	rddreg [dreg:$0x1];
	p0 =	sne.s32 s2, $0x0  }
0xad: {  	s3 =	rddreg [dreg:$0x2];
	[bflag:$0x3] =	sbarrier.arrive $0xFFFF;
	s2 =	simm.s32 @!p0 $0x1C05  }
0xae: {  	[timem:s3], [sflag:s2] =	dma.local @!p0 [hbm:s0], s1  }
0xaf: {  	s0 =	simm.s32 @!p0 $0x5  }
0xb0: {  	_ =	swait.ge @!p0 [sflag:s0], s1  }
0xb1: {  	s1 =	ssub.s32 @!p0 $0x0, s1;
	[sflag:s0] =	ssyncset.done @!p0 $0x0  }
0xb2: {  	[sflag:s0] =	ssyncadd.s32 @!p0 s1  }
0xb3: {  	[bflag:$0x3] =	sbarrier.arrive $0xFFFF  }
0xb4: {  	_ =	shalt  }

// kernel: kernel.8.cloned.1.call-start
scs
__scs_entry_jumppad:
0x0: {  	(pc) =	sbr.rel $0x88, $3  }
0x1: {  	(tag) =	ssettag $0x0;
	lr =	simm.s32 $0x1  }
0x2: {  	[smem:$0x3F96] =	sst lr;
	_ =	strace $0xD0000000  }
0x3: {  	_ = 	snop  }
0x4: {  	_ = 	snop  }
0x5: {  	_ = 	snop  }
0x6: {  	_ = 	snop  }
0x7: {  	_ = 	snop  }
__scs_overlays_trampoline_lowered:
0x8: {  	[smem:$0x3FA5] =	sst s0  }
0x9: {  	[smem:$0x3FA6] =	sst s1  }
0xa: {  	[smem:$0x3FA7] =	sst s2  }
0xb: {  	[smem:$0x3FA8] =	sst s3  }
0xc: {  	[smem:$0x3FA9] =	sst s4  }
0xd: {  	[smem:$0x3FAA] =	sst s5  }
0xe: {  	[smem:$0x3FAB] =	sst s6  }
0xf: {  	[smem:$0x3FAC] =	sst s7  }
0x10: {  	[smem:$0x3FAD] =	sst s8  }
0x11: {  	[smem:$0x3FAE] =	sst s9;
	s0 =	simm.s32 @!p0 $0x0  }
0x12: {  	s1 =	sld [smem:$0x3F94];
	s0 =	simm.s32 @p0 $0x1  }
0x13: {  	[smem:$0x3FAF] =	sst s0;
	s0 =	simm.s32 @!p1 $0x0  }
0x14: {  	s2 =	sld [smem:$0x3F93];
	s0 =	simm.s32 @p1 $0x1  }
0x15: {  	[smem:$0x3FB0] =	sst s0;
	s0 =	simm.s32 @!p2 $0x0  }
0x16: {  	s3 =	sld [smem:$0x3FDB];
	s0 =	simm.s32 @p2 $0x1  }
0x17: {  	s4 =	simm.s32 $0x1BF5;
	[smem:$0x3FB2] =	sst s0  }
0x18: {  	s0 =	sld [smem:$0x3F95];
	_ =	swait.ge [sflag:s4], $0x0  }
0x19: {  	s7 =	sld [smem:$0x3F96]  }
0x1a: {  	s8 =	sadd.s32 $0xFFFFE003, lr  }
0x1b: {  	s9 =	sadd.s32 $0xFFFFFEF7, lr;
	s5 =	simm.s32 $0xFFFFFFFF;
	p2 =	slt.u32 s8, $0xFFFFF086  }
0x1c: {  	p1 =	slt.u32 s9, $0xF7A;
	s5 =	simm.s32 @!p2 $0x0  }
0x1d: {  	s5 =	simm.s32 @p1 $0x1;
	p0 =	seq.s32 s7, s2  }
0x1e: {  	s7 =	smul.u32 @!p0 $0xF7A, s2;
	p2 =	seq.s32 @!p0 s5, $0x0  }
0x1f: {  	s9 =	smul.u32 $0xF7A, s1;
	s8 =	simm.s32 @!p0 $0x1BF5;
	p2 =	por !p2, p0  }
0x20: {  	[sflag:s8] =	ssyncset.s32 @!p0 $0xFFFFF086;
	s6 =	sadd.s32 @!p0 s3, s7;
	s7 =	simm.s32 @!p0 $0x108  }
0x21: {  	s3 =	sadd.s32 s3, s9;
	s6 =	sadd.s32 @!p0 $0x88, s6;
	s7 =	simm.s32 @p2 $0x1082  }
0x22: {  	[simem:s7], [sflag:s8] =	dma.local @!p0 [hbm:s6], $0xF7A  }
0x23: {  	s9 =	sor.u32 $0xD0000000, s2;
	s6 =	simm.s32 $0x108;
	_ =	swait.ge @!p0 [sflag:s8], $0x0  }
0x24: {  	s3 =	sadd.s32 $0x88, s3;
	s6 =	simm.s32 @!p1 $0x1082;
	[sflag:s4] =	ssyncset.s32 $0xFFFFF086  }
0x25: {  	[simem:s6], [sflag:s4] =	dma.local [hbm:s3], $0xF7A  }
0x26: {  	[smem:$0x3F96] =	sst s1;
	(tag) =	ssettag s2;
	_ =	strace s9  }
0x27: {  	s1 =	sld [smem:$0x3FA6]  }
0x28: {  	s2 =	sld [smem:$0x3FA7]  }
0x29: {  	s4 =	sld [smem:$0x3FA9]  }
0x2a: {  	p0 =	seq.s32 s5, $0x0;
	s5 =	sld [smem:$0x3FAA]  }
0x2b: {  	s6 =	sld [smem:$0x3FAB]  }
0x2c: {  	s7 =	sld [smem:$0x3FAC]  }
0x2d: {  	s3 =	simm.s32 $0x108;
	s8 =	sld [smem:$0x3FAD]  }
0x2e: {  	s3 =	simm.s32 @!p0 $0x1082;
	s9 =	sld [smem:$0x3FAE]  }
0x2f: {  	lr =	sadd.s32 s0, s3;
	s0 =	sld [smem:$0x3FA5]  }
0x30: {  	s3 =	sld [smem:$0x3FA8]  }
0x31: {  	[smem:$0x3FB1] =	sst s10  }
0x32: {  	s10 =	sld [smem:$0x3FAF];
	_ =	sdelay $0x3  }
0x33: {  	p0 =	seq.s32 s10, $0x1;
	s10 =	sld [smem:$0x3FB1];
	_ =	sdelay $0x3  }
0x34: {  	[smem:$0x3FB1] =	sst s10  }
0x35: {  	s10 =	sld [smem:$0x3FB0];
	_ =	sdelay $0x3  }
0x36: {  	p1 =	seq.s32 s10, $0x1;
	s10 =	sld [smem:$0x3FB1];
	_ =	sdelay $0x3  }
0x37: {  	[smem:$0x3FB1] =	sst s10  }
0x38: {  	s10 =	sld [smem:$0x3FB2]  }
0x39: {  	_ = 	snop;
	(pc) =	sbr.ind lr, $3  }
0x3a: {  	_ = 	snop  }
0x3b: {  	_ = 	snop  }
0x3c: {  	p2 =	seq.s32 s10, $0x1;
	s10 =	sld [smem:$0x3FB1]  }
0x3d: {  	_ =	shalt  }
0x3e: {  	_ =	shalt  }
0x3f: {  	_ =	shalt  }
0x40: {  	_ =	shalt  }
0x41: {  	_ =	shalt  }
0x42: {  	_ =	shalt  }
0x43: {  	_ =	shalt  }
0x44: {  	_ =	shalt  }
0x45: {  	_ =	shalt  }
0x46: {  	_ =	shalt  }
0x47: {  	_ =	shalt  }
0x48: {  	_ =	shalt  }
0x49: {  	_ =	shalt  }
0x4a: {  	_ =	shalt  }
0x4b: {  	_ =	shalt  }
0x4c: {  	_ =	shalt  }
0x4d: {  	_ =	shalt  }
0x4e: {  	_ =	shalt  }
0x4f: {  	_ =	shalt  }
0x50: {  	_ =	shalt  }
0x51: {  	_ =	shalt  }
0x52: {  	_ =	shalt  }
0x53: {  	_ =	shalt  }
0x54: {  	_ =	shalt  }
0x55: {  	_ =	shalt  }
0x56: {  	_ =	shalt  }
0x57: {  	_ =	shalt  }
0x58: {  	_ =	shalt  }
0x59: {  	_ =	shalt  }
0x5a: {  	_ =	shalt  }
0x5b: {  	_ =	shalt  }
0x5c: {  	_ =	shalt  }
0x5d: {  	_ =	shalt  }
0x5e: {  	_ =	shalt  }
0x5f: {  	_ =	shalt  }
0x60: {  	_ =	shalt  }
0x61: {  	_ =	shalt  }
0x62: {  	_ =	shalt  }
0x63: {  	_ =	shalt  }
0x64: {  	_ =	shalt  }
0x65: {  	_ =	shalt  }
0x66: {  	_ =	shalt  }
0x67: {  	_ =	shalt  }
0x68: {  	_ =	shalt  }
0x69: {  	_ =	shalt  }
0x6a: {  	_ =	shalt  }
0x6b: {  	_ =	shalt  }
0x6c: {  	_ =	shalt  }
0x6d: {  	_ =	shalt  }
0x6e: {  	_ =	shalt  }
0x6f: {  	_ =	shalt  }
0x70: {  	_ =	shalt  }
0x71: {  	_ =	shalt  }
0x72: {  	_ =	shalt  }
0x73: {  	_ =	shalt  }
0x74: {  	_ =	shalt  }
0x75: {  	_ =	shalt  }
0x76: {  	_ =	shalt  }
0x77: {  	_ =	shalt  }
0x78: {  	_ =	shalt  }
0x79: {  	_ =	shalt  }
0x7a: {  	_ =	shalt  }
0x7b: {  	_ =	shalt  }
0x7c: {  	_ =	shalt  }
0x7d: {  	_ =	shalt  }
0x7e: {  	_ =	shalt  }
0x7f: {  	_ =	shalt  }
0x80: {  	_ =	shalt  }
0x81: {  	_ =	shalt  }
0x82: {  	_ =	shalt  }
0x83: {  	_ =	shalt  }
0x84: {  	_ =	shalt  }
0x85: {  	_ =	shalt  }
0x86: {  	_ =	shalt  }
0x87: {  	_ =	shalt  }
.Lfunc_end0:
.L_simem_size_0:
called_computation_lowered:
.L_overlay_start_0:
0x88: {  	s2 =	sld [smem:$0x3FD9]  }
0x89: {  	s3 =	sld [smem:$0x3FFE];
	_ =	sdelay $0x1  }
0x8a: {  	s1 =	srdreg.scid  }
0x8b: {  	s0 =	sand.u32 $0x1, s1  }
0x8c: {  	s17 =	sshll.u32 s0, $0xA;
	s2 =	sadd.s32 s3, s2  }
0x8d: {  	s2 =	sadd.s32 s2, s17  }
0x8e: {  	[smem:$0x3FBD] =	sst s2  }
0x8f: {  	_ = 	snop  }
0x90: {  	s2 =	sld [smem:$0x3FC9]  }
0x91: {  	s18 =	sld [smem:$0x3FD0];
	(tm) =	ssettm $0x1  }
0x92: {  	s4 =	sld [smem:$0x3FFB];
	_ =	sdelay $0x3  }
0x93: {  	_ =	strace s4  }
0x94: {  	s4 =	sld [smem:$0x3FFC];
	_ =	sdelay $0x3  }
0x95: {  	_ =	strace s4  }
0x96: {  	s4 =	sld [smem:$0x3FFD];
	_ =	sdelay $0x3  }
0x97: {  	_ =	strace s4  }
0x98: {  	_ =	strace $0x8FFFFFFF  }
0x99: {  	s19 =	sld [smem:$0x3FDB];
	_ =	sdelay $0x1  }
0x9a: {  	s5 =	simm.s32 $_scs_section_size  }
0x9b: {  	s6 =	simm.s32 $_size__tile_overlayer_lowered;
	s7 =	simm.s32 $_tile_overlayer_lowered  }
0x9c: {  	s22 =	simm.s32 $0x1BFF;
	s21 =	sshll.u32 s7, $0x1;
	s4 =	sadd.s32 s5, s19  }
0x9d: {  	s8 =	simm.s32 $0x0;
	s20 =	sshll.u32 s6, $0x1;
	s6 =	sadd.s32 s21, s4  }
0x9e: {  	[timem:s8], [sflag:s22] =	dma.local [hbm:s6], s20  }
0x9f: {  	_ =	swait.ge [sflag:s22], s20  }
0xa0: {  	s5 =	ssub.s32 $0x0, s20;
	[sflag:s22] =	ssyncset.done $0x0  }
0xa1: {  	[sflag:s22] =	ssyncadd.s32 s5;
	_ =	sdelay $0x1  }
0xa2: {  	s23 =	simm.s32 $0x1B8B  }
0xa3: {  	_ =	swait.ge [sflag:s23], $0x1  }
0xa4: {  	[sflag:s23] =	ssyncset.done $0x0  }
0xa5: {  	s25 =	simm.s32 $0x1B8E;
	s24 =	sld [smem:$0x3FFE];
	[sflag:s23] =	ssyncadd.s32 $0xFFFFFFFF  }
0xa6: {  	s26 =	simm.s32 $execute0_lowered;
	[smem:$0x3FD2] =	sst s25  }
0xa7: {  	s6 =	sshll.u32 s26, $0x1;
	_ =	strace $0x80000046;
	[dreg:$0x1] =	wrdreg $0xFFFFFFFF  }
0xa8: {  	s28 =	simm.s32 $_size_execute0_lowered;
	s4 =	sadd.s32 s4, s6;
	[dreg:$0x0] =	wrdreg $0x0  }
0xa9: {  	s6 =	sshll.u32 s28, $0x1;
	[dreg:$0x2] =	wrdreg s4  }
0xaa: {  	[dreg:$0x3] =	wrdreg s6  }
0xab: {  	[dreg:$0x4] =	wrdreg $0xC0  }
0xac: {  	_ =	task [dreg:s8], $0x5FFFF  }
0xad: {  	[dreg:$0x1] =	wrdreg $0xFFFFFFFF  }
0xae: {  	[dreg:$0x0] =	wrdreg $0x60  }
0xaf: {  	[dreg:$0x2] =	wrdreg s2  }
0xb0: {  	[dreg:$0x3] =	wrdreg s24  }
0xb1: {  	[dreg:$0x4] =	wrdreg s18  }
0xb2: {  	[dreg:$0x5] =	wrdreg $0x0  }
0xb3: {  	[dreg:$0x6] =	wrdreg $0x9  }
0xb4: {  	_ =	task.clear_ibuf [dreg:s8], $0x7FFFF;
	_ =	strace $0x90000046  }
0xb5: {  	s29 =	simm.s32 $0x9;
	_ =	strace $0x80000048  }
0xb6: {  	_ =	swait.ge [sflag:s29], $0x1  }
0xb7: {  	[sflag:s29] =	ssyncadd.s32 $0xFFFFFFFF  }
0xb8: {  	_ =	strace $0x90000048  }
0xb9: {  	_ =	sfence  }
0xba: {  	s30 =	sld [smem:$0x0];
	_ =	sdelay $0x2  }
0xbb: {  	s31 =	sshll.u32 s1, $0xD;
	s1 =	sshrl.u32 s1, $0x2  }
0xbc: {  	s3 =	sand.u32 $0x4000, s31;
	s1 =	sadd.s32 s1, s30  }
0xbd: {  	s0 =	sor.u32 s3, s0;
	s1 =	sshll.u32 s1, $0x11  }
0xbe: {  	s0 =	sor.u32 s1, s0  }
0xbf: {  	s0 =	sadd.s32 $0x8F2B, s0  }
0xc0: {  	[sflag:s0] =	ssyncadd.remote.s32 $0x1  }
0xc1: {  	_ =	sfence.sel $0xFFFF  }
0xc2: {  	[dreg:$0x0] =	wrdreg $0xFFFFFFFF;
	(pc) =	sbr.abs _section_cstart, $3  }
0xc3: {  	[dreg:$0x1] =	wrdreg $0xFFFFFFFF  }
0xc4: {  	_ =	task.clear_ibuf [dreg:s8], $0x2FFFF;
	_ =	strace $0x9FFFFFFF  }
0xc5: {  	(tm) =	ssettm $0x7FFFFFFF  }
tec
execute0_lowered:
.L_overlay_start_1:
0x0: {  	(tag) =	ssettag $0x1  }
0x1: {  	s0 =	rddreg [dreg:$0x0]  }
0x2: {  	s3 =	rddreg [dreg:$0x1]  }
0x3: {  	s5 =	rddreg [dreg:$0x2]  }
0x4: {  	s1 =	rddreg [dreg:$0x3]  }
0x5: {  	s2 =	simm.s32 $0x0;
	s8 =	srdreg.scid;
	s28 =	simm.s32 $0x18000  }
0x6: {  	s29 =	simm.s32 $0x1C080;
	s30 =	simm.s32 $0x1;
	s31 =	simm.s32 $0x3  }
0x7: {  	[smem:$0x7FF] =	sst s2;
	s6 =	sadd.s32 $0x3800, s3;
	s7 =	sadd.s32 $0x17200, s3  }
0x8: {  	s4 =	sadd.s32 $0x2B400, s3;
	s18 =	sadd.s32 $0x2AC00, s3;
	s12 =	sadd.s32 $0x2BC00, s3  }
0x9: {  	s15 =	sand.u32 $0x1, s8;
	_ =	strace $0x80000047;
	[dreg:$0x5] =	wrdreg s4  }
0xa: {  	s9 =	sadd.s32 $0x53C00, s3;
	s3 =	sadd.s32 $0x7BC00, s3;
	[dreg:$0x6] =	wrdreg s18  }
0xb: {  	s4 =	stileid.u32;
	[dreg:$0x7] =	wrdreg s9;
	s20 =	ssub.s32 $0x2, s15  }
0xc: {  	[dreg:$0x8] =	wrdreg s3;
	p0 =	sne.s32 s15, $0x0;
	s19 =	smul.u32 $0x50000, s4  }
0xd: {  	s13 =	smul.u32 $0x280, s4;
	s21 =	sshrl.u32 s20, $0x1;
	s14 =	sshll.u32 s4, $0xB  }
0xe: {  	s23 =	sshll.u32 s4, $0x4;
	s24 =	sshll.u32 s4, $0x5;
	s26 =	sor.u32 $0x1380, s4  }
0xf: {  	s3 =	ssub.s32 s20, s21;
	s20 =	sadd.s32 s0, s14;
	s14 =	sadd.s32 s6, s23  }
0x10: {  	s0 =	sadd.s32 s24, s6;
	p1 =	slt.u32 s26, $0x1388;
	p2 =	sgt.u32 s26, $0x1387  }
0x11: {  	s6 =	smul.u32 $0x2800, s4;
	s8 =	sshrl.u32 s19, $0x2;
	s17 =	sadd.s32 $0x80, s13  }
0x12: {  	s18 =	sadd.s32 $0x100, s13;
	s19 =	sadd.s32 $0x180, s13;
	[dreg:$0xa] =	wrdreg s0  }
0x13: {  	s21 =	sadd.s32 $0x200, s13;
	s13 =	sadd.s32 s7, s23;
	[dreg:$0x9] =	wrdreg s20  }
0x14: {  	s7 =	sadd.s32 s24, s7;
	s23 =	sadd.s32 s12, s6;
	[dreg:$0xb] =	wrdreg s6  }
0x15: {  	s22 =	sshll.u32 s17, $0x7;
	s0 =	sadd.s32 s5, s6;
	[dreg:$0x10] =	wrdreg s23  }
0x16: {  	s10 =	sshll.u32 s18, $0x7;
	s15 =	sshll.u32 s17, $0x4;
	[dreg:$0x15] =	wrdreg s0  }
0x17: {  	s25 =	sshll.u32 s21, $0x7;
	s17 =	sshll.u32 s19, $0x4;
	[dreg:$0xc] =	wrdreg s15  }
0x18: {  	s9 =	sadd.s32 s22, s1;
	s24 =	sadd.s32 s12, s15;
	[dreg:$0xe] =	wrdreg s17  }
0x19: {  	s22 =	sshll.u32 s18, $0x4;
	s26 =	sadd.s32 s12, s17;
	[dreg:$0x11] =	wrdreg s24  }
0x1a: {  	s18 =	sshll.u32 s21, $0x4;
	s21 =	sadd.s32 s5, s15;
	[dreg:$0x13] =	wrdreg s26  }
0x1b: {  	s8 =	sadd.s32 s8, s1;
	s11 =	sshll.u32 s19, $0x7;
	[dreg:$0x16] =	wrdreg s21  }
0x1c: {  	s6 =	simm.s32 $0x0;
	s23 =	sadd.s32 s5, s17;
	[dreg:$0xd] =	wrdreg s22  }
0x1d: {  	s10 =	sadd.s32 s10, s1;
	s11 =	sadd.s32 s11, s1;
	[dreg:$0x18] =	wrdreg s23  }
0x1e: {  	s16 =	sadd.s32 s25, s1;
	s25 =	sadd.s32 s12, s22;
	[dreg:$0xf] =	wrdreg s18  }
0x1f: {  	s0 =	simm.s32 $0x80;
	s12 =	sadd.s32 s12, s18;
	[dreg:$0x12] =	wrdreg s25  }
0x20: {  	s15 =	simm.s32 $0x2;
	s22 =	sadd.s32 s5, s22;
	[dreg:$0x14] =	wrdreg s12  }
.Ltmp0:
0x21: {  	s24 =	sadd.s32 s5, s18;
	[dreg:$0x17] =	wrdreg s22;
	(pc) =	sbr.rel .LBB2_1-.Ltmp0, $4  }
0x22: {  	s26 =	sadd.s32 $0x10, s7;
	s23 =	sadd.s32 $0x10000, s20;
	[dreg:$0x19] =	wrdreg s24  }
0x23: {  	s5 =	simm.s32 $0x6;
	s25 =	smax.u32 s3, $0x1;
	[dreg:$0x1b] =	wrdreg s26  }
0x24: {  	s22 =	sshll.u32 s4, $0x1;
	s24 =	simm.s32 $0x14000;
	s26 =	simm.s32 $0x1C000  }
0x25: {  	s12 =	simm.s32 $0x4;
	[dreg:$0x1a] =	wrdreg s25;
	s25 =	simm.s32 $0x5  }
.LBB2_15:
0x26: {  	s4 =	simm.s32 @!p4 $0x0  }
0x27: {  	[sflag:s17] =	ssyncset.done @!p3 $0x0;
	p3 =	por p3, p3;
	p5 =	por p4, p4  }
0x28: {  	s7 =	simm.s32 @!p4 $0x1C000;
	s18 =	simm.s32 @!p5 $0x6;
	[sflag:s17] =	ssyncadd.s32 @!p3 $0xFFFFC000  }
0x29: {  	[tilespmem:s7], [sflag:$0x6] =	stream.linear.gather @!p5 [hbm4b:s3+s4], $0x80, $0x38;
	[tilespmem:$0x1C100] =	vst v63  }
0x2a: {  	_ =	swait.ge @!p5 [sflag:s18], $0x80  }
0x2b: {  	s17 =	simm.s32 @!p5 $0x14000;
	[sflag:s18] =	ssyncset.done @!p5 $0x0  }
0x2c: {  	s3 =	simm.s32 @!p5 $0x5;
	s4 =	simm.s32 @!p5 $0x80;
	[sflag:s18] =	ssyncadd.s32 @!p5 $0xFFFFFF80  }
0x2d: {  	[spmem:s1] =	stream.indirect.scatter.add.f32 @!p5 [tilespmem:s17], [sflag:$0x5], $0x80, s7, s4, $0xb8;
	[tilespmem:$0x1C100] =	vst v63  }
0x2e: {  	_ =	swait.ge @!p5 [sflag:s3], $0x4000  }
0x2f: {  	p3 =	por p5, p5;
	[sflag:s3] =	ssyncset.done @!p5 $0x0  }
0x30: {  	[sflag:s3] =	ssyncadd.s32 @!p3 $0xFFFFC000;
	s3 =	rddreg [dreg:$0x8]  }
.LBB2_16:
0x31: {  	[bflag:$0x0] =	sbarrier.arrive $0xFFFF  }
0x32: {  	[tilespmem:s24], [sflag:$0x5] =	stream.linear.gather [spmem:s8], $0x4000, $0x38;
	[tilespmem:$0x1C100] =	vst v63  }
0x33: {  	_ =	swait.ge [sflag:s25], $0x4000  }
0x34: {  	[sflag:s25] =	ssyncset.done $0x0;
	s4 =	rddreg [dreg:$0xb]  }
0x35: {  	s4 =	sadd.s32 s3, s4;
	[sflag:s25] =	ssyncadd.s32 $0xFFFFC000  }
0x36: {  	[hbm4b:s4+s2] =	stream.linear.scatter [tilespmem:s24], [sflag:$0x5], $0x4000, $0x38;
	[tilespmem:$0x1C100] =	vst v63  }
0x37: {  	_ =	swait.ge [sflag:s25], $0x4000  }
0x38: {  	[sflag:s25] =	ssyncset.done $0x0  }
0x39: {  	[sflag:s25] =	ssyncadd.s32 $0xFFFFC000  }
0x3a: {  	[tilespmem:s24], [sflag:$0x5] =	stream.linear.gather [spmem:s9], $0x4000, $0x38;
	[tilespmem:$0x1C100] =	vst v63  }
0x3b: {  	_ =	swait.ge [sflag:s25], $0x4000  }
0x3c: {  	[sflag:s25] =	ssyncset.done $0x0;
	s7 =	rddreg [dreg:$0xc]  }
0x3d: {  	s4 =	sadd.s32 s3, s7;
	[sflag:s25] =	ssyncadd.s32 $0xFFFFC000  }
0x3e: {  	[hbm4b:s4+s2] =	stream.linear.scatter [tilespmem:s24], [sflag:$0x5], $0x4000, $0x38;
	[tilespmem:$0x1C100] =	vst v63  }
0x3f: {  	_ =	swait.ge [sflag:s25], $0x4000  }
0x40: {  	[sflag:s25] =	ssyncset.done $0x0  }
0x41: {  	[sflag:s25] =	ssyncadd.s32 $0xFFFFC000  }
0x42: {  	[tilespmem:s24], [sflag:$0x5] =	stream.linear.gather [spmem:s10], $0x4000, $0x38;
	[tilespmem:$0x1C100] =	vst v63  }
0x43: {  	_ =	swait.ge [sflag:s25], $0x4000  }
0x44: {  	[sflag:s25] =	ssyncset.done $0x0;
	s17 =	rddreg [dreg:$0xd]  }
0x45: {  	s4 =	sadd.s32 s3, s17;
	[sflag:s25] =	ssyncadd.s32 $0xFFFFC000  }
0x46: {  	[hbm4b:s4+s2] =	stream.linear.scatter [tilespmem:s24], [sflag:$0x5], $0x4000, $0x38;
	[tilespmem:$0x1C100] =	vst v63  }
0x47: {  	_ =	swait.ge [sflag:s25], $0x4000  }
0x48: {  	[sflag:s25] =	ssyncset.done $0x0  }
0x49: {  	[sflag:s25] =	ssyncadd.s32 $0xFFFFC000  }
0x4a: {  	[tilespmem:s24], [sflag:$0x5] =	stream.linear.gather [spmem:s11], $0x4000, $0x38;
	[tilespmem:$0x1C100] =	vst v63  }
0x4b: {  	_ =	swait.ge [sflag:s25], $0x4000  }
0x4c: {  	[sflag:s25] =	ssyncset.done $0x0;
	s18 =	rddreg [dreg:$0xe]  }
0x4d: {  	s4 =	sadd.s32 s3, s18;
	[sflag:s25] =	ssyncadd.s32 $0xFFFFC000  }
0x4e: {  	[hbm4b:s4+s2] =	stream.linear.scatter [tilespmem:s24], [sflag:$0x5], $0x4000, $0x38;
	[tilespmem:$0x1C100] =	vst v63  }
0x4f: {  	_ =	swait.ge [sflag:s25], $0x4000  }
0x50: {  	[sflag:s25] =	ssyncset.done $0x0  }
0x51: {  	[sflag:s25] =	ssyncadd.s32 $0xFFFFC000  }
0x52: {  	[tilespmem:s24], [sflag:$0x5] =	stream.linear.gather [spmem:s16], $0x4000, $0x38;
	[tilespmem:$0x1C100] =	vst v63  }
0x53: {  	_ =	swait.ge [sflag:s25], $0x4000  }
0x54: {  	[sflag:s25] =	ssyncset.done $0x0;
	s19 =	rddreg [dreg:$0xf]  }
0x55: {  	s20 =	sadd.s32 s3, s19;
	[sflag:s25] =	ssyncadd.s32 $0xFFFFC000  }
0x56: {  	[hbm4b:s20+s2] =	stream.linear.scatter [tilespmem:s24], [sflag:$0x5], $0x4000, $0x38;
	[tilespmem:$0x1C100] =	vst v63  }
0x57: {  	_ =	swait.ge [sflag:s25], $0x4000  }
0x58: {  	s6 =	sadd.s32 $0x1, s6;
	s21 =	rddreg [dreg:$0x1a]  }
0x59: {  	p3 =	sne.s32 s6, s21  }
.Ltmp1:
0x5a: {  	_ = 	snop;
	(pc) =	sbr.rel @!p3 .LBB2_17-.Ltmp1, $3  }
0x5b: {  	_ =	sdelay $0x1  }
0x5c: {  	[sflag:s25] =	ssyncset.done $0x0  }
0x5d: {  	[sflag:s25] =	ssyncadd.s32 $0xFFFFC000  }
.LBB2_1:
0x5e: {  	s3 =	rddreg [dreg:$0x5]  }
0x5f: {  	[tilespmem:s24], [sflag:$0x5] =	stream.linear.gather [hbm4b:s3+s2], $0x4000, $0x38;
	[tilespmem:$0x1C100] =	vst v63  }
0x60: {  	_ =	swait.ge [sflag:s25], $0x4000  }
0x61: {  	[sflag:s25] =	ssyncset.done $0x0  }
0x62: {  	[sflag:s25] =	ssyncadd.s32 $0xFFFFC000  }
0x63: {  	[spmem:s8] =	stream.linear.scatter [tilespmem:s24], [sflag:$0x5], $0x4000, $0x38;
	[tilespmem:$0x1C100] =	vst v63  }
0x64: {  	_ =	swait.ge [sflag:s25], $0x4000  }
0x65: {  	[sflag:s25] =	ssyncset.done $0x0  }
0x66: {  	[sflag:s25] =	ssyncadd.s32 $0xFFFFC000  }
0x67: {  	[spmem:s9] =	stream.linear.scatter [tilespmem:s24], [sflag:$0x5], $0x4000, $0x38;
	[tilespmem:$0x1C100] =	vst v63  }
0x68: {  	_ =	swait.ge [sflag:s25], $0x4000  }
0x69: {  	[sflag:s25] =	ssyncset.done $0x0  }
0x6a: {  	[sflag:s25] =	ssyncadd.s32 $0xFFFFC000  }
0x6b: {  	[spmem:s10] =	stream.linear.scatter [tilespmem:s24], [sflag:$0x5], $0x4000, $0x38;
	[tilespmem:$0x1C100] =	vst v63  }
0x6c: {  	_ =	swait.ge [sflag:s25], $0x4000  }
0x6d: {  	[sflag:s25] =	ssyncset.done $0x0  }
0x6e: {  	[sflag:s25] =	ssyncadd.s32 $0xFFFFC000  }
0x6f: {  	[spmem:s11] =	stream.linear.scatter [tilespmem:s24], [sflag:$0x5], $0x4000, $0x38;
	[tilespmem:$0x1C100] =	vst v63  }
0x70: {  	_ =	swait.ge [sflag:s25], $0x4000  }
0x71: {  	[sflag:s25] =	ssyncset.done $0x0  }
0x72: {  	[sflag:s25] =	ssyncadd.s32 $0xFFFFC000  }
0x73: {  	[spmem:s16] =	stream.linear.scatter [tilespmem:s24], [sflag:$0x5], $0x4000, $0x38;
	[tilespmem:$0x1C100] =	vst v63  }
0x74: {  	_ =	swait.ge [sflag:s25], $0x4000  }
.Ltmp2:
0x75: {  	[sflag:s25] =	ssyncset.done $0x0;
	(pc) =	sbr.rel @p0 .LBB2_5-.Ltmp2, $4  }
0x76: {  	[sflag:s25] =	ssyncadd.s32 $0xFFFFC000  }
0x77: {  	[bflag:$0x0] =	sbarrier.arrive $0xFFFF  }
0x78: {  	s3 =	simm.s32 $0x0;
	s21 =	rddreg [dreg:$0x9]  }
0x79: {  	[tilespmem:s24], [sflag:$0x1] =	stream.linear.gather [hbm4b:s21+s2], $0x4000, $0x38;
	[tilespmem:$0x1C100] =	vst v63  }
0x7a: {  	[tilespmem:s26], [sflag:$0x3] =	stream.linear.gather [hbm4b:s14+s3], $0x80, $0x38;
	[tilespmem:$0x1C100] =	vst v63  }
0x7b: {  	s20 =	sadd.s32 $0xFFFF8000, s23;
	s7 =	sadd.s32 $0x0, s14  }
0x7c: {  	[tilespmem:s28], [sflag:$0x2] =	stream.linear.gather [hbm4b:s20+s2], $0x4000, $0x38;
	[tilespmem:$0x1C100] =	vst v63  }
0x7d: {  	s21 =	sadd.s32 $0x100, s7  }
0x7e: {  	[tilespmem:s29], [sflag:$0x4] =	stream.linear.gather [hbm4b:s21+s2], $0x80, $0x38;
	[tilespmem:$0x1C100] =	vst v63  }
0x7f: {  	_ =	swait.ge [sflag:s30], $0x4000  }
0x80: {  	[sflag:s30] =	ssyncset.done $0x0  }
0x81: {  	[sflag:s30] =	ssyncadd.s32 $0xFFFFC000  }
0x82: {  	_ =	swait.ge [sflag:s31], $0x80  }
0x83: {  	[sflag:s31] =	ssyncset.done $0x0  }
0x84: {  	s4 =	stileid.u32;
	[sflag:s31] =	ssyncadd.s32 $0xFFFFFF80  }
0x85: {  	[spmem:s1] =	stream.indirect.scatter.add.f32 [tilespmem:s24], [sflag:$0x6], $0x80, s26, s0, $0xb8;
	[tilespmem:$0x1C100] =	vst v63  }
0x86: {  	p3 =	sgt.u32 s4, $0x1367;
	_ =	swait.ge [sflag:s5], $0x4000  }
0x87: {  	s3 =	simm.s32 @!p3 $0x0;
	[sflag:s5] =	ssyncset.done $0x0  }
0x88: {  	s7 =	simm.s32 @!p3 $0x14000;
	s17 =	sadd.s32 @!p3 $0x0, s14;
	[sflag:s5] =	ssyncadd.s32 $0xFFFFC000  }
0x89: {  	[tilespmem:s7], [sflag:$0x1] =	stream.linear.gather @!p3 [hbm4b:s23+s3], $0x4000, $0x38;
	[tilespmem:$0x1C100] =	vst v63  }
0x8a: {  	s17 =	sadd.s32 @!p3 $0x200, s17;
	s7 =	simm.s32 @!p3 $0x1C000  }
0x8b: {  	[tilespmem:s7], [sflag:$0x3] =	stream.linear.gather @!p3 [hbm4b:s17+s3], $0x80, $0x38;
	[tilespmem:$0x1C100] =	vst v63  }
0x8c: {  	_ =	swait.ge [sflag:s15], $0x4000  }
0x8d: {  	[sflag:s15] =	ssyncset.done $0x0  }
0x8e: {  	[sflag:s15] =	ssyncadd.s32 $0xFFFFC000  }
0x8f: {  	_ =	swait.ge [sflag:s12], $0x80  }
0x90: {  	[sflag:s12] =	ssyncset.done $0x0  }
0x91: {  	s18 =	simm.s32 $0x400;
	s3 =	simm.s32 $0x200;
	[sflag:s12] =	ssyncadd.s32 $0xFFFFFF80  }
0x92: {  	[spmem:s1] =	stream.indirect.scatter.add.f32 [tilespmem:s28], [sflag:$0x5], $0x80, s29, s0, $0xb8;
	[tilespmem:$0x1C100] =	vst v63  }
0x93: {  	s7 =	sadd.s32 $0x10000, s23;
	s17 =	sadd.s32 $0x20, s4;
	_ =	swait.ge [sflag:s25], $0x4000  }
.LBB2_3:
0x94: {  	s19 =	sadd.s32 $0xFFFF8000, s7;
	s20 =	sadd.s32 s3, s14;
	[sflag:s25] =	ssyncset.done $0x0  }
0x95: {  	s21 =	smov.u32 s18;
	s18 =	sadd.s32 $0x200, s18;
	[sflag:s25] =	ssyncadd.s32 $0xFFFFC000  }
0x96: {  	[tilespmem:s28], [sflag:$0x2] =	stream.linear.gather [hbm4b:s19+s2], $0x4000, $0x38;
	[tilespmem:$0x1C100] =	vst v63  }
0x97: {  	p3 =	sne.s32 s18, $0x13800;
	s19 =	sadd.s32 $0x100, s20  }
0x98: {  	[tilespmem:s29], [sflag:$0x4] =	stream.linear.gather [hbm4b:s19+s2], $0x80, $0x38;
	[tilespmem:$0x1C100] =	vst v63  }
0x99: {  	_ =	swait.ge [sflag:s30], $0x4000  }
0x9a: {  	[sflag:s30] =	ssyncset.done $0x0  }
0x9b: {  	[sflag:s30] =	ssyncadd.s32 $0xFFFFC000  }
0x9c: {  	_ =	swait.ge [sflag:s31], $0x80  }
0x9d: {  	[sflag:s31] =	ssyncset.done $0x0  }
0x9e: {  	[sflag:s31] =	ssyncadd.s32 $0xFFFFFF80  }
0x9f: {  	[spmem:s1] =	stream.indirect.scatter.add.f32 [tilespmem:s24], [sflag:$0x6], $0x80, s26, s0, $0xb8;
	[tilespmem:$0x1C100] =	vst v63  }
0xa0: {  	p4 =	sgt.u32 s17, $0x1367;
	_ =	swait.ge [sflag:s5], $0x4000  }
0xa1: {  	s20 =	simm.s32 @!p4 $0x14000;
	s19 =	simm.s32 @!p4 $0x0;
	[sflag:s5] =	ssyncset.done $0x0  }
0xa2: {  	s3 =	sadd.s32 @!p4 s3, s14;
	s4 =	simm.s32 @!p4 $0x1C000;
	[sflag:s5] =	ssyncadd.s32 $0xFFFFC000  }
0xa3: {  	[tilespmem:s20], [sflag:$0x1] =	stream.linear.gather @!p4 [hbm4b:s7+s19], $0x4000, $0x38;
	[tilespmem:$0x1C100] =	vst v63  }
0xa4: {  	s20 =	sadd.s32 @!p4 $0x200, s3;
	s3 =	smov.u32 s21  }
0xa5: {  	[tilespmem:s4], [sflag:$0x3] =	stream.linear.gather @!p4 [hbm4b:s20+s19], $0x80, $0x38;
	[tilespmem:$0x1C100] =	vst v63  }
0xa6: {  	_ =	swait.ge [sflag:s15], $0x4000  }
0xa7: {  	[sflag:s15] =	ssyncset.done $0x0  }
0xa8: {  	[sflag:s15] =	ssyncadd.s32 $0xFFFFC000  }
.Ltmp3:
0xa9: {  	_ =	swait.ge [sflag:s12], $0x80;
	(pc) =	sbr.rel @p3 .LBB2_3-.Ltmp3, $4  }
0xaa: {  	[sflag:s12] =	ssyncset.done $0x0  }
0xab: {  	[sflag:s12] =	ssyncadd.s32 $0xFFFFFF80  }
0xac: {  	[spmem:s1] =	stream.indirect.scatter.add.f32 [tilespmem:s28], [sflag:$0x5], $0x80, s29, s0, $0xb8;
	[tilespmem:$0x1C100] =	vst v63  }
0xad: {  	s17 =	sadd.s32 $0x20, s17;
	s7 =	sadd.s32 $0x10000, s7;
	_ =	swait.ge [sflag:s25], $0x4000  }
0xae: {  	[sflag:s25] =	ssyncset.done $0x0  }
0xaf: {  	s4 =	sadd.s32 $0xFFFF8000, s7;
	s18 =	sadd.s32 s3, s14;
	[sflag:s25] =	ssyncadd.s32 $0xFFFFC000  }
0xb0: {  	[tilespmem:s28], [sflag:$0x2] =	stream.linear.gather [hbm4b:s4+s2], $0x4000, $0x38;
	[tilespmem:$0x1C100] =	vst v63  }
0xb1: {  	s21 =	sadd.s32 $0x100, s18  }
0xb2: {  	[tilespmem:s29], [sflag:$0x4] =	stream.linear.gather [hbm4b:s21+s2], $0x80, $0x38;
	[tilespmem:$0x1C100] =	vst v63  }
0xb3: {  	_ =	swait.ge [sflag:s30], $0x4000  }
0xb4: {  	[sflag:s30] =	ssyncset.done $0x0  }
0xb5: {  	[sflag:s30] =	ssyncadd.s32 $0xFFFFC000  }
0xb6: {  	_ =	swait.ge [sflag:s31], $0x80  }
0xb7: {  	[sflag:s31] =	ssyncset.done $0x0  }
0xb8: {  	[sflag:s31] =	ssyncadd.s32 $0xFFFFFF80  }
0xb9: {  	[spmem:s1] =	stream.indirect.scatter.add.f32 [tilespmem:s24], [sflag:$0x6], $0x80, s26, s0, $0xb8;
	[tilespmem:$0x1C100] =	vst v63  }
0xba: {  	p3 =	sgt.u32 s17, $0x1367;
	_ =	swait.ge [sflag:s5], $0x4000  }
0xbb: {  	s17 =	simm.s32 @!p3 $0x14000;
	[sflag:s5] =	ssyncset.done $0x0  }
0xbc: {  	s3 =	sadd.s32 @!p3 s3, s14;
	s4 =	simm.s32 @!p3 $0x0;
	[sflag:s5] =	ssyncadd.s32 $0xFFFFC000  }
0xbd: {  	[tilespmem:s17], [sflag:$0x1] =	stream.linear.gather @!p3 [hbm4b:s7+s4], $0x4000, $0x38;
	[tilespmem:$0x1C100] =	vst v63  }
0xbe: {  	s3 =	sadd.s32 @!p3 $0x200, s3;
	s7 =	simm.s32 @!p3 $0x1C000  }
0xbf: {  	[tilespmem:s7], [sflag:$0x3] =	stream.linear.gather @!p3 [hbm4b:s3+s4], $0x80, $0x38;
	[tilespmem:$0x1C100] =	vst v63  }
0xc0: {  	_ =	swait.ge [sflag:s15], $0x4000  }
0xc1: {  	[sflag:s15] =	ssyncset.done $0x0  }
0xc2: {  	[sflag:s15] =	ssyncadd.s32 $0xFFFFC000  }
0xc3: {  	_ =	swait.ge [sflag:s12], $0x80  }
0xc4: {  	[sflag:s12] =	ssyncset.done $0x0  }
0xc5: {  	[sflag:s12] =	ssyncadd.s32 $0xFFFFFF80  }
0xc6: {  	[spmem:s1] =	stream.indirect.scatter.add.f32 [tilespmem:s28], [sflag:$0x5], $0x80, s29, s0, $0xb8;
	[tilespmem:$0x1C100] =	vst v63  }
0xc7: {  	_ =	swait.ge [sflag:s25], $0x4000  }
.Ltmp4:
0xc8: {  	s19 =	rddreg [dreg:$0x15];
	(pc) =	sbr.rel @!p1 .LBB2_9-.Ltmp4, $4  }
0xc9: {  	s18 =	rddreg [dreg:$0x16]  }
0xca: {  	s17 =	rddreg [dreg:$0x17]  }
0xcb: {  	[sflag:s25] =	ssyncset.done $0x0;
	s7 =	rddreg [dreg:$0x18]  }
0xcc: {  	s3 =	rddreg [dreg:$0x19];
	[sflag:s25] =	ssyncadd.s32 $0xFFFFC000  }
.LBB2_8:
0xcd: {  	_ =	swait.ge [sflag:s30], $0x4000  }
0xce: {  	[sflag:s30] =	ssyncset.done $0x0  }
0xcf: {  	[sflag:s30] =	ssyncadd.s32 $0xFFFFC000  }
0xd0: {  	_ =	swait.ge [sflag:s31], $0x80  }
0xd1: {  	[sflag:s31] =	ssyncset.done $0x0  }
0xd2: {  	[sflag:s31] =	ssyncadd.s32 $0xFFFFFF80  }
0xd3: {  	[spmem:s1] =	stream.indirect.scatter.add.f32 [tilespmem:s24], [sflag:$0x6], $0x80, s26, s0, $0xb8;
	[tilespmem:$0x1C100] =	vst v63  }
0xd4: {  	_ =	swait.ge [sflag:s5], $0x4000  }
0xd5: {  	[sflag:s5] =	ssyncset.done $0x0  }
0xd6: {  	[sflag:s5] =	ssyncadd.s32 $0xFFFFC000  }
.LBB2_9:
0xd7: {  	[bflag:$0x0] =	sbarrier.arrive $0xFFFF  }
0xd8: {  	[tilespmem:s24], [sflag:$0x5] =	stream.linear.gather [spmem:s8], $0x4000, $0x38;
	[tilespmem:$0x1C100] =	vst v63  }
0xd9: {  	_ =	swait.ge [sflag:s25], $0x4000  }
0xda: {  	[sflag:s25] =	ssyncset.done $0x0  }
0xdb: {  	s4 =	simm.s32 $0x0;
	[sflag:s25] =	ssyncadd.s32 $0xFFFFC000  }
0xdc: {  	[hbm4b:s19+s4] =	stream.linear.scatter [tilespmem:s24], [sflag:$0x5], $0x4000, $0x38;
	[tilespmem:$0x1C100] =	vst v63  }
0xdd: {  	_ =	swait.ge [sflag:s25], $0x4000  }
0xde: {  	[sflag:s25] =	ssyncset.done $0x0  }
0xdf: {  	[sflag:s25] =	ssyncadd.s32 $0xFFFFC000  }
0xe0: {  	[tilespmem:s24], [sflag:$0x5] =	stream.linear.gather [spmem:s9], $0x4000, $0x38;
	[tilespmem:$0x1C100] =	vst v63  }
0xe1: {  	_ =	swait.ge [sflag:s25], $0x4000  }
0xe2: {  	[sflag:s25] =	ssyncset.done $0x0  }
0xe3: {  	[sflag:s25] =	ssyncadd.s32 $0xFFFFC000  }
0xe4: {  	[hbm4b:s18+s4] =	stream.linear.scatter [tilespmem:s24], [sflag:$0x5], $0x4000, $0x38;
	[tilespmem:$0x1C100] =	vst v63  }
0xe5: {  	_ =	swait.ge [sflag:s25], $0x4000  }
0xe6: {  	[sflag:s25] =	ssyncset.done $0x0  }
0xe7: {  	[sflag:s25] =	ssyncadd.s32 $0xFFFFC000  }
0xe8: {  	[tilespmem:s24], [sflag:$0x5] =	stream.linear.gather [spmem:s10], $0x4000, $0x38;
	[tilespmem:$0x1C100] =	vst v63  }
0xe9: {  	_ =	swait.ge [sflag:s25], $0x4000  }
0xea: {  	[sflag:s25] =	ssyncset.done $0x0  }
0xeb: {  	[sflag:s25] =	ssyncadd.s32 $0xFFFFC000  }
0xec: {  	[hbm4b:s17+s4] =	stream.linear.scatter [tilespmem:s24], [sflag:$0x5], $0x4000, $0x38;
	[tilespmem:$0x1C100] =	vst v63  }
0xed: {  	_ =	swait.ge [sflag:s25], $0x4000  }
0xee: {  	[sflag:s25] =	ssyncset.done $0x0  }
0xef: {  	[sflag:s25] =	ssyncadd.s32 $0xFFFFC000  }
0xf0: {  	[tilespmem:s24], [sflag:$0x5] =	stream.linear.gather [spmem:s11], $0x4000, $0x38;
	[tilespmem:$0x1C100] =	vst v63  }
0xf1: {  	_ =	swait.ge [sflag:s25], $0x4000  }
0xf2: {  	[sflag:s25] =	ssyncset.done $0x0  }
0xf3: {  	[sflag:s25] =	ssyncadd.s32 $0xFFFFC000  }
0xf4: {  	[hbm4b:s7+s4] =	stream.linear.scatter [tilespmem:s24], [sflag:$0x5], $0x4000, $0x38;
	[tilespmem:$0x1C100] =	vst v63  }
0xf5: {  	_ =	swait.ge [sflag:s25], $0x4000  }
0xf6: {  	[sflag:s25] =	ssyncset.done $0x0  }
0xf7: {  	[sflag:s25] =	ssyncadd.s32 $0xFFFFC000  }
0xf8: {  	[tilespmem:s24], [sflag:$0x5] =	stream.linear.gather [spmem:s16], $0x4000, $0x38;
	[tilespmem:$0x1C100] =	vst v63  }
0xf9: {  	_ =	swait.ge [sflag:s25], $0x4000  }
0xfa: {  	[sflag:s25] =	ssyncset.done $0x0  }
0xfb: {  	[sflag:s25] =	ssyncadd.s32 $0xFFFFC000  }
0xfc: {  	[hbm4b:s3+s4] =	stream.linear.scatter [tilespmem:s24], [sflag:$0x5], $0x4000, $0x38;
	[tilespmem:$0x1C100] =	vst v63  }
0xfd: {  	_ =	swait.ge [sflag:s25], $0x4000  }
0xfe: {  	[sflag:s25] =	ssyncset.done $0x0  }
0xff: {  	[sflag:s25] =	ssyncadd.s32 $0xFFFFC000  }
0x100: {  	[bflag:$0x0] =	sbarrier.arrive $0xFFFF  }
0x101: {  	s20 =	rddreg [dreg:$0x5]  }
0x102: {  	[tilespmem:s24], [sflag:$0x5] =	stream.linear.gather [hbm4b:s20+s4], $0x4000, $0x38;
	[tilespmem:$0x1C100] =	vst v63  }
0x103: {  	_ =	swait.ge [sflag:s25], $0x4000  }
0x104: {  	[sflag:s25] =	ssyncset.done $0x0  }
0x105: {  	[sflag:s25] =	ssyncadd.s32 $0xFFFFC000  }
0x106: {  	[spmem:s8] =	stream.linear.scatter [tilespmem:s24], [sflag:$0x5], $0x4000, $0x38;
	[tilespmem:$0x1C100] =	vst v63  }
0x107: {  	_ =	swait.ge [sflag:s25], $0x4000  }
0x108: {  	[sflag:s25] =	ssyncset.done $0x0  }
0x109: {  	[sflag:s25] =	ssyncadd.s32 $0xFFFFC000  }
0x10a: {  	[spmem:s9] =	stream.linear.scatter [tilespmem:s24], [sflag:$0x5], $0x4000, $0x38;
	[tilespmem:$0x1C100] =	vst v63  }
0x10b: {  	_ =	swait.ge [sflag:s25], $0x4000  }
0x10c: {  	[sflag:s25] =	ssyncset.done $0x0  }
0x10d: {  	[sflag:s25] =	ssyncadd.s32 $0xFFFFC000  }
0x10e: {  	[spmem:s10] =	stream.linear.scatter [tilespmem:s24], [sflag:$0x5], $0x4000, $0x38;
	[tilespmem:$0x1C100] =	vst v63  }
0x10f: {  	_ =	swait.ge [sflag:s25], $0x4000  }
0x110: {  	[sflag:s25] =	ssyncset.done $0x0  }
0x111: {  	[sflag:s25] =	ssyncadd.s32 $0xFFFFC000  }
0x112: {  	[spmem:s11] =	stream.linear.scatter [tilespmem:s24], [sflag:$0x5], $0x4000, $0x38;
	[tilespmem:$0x1C100] =	vst v63  }
0x113: {  	_ =	swait.ge [sflag:s25], $0x4000  }
0x114: {  	[sflag:s25] =	ssyncset.done $0x0  }
0x115: {  	[sflag:s25] =	ssyncadd.s32 $0xFFFFC000  }
0x116: {  	[spmem:s16] =	stream.linear.scatter [tilespmem:s24], [sflag:$0x5], $0x4000, $0x38;
	[tilespmem:$0x1C100] =	vst v63  }
0x117: {  	_ =	swait.ge [sflag:s25], $0x4000  }
0x118: {  	[sflag:s25] =	ssyncset.done $0x0  }
0x119: {  	s21 =	rddreg [dreg:$0x6];
	[sflag:s25] =	ssyncadd.s32 $0xFFFFC000  }
0x11a: {  	[tilespmem:s24], [sflag:$0x5] =	stream.linear.gather [hbm4b:s21+s4], $0x4000, $0x38;
	[tilespmem:$0x1C100] =	vst v63  }
.Ltmp5:
0x11b: {  	_ =	swait.ge [sflag:s25], $0x4000;
	(pc) =	sbr.rel @p0 .LBB2_13-.Ltmp5, $3  }
0x11c: {  	[sflag:s25] =	ssyncset.done $0x0  }
0x11d: {  	[sflag:s25] =	ssyncadd.s32 $0xFFFFC000  }
0x11e: {  	[bflag:$0x0] =	sbarrier.arrive $0xFFFF;
	_ =	sdelay $0x1  }
0x11f: {  	s3 =	sadd.s32 $0x0, s22  }
0x120: {  	p4 =	sgt.u32 s3, $0x1387  }
0x121: {  	s18 =	rddreg [dreg:$0xa];
	p3 =	por p4, p4  }
0x122: {  	s3 =	simm.s32 @!p4 $0x0;
	s4 =	simm.s32 @!p4 $0x1C000;
	s7 =	simm.s32 @!p3 $0x6  }
0x123: {  	[tilespmem:s4], [sflag:$0x6] =	stream.linear.gather @!p3 [hbm4b:s18+s3], $0x80, $0x38;
	[tilespmem:$0x1C100] =	vst v63  }
0x124: {  	s21 =	sadd.s32 $0x20, s22;
	_ =	swait.ge @!p3 [sflag:s7], $0x80  }
0x125: {  	p4 =	sgt.u32 s21, $0x1387;
	s3 =	simm.s32 @!p3 $0x80;
	[sflag:s7] =	ssyncset.done @!p3 $0x0  }
0x126: {  	s17 =	simm.s32 @!p3 $0x5;
	[sflag:s7] =	ssyncadd.s32 @!p3 $0xFFFFFF80;
	s7 =	simm.s32 @!p3 $0x14000  }
0x127: {  	[spmem:s1] =	stream.indirect.scatter.add.f32 @!p3 [tilespmem:s7], [sflag:$0x5], $0x80, s4, s3, $0xb8;
	[tilespmem:$0x1C100] =	vst v63  }
0x128: {  	s7 =	simm.s32 $0x40;
	s3 =	sadd.s32 $0x200, s18;
	_ =	swait.ge @!p3 [sflag:s17], $0x4000  }
.LBB2_11:
0x129: {  	s4 =	simm.s32 @!p4 $0x0  }
0x12a: {  	s18 =	simm.s32 @!p4 $0x1C000;
	[sflag:s17] =	ssyncset.done @!p3 $0x0;
	s19 =	smov.u32 s7  }
0x12b: {  	p5 =	por p3, p3;
	p3 =	por p4, p4;
	s7 =	sadd.s32 $0x20, s7  }
0x12c: {  	s20 =	simm.s32 @!p3 $0x6;
	[sflag:s17] =	ssyncadd.s32 @!p5 $0xFFFFC000;
	p5 =	seq.s32 s7, $0x13A0  }
0x12d: {  	[tilespmem:s18], [sflag:$0x6] =	stream.linear.gather @!p3 [hbm4b:s3+s4], $0x80, $0x38;
	[tilespmem:$0x1C100] =	vst v63  }
.Ltmp6:
0x12e: {  	_ =	swait.ge @!p3 [sflag:s20], $0x80;
	(pc) =	sbr.rel @!p5 .LBB2_11-.Ltmp6, $4  }
0x12f: {  	s17 =	simm.s32 @!p3 $0x5;
	s4 =	sadd.s32 s19, s22;
	[sflag:s20] =	ssyncset.done @!p3 $0x0  }
0x130: {  	s19 =	simm.s32 @!p3 $0x80;
	[sflag:s20] =	ssyncadd.s32 @!p3 $0xFFFFFF80;
	s20 =	simm.s32 @!p3 $0x14000  }
0x131: {  	[spmem:s1] =	stream.indirect.scatter.add.f32 @!p3 [tilespmem:s20], [sflag:$0x5], $0x80, s18, s19, $0xb8;
	[tilespmem:$0x1C100] =	vst v63  }
0x132: {  	s3 =	sadd.s32 $0x200, s3;
	p4 =	sgt.u32 s4, $0x1387;
	_ =	swait.ge @!p3 [sflag:s17], $0x4000  }
0x133: {  	s4 =	simm.s32 @!p4 $0x0  }
0x134: {  	[sflag:s17] =	ssyncset.done @!p3 $0x0;
	p3 =	por p3, p3;
	p5 =	por p4, p4  }
0x135: {  	s7 =	simm.s32 @!p4 $0x1C000;
	s18 =	simm.s32 @!p5 $0x6;
	[sflag:s17] =	ssyncadd.s32 @!p3 $0xFFFFC000  }
0x136: {  	[tilespmem:s7], [sflag:$0x6] =	stream.linear.gather @!p5 [hbm4b:s3+s4], $0x80, $0x38;
	[tilespmem:$0x1C100] =	vst v63  }
0x137: {  	_ =	swait.ge @!p5 [sflag:s18], $0x80  }
0x138: {  	s17 =	simm.s32 @!p5 $0x14000;
	s3 =	simm.s32 @!p5 $0x5;
	[sflag:s18] =	ssyncset.done @!p5 $0x0  }
.Ltmp7:
0x139: {  	s4 =	simm.s32 @!p5 $0x80;
	[sflag:s18] =	ssyncadd.s32 @!p5 $0xFFFFFF80;
	(pc) =	sbr.rel .LBB2_16-.Ltmp7, $4  }
0x13a: {  	[spmem:s1] =	stream.indirect.scatter.add.f32 @!p5 [tilespmem:s17], [sflag:$0x5], $0x80, s7, s4, $0xb8;
	[tilespmem:$0x1C100] =	vst v63  }
0x13b: {  	_ =	swait.ge @!p5 [sflag:s3], $0x4000  }
0x13c: {  	p3 =	por p5, p5;
	[sflag:s3] =	ssyncset.done @!p5 $0x0  }
0x13d: {  	[sflag:s3] =	ssyncadd.s32 @!p3 $0xFFFFC000;
	s3 =	rddreg [dreg:$0x7]  }
.LBB2_5:
0x13e: {  	[tilespmem:s26], [sflag:$0x3] =	stream.linear.gather [hbm4b:s13+s3], $0x80, $0x38;
	[tilespmem:$0x1C100] =	vst v63  }
0x13f: {  	s20 =	sadd.s32 $0xFFFF8000, s23;
	s4 =	sadd.s32 $0x0, s13  }
0x140: {  	[tilespmem:s28], [sflag:$0x2] =	stream.linear.gather [hbm4b:s20+s2], $0x4000, $0x38;
	[tilespmem:$0x1C100] =	vst v63  }
0x141: {  	s21 =	sadd.s32 $0x100, s4  }
0x142: {  	[tilespmem:s29], [sflag:$0x4] =	stream.linear.gather [hbm4b:s21+s2], $0x80, $0x38;
	[tilespmem:$0x1C100] =	vst v63  }
0x143: {  	_ =	swait.ge [sflag:s30], $0x4000  }
0x144: {  	[sflag:s30] =	ssyncset.done $0x0  }
0x145: {  	[sflag:s30] =	ssyncadd.s32 $0xFFFFC000  }
0x146: {  	_ =	swait.ge [sflag:s31], $0x80  }
0x147: {  	[sflag:s31] =	ssyncset.done $0x0  }
0x148: {  	s17 =	stileid.u32;
	[sflag:s31] =	ssyncadd.s32 $0xFFFFFF80  }
0x149: {  	[spmem:s1] =	stream.indirect.scatter.add.f32 [tilespmem:s24], [sflag:$0x6], $0x80, s26, s0, $0xb8;
	[tilespmem:$0x1C100] =	vst v63  }
0x14a: {  	p3 =	sgt.u32 s17, $0x1367;
	_ =	swait.ge [sflag:s5], $0x4000  }
0x14b: {  	s3 =	simm.s32 @!p3 $0x0;
	[sflag:s5] =	ssyncset.done $0x0  }
0x14c: {  	s4 =	simm.s32 @!p3 $0x14000;
	s7 =	sadd.s32 @!p3 $0x0, s13;
	[sflag:s5] =	ssyncadd.s32 $0xFFFFC000  }
0x14d: {  	[tilespmem:s4], [sflag:$0x1] =	stream.linear.gather @!p3 [hbm4b:s23+s3], $0x4000, $0x38;
	[tilespmem:$0x1C100] =	vst v63  }
0x14e: {  	s7 =	sadd.s32 @!p3 $0x200, s7;
	s4 =	simm.s32 @!p3 $0x1C000  }
0x14f: {  	[tilespmem:s4], [sflag:$0x3] =	stream.linear.gather @!p3 [hbm4b:s7+s3], $0x80, $0x38;
	[tilespmem:$0x1C100] =	vst v63  }
0x150: {  	_ =	swait.ge [sflag:s15], $0x4000  }
0x151: {  	[sflag:s15] =	ssyncset.done $0x0  }
0x152: {  	[sflag:s15] =	ssyncadd.s32 $0xFFFFC000  }
0x153: {  	_ =	swait.ge [sflag:s12], $0x80  }
0x154: {  	[sflag:s12] =	ssyncset.done $0x0  }
0x155: {  	s18 =	simm.s32 $0x400;
	s17 =	sadd.s32 $0x20, s17;
	[sflag:s12] =	ssyncadd.s32 $0xFFFFFF80  }
0x156: {  	[spmem:s1] =	stream.indirect.scatter.add.f32 [tilespmem:s28], [sflag:$0x5], $0x80, s29, s0, $0xb8;
	[tilespmem:$0x1C100] =	vst v63  }
0x157: {  	s3 =	simm.s32 $0x200;
	s7 =	sadd.s32 $0x10000, s23;
	_ =	swait.ge [sflag:s25], $0x4000  }
.LBB2_6:
0x158: {  	s4 =	sadd.s32 $0xFFFF8000, s7;
	s19 =	sadd.s32 s3, s13;
	[sflag:s25] =	ssyncset.done $0x0  }
0x159: {  	s20 =	smov.u32 s18;
	s18 =	sadd.s32 $0x200, s18;
	[sflag:s25] =	ssyncadd.s32 $0xFFFFC000  }
0x15a: {  	[tilespmem:s28], [sflag:$0x2] =	stream.linear.gather [hbm4b:s4+s2], $0x4000, $0x38;
	[tilespmem:$0x1C100] =	vst v63  }
0x15b: {  	p3 =	sne.s32 s18, $0x13800;
	s4 =	sadd.s32 $0x100, s19  }
0x15c: {  	[tilespmem:s29], [sflag:$0x4] =	stream.linear.gather [hbm4b:s4+s2], $0x80, $0x38;
	[tilespmem:$0x1C100] =	vst v63  }
0x15d: {  	_ =	swait.ge [sflag:s30], $0x4000  }
0x15e: {  	[sflag:s30] =	ssyncset.done $0x0  }
0x15f: {  	[sflag:s30] =	ssyncadd.s32 $0xFFFFC000  }
0x160: {  	_ =	swait.ge [sflag:s31], $0x80  }
0x161: {  	[sflag:s31] =	ssyncset.done $0x0  }
0x162: {  	[sflag:s31] =	ssyncadd.s32 $0xFFFFFF80  }
0x163: {  	[spmem:s1] =	stream.indirect.scatter.add.f32 [tilespmem:s24], [sflag:$0x6], $0x80, s26, s0, $0xb8;
	[tilespmem:$0x1C100] =	vst v63  }
0x164: {  	p4 =	sgt.u32 s17, $0x1367;
	_ =	swait.ge [sflag:s5], $0x4000  }
0x165: {  	s19 =	simm.s32 @!p4 $0x14000;
	s4 =	simm.s32 @!p4 $0x0;
	[sflag:s5] =	ssyncset.done $0x0  }
0x166: {  	s3 =	sadd.s32 @!p4 s3, s13;
	s21 =	simm.s32 @!p4 $0x1C000;
	[sflag:s5] =	ssyncadd.s32 $0xFFFFC000  }
0x167: {  	[tilespmem:s19], [sflag:$0x1] =	stream.linear.gather @!p4 [hbm4b:s7+s4], $0x4000, $0x38;
	[tilespmem:$0x1C100] =	vst v63  }
0x168: {  	s19 =	sadd.s32 @!p4 $0x200, s3;
	s3 =	smov.u32 s20  }
0x169: {  	[tilespmem:s21], [sflag:$0x3] =	stream.linear.gather @!p4 [hbm4b:s19+s4], $0x80, $0x38;
	[tilespmem:$0x1C100] =	vst v63  }
0x16a: {  	_ =	swait.ge [sflag:s15], $0x4000  }
0x16b: {  	[sflag:s15] =	ssyncset.done $0x0  }
0x16c: {  	[sflag:s15] =	ssyncadd.s32 $0xFFFFC000  }
.Ltmp8:
0x16d: {  	_ =	swait.ge [sflag:s12], $0x80;
	(pc) =	sbr.rel @p3 .LBB2_6-.Ltmp8, $4  }
0x16e: {  	[sflag:s12] =	ssyncset.done $0x0  }
0x16f: {  	[sflag:s12] =	ssyncadd.s32 $0xFFFFFF80  }
0x170: {  	[spmem:s1] =	stream.indirect.scatter.add.f32 [tilespmem:s28], [sflag:$0x5], $0x80, s29, s0, $0xb8;
	[tilespmem:$0x1C100] =	vst v63  }
0x171: {  	s17 =	sadd.s32 $0x20, s17;
	s7 =	sadd.s32 $0x10000, s7;
	_ =	swait.ge [sflag:s25], $0x4000  }
0x172: {  	[sflag:s25] =	ssyncset.done $0x0  }
0x173: {  	s4 =	sadd.s32 $0xFFFF8000, s7;
	s18 =	sadd.s32 s3, s13;
	[sflag:s25] =	ssyncadd.s32 $0xFFFFC000  }
0x174: {  	[tilespmem:s28], [sflag:$0x2] =	stream.linear.gather [hbm4b:s4+s2], $0x4000, $0x38;
	[tilespmem:$0x1C100] =	vst v63  }
0x175: {  	s21 =	sadd.s32 $0x100, s18  }
0x176: {  	[tilespmem:s29], [sflag:$0x4] =	stream.linear.gather [hbm4b:s21+s2], $0x80, $0x38;
	[tilespmem:$0x1C100] =	vst v63  }
0x177: {  	_ =	swait.ge [sflag:s30], $0x4000  }
0x178: {  	[sflag:s30] =	ssyncset.done $0x0  }
0x179: {  	[sflag:s30] =	ssyncadd.s32 $0xFFFFC000  }
0x17a: {  	_ =	swait.ge [sflag:s31], $0x80  }
0x17b: {  	[sflag:s31] =	ssyncset.done $0x0  }
0x17c: {  	[sflag:s31] =	ssyncadd.s32 $0xFFFFFF80  }
0x17d: {  	[spmem:s1] =	stream.indirect.scatter.add.f32 [tilespmem:s24], [sflag:$0x6], $0x80, s26, s0, $0xb8;
	[tilespmem:$0x1C100] =	vst v63  }
0x17e: {  	p3 =	sgt.u32 s17, $0x1367;
	_ =	swait.ge [sflag:s5], $0x4000  }
0x17f: {  	s17 =	simm.s32 @!p3 $0x14000;
	[sflag:s5] =	ssyncset.done $0x0  }
0x180: {  	s3 =	sadd.s32 @!p3 s3, s13;
	s4 =	simm.s32 @!p3 $0x0;
	[sflag:s5] =	ssyncadd.s32 $0xFFFFC000  }
0x181: {  	[tilespmem:s17], [sflag:$0x1] =	stream.linear.gather @!p3 [hbm4b:s7+s4], $0x4000, $0x38;
	[tilespmem:$0x1C100] =	vst v63  }
0x182: {  	s3 =	sadd.s32 @!p3 $0x200, s3;
	s7 =	simm.s32 @!p3 $0x1C000  }
0x183: {  	[tilespmem:s7], [sflag:$0x3] =	stream.linear.gather @!p3 [hbm4b:s3+s4], $0x80, $0x38;
	[tilespmem:$0x1C100] =	vst v63  }
0x184: {  	_ =	swait.ge [sflag:s15], $0x4000  }
0x185: {  	[sflag:s15] =	ssyncset.done $0x0  }
0x186: {  	[sflag:s15] =	ssyncadd.s32 $0xFFFFC000  }
0x187: {  	_ =	swait.ge [sflag:s12], $0x80  }
0x188: {  	[sflag:s12] =	ssyncset.done $0x0  }
0x189: {  	[sflag:s12] =	ssyncadd.s32 $0xFFFFFF80  }
0x18a: {  	[spmem:s1] =	stream.indirect.scatter.add.f32 [tilespmem:s28], [sflag:$0x5], $0x80, s29, s0, $0xb8;
	[tilespmem:$0x1C100] =	vst v63  }
0x18b: {  	_ =	swait.ge [sflag:s25], $0x4000  }
.Ltmp9:
0x18c: {  	s19 =	rddreg [dreg:$0x10];
	(pc) =	sbr.rel @p2 .LBB2_9-.Ltmp9, $4  }
.Ltmp10:
0x18d: {  	s18 =	rddreg [dreg:$0x11];
	(pc) =	sbr.rel @!p2 .LBB2_8-.Ltmp10, $4  }
0x18e: {  	s17 =	rddreg [dreg:$0x12]  }
0x18f: {  	[sflag:s25] =	ssyncset.done $0x0;
	s7 =	rddreg [dreg:$0x13]  }
0x190: {  	s3 =	rddreg [dreg:$0x14];
	[sflag:s25] =	ssyncadd.s32 $0xFFFFC000  }
0x191: {  	_ = 	snop  }
.LBB2_13:
0x192: {  	s3 =	sadd.s32 $0x1, s22  }
0x193: {  	p4 =	sgt.u32 s3, $0x1387  }
0x194: {  	s18 =	rddreg [dreg:$0x1b];
	p3 =	por p4, p4  }
0x195: {  	s3 =	simm.s32 @!p4 $0x0;
	s4 =	simm.s32 @!p4 $0x1C000;
	s7 =	simm.s32 @!p3 $0x6  }
0x196: {  	[tilespmem:s4], [sflag:$0x6] =	stream.linear.gather @!p3 [hbm4b:s18+s3], $0x80, $0x38;
	[tilespmem:$0x1C100] =	vst v63  }
0x197: {  	s21 =	sadd.s32 $0x21, s22;
	_ =	swait.ge @!p3 [sflag:s7], $0x80  }
0x198: {  	p4 =	sgt.u32 s21, $0x1387;
	s3 =	simm.s32 @!p3 $0x80;
	[sflag:s7] =	ssyncset.done @!p3 $0x0  }
0x199: {  	s17 =	simm.s32 @!p3 $0x5;
	[sflag:s7] =	ssyncadd.s32 @!p3 $0xFFFFFF80;
	s7 =	simm.s32 @!p3 $0x14000  }
0x19a: {  	[spmem:s1] =	stream.indirect.scatter.add.f32 @!p3 [tilespmem:s7], [sflag:$0x5], $0x80, s4, s3, $0xb8;
	[tilespmem:$0x1C100] =	vst v63  }
0x19b: {  	s7 =	simm.s32 $0x41;
	s3 =	sadd.s32 $0x200, s18;
	_ =	swait.ge @!p3 [sflag:s17], $0x4000  }
.LBB2_14:
0x19c: {  	s4 =	simm.s32 @!p4 $0x0  }
0x19d: {  	s18 =	simm.s32 @!p4 $0x1C000;
	[sflag:s17] =	ssyncset.done @!p3 $0x0;
	s19 =	smov.u32 s7  }
0x19e: {  	p5 =	por p3, p3;
	p3 =	por p4, p4;
	s7 =	sadd.s32 $0x20, s7  }
0x19f: {  	s20 =	simm.s32 @!p3 $0x6;
	[sflag:s17] =	ssyncadd.s32 @!p5 $0xFFFFC000;
	p5 =	sne.s32 s7, $0x13A1  }
0x1a0: {  	[tilespmem:s18], [sflag:$0x6] =	stream.linear.gather @!p3 [hbm4b:s3+s4], $0x80, $0x38;
	[tilespmem:$0x1C100] =	vst v63  }
.Ltmp11:
0x1a1: {  	_ =	swait.ge @!p3 [sflag:s20], $0x80;
	(pc) =	sbr.rel @p5 .LBB2_14-.Ltmp11, $4  }
0x1a2: {  	s17 =	simm.s32 @!p3 $0x5;
	s4 =	sadd.s32 s19, s22;
	[sflag:s20] =	ssyncset.done @!p3 $0x0  }
0x1a3: {  	s19 =	simm.s32 @!p3 $0x80;
	[sflag:s20] =	ssyncadd.s32 @!p3 $0xFFFFFF80;
	s20 =	simm.s32 @!p3 $0x14000  }
0x1a4: {  	[spmem:s1] =	stream.indirect.scatter.add.f32 @!p3 [tilespmem:s20], [sflag:$0x5], $0x80, s18, s19, $0xb8;
	[tilespmem:$0x1C100] =	vst v63  }
0x1a5: {  	s3 =	sadd.s32 $0x200, s3;
	p4 =	sgt.u32 s4, $0x1387;
	_ =	swait.ge @!p3 [sflag:s17], $0x4000  }
.Ltmp12:
0x1a6: {  	_ = 	snop;
	(pc) =	sbr.rel .LBB2_15-.Ltmp12, $1  }
0x1a7: {  	_ =	sdelay $0x3  }
.LBB2_17:
0x1a8: {  	_ =	sfence.sel $0x180000  }
0x1a9: {  	[bflag:$0x0] =	sbarrier.arrive $0xFFFF  }
0x1aa: {  	_ =	strace $0x90000047  }
0x1ab: {  	s0 =	stileid.u32;
	[bflag:$0x2] =	sbarrier.arrive $0xFFFF  }
0x1ac: {  	p0 =	sne.s32 s0, $0x0;
	s0 =	rddreg [dreg:$0x4]  }
0x1ad: {  	s0 =	sadd.s32 @!p0 $0x100000, s0  }
0x1ae: {  	[sflag:s0] =	ssyncadd.tile.s32 @!p0 $0x1;
	_ =	shalt  }
.Lfunc_end2:
_tile_overlayer_lowered:
.L_overlay_start_2:
0x1af: {  	(tag) =	ssettag $0x2  }
0x1b0: {  	s0 =	rddreg [dreg:$0x0];
	s2 =	stileid.u32  }
0x1b1: {  	s1 =	rddreg [dreg:$0x1];
	p0 =	sne.s32 s2, $0x0  }
0x1b2: {  	s3 =	rddreg [dreg:$0x2];
	[bflag:$0x3] =	sbarrier.arrive $0xFFFF;
	s2 =	simm.s32 @!p0 $0x1C05  }
0x1b3: {  	[timem:s3], [sflag:s2] =	dma.local @!p0 [hbm:s0], s1  }
0x1b4: {  	s0 =	simm.s32 @!p0 $0x5  }
0x1b5: {  	_ =	swait.ge @!p0 [sflag:s0], s1  }
0x1b6: {  	s1 =	ssub.s32 @!p0 $0x0, s1;
	[sflag:s0] =	ssyncset.done @!p0 $0x0  }
0x1b7: {  	[sflag:s0] =	ssyncadd.s32 @!p0 s1  }
0x1b8: {  	[bflag:$0x3] =	sbarrier.arrive $0xFFFF  }
0x1b9: {  	_ =	shalt  }

</sc_bundles>
